<compile_context>
chip_gen: v7x
topology: tpu7x:2x2x1
jax: 0.10.2.dev20260603
libtpu: 0.0.44.dev20260713+nightly
codegen_flags: <defaults>
</compile_context>

<pallas_src>
import functools

import jax
import jax.numpy as jnp
from jax import lax
from jax.experimental import pallas as pl
from jax.experimental.pallas import tpu as pltpu
from jax.experimental.pallas import tpu_sc as plsc

N = 10000
D_IN = 256
H1 = 256
H2 = 256
C = 128

E = 320000
CHUNK = 128
NTILES = 32
CH_PER_TILE = 8 * (-(-E // (CHUNK * NTILES * 8)))
NCHUNKS = CH_PER_TILE * NTILES
EPAD = NCHUNKS * CHUNK
PIECE = 40
NP_FAST = 2
NP_SLOW = 2
FAST_CHUNKS = 16 * NP_FAST * PIECE
assert 16 * (NP_FAST + NP_SLOW) * PIECE == NCHUNKS
NPAD = 10112
ROWS_PER_TILE = NPAD // 16
DEG_W = C

BLK = 1000
NBLK = N // BLK

_mesh = plsc.VectorSubcoreMesh(core_axis_name="c", subcore_axis_name="s")



def _splat(buf, value):
    vec = jnp.full((16,), value, jnp.float32)

    def row(i, carry):
        for k in range(8):
            buf[i, pl.ds(k * 16, 16)] = vec
        return carry

    lax.fori_loop(0, CHUNK, row, 0)


def _init_acc(buf, acc, rbase):
    nfull = ROWS_PER_TILE // CHUNK
    rem = ROWS_PER_TILE - nfull * CHUNK
    for k in range(nfull):
        pltpu.sync_copy(buf, acc.at[pl.ds(rbase + k * CHUNK, CHUNK)])
    pltpu.sync_copy(buf.at[pl.ds(0, rem)],
                    acc.at[pl.ds(rbase + nfull * CHUNK, rem)])


@functools.partial(
    pl.kernel,
    mesh=_mesh,
    out_type=jax.ShapeDtypeStruct((2, NPAD, DEG_W), jnp.float32),
    scratch_types=[
        pltpu.VMEM((CH_PER_TILE, CHUNK), jnp.int32),
        pltpu.VMEM((CHUNK, DEG_W), jnp.float32),
        pltpu.VMEM((CHUNK, DEG_W), jnp.float32),
    ]
    + [pltpu.VMEM_SHARED((NPAD, DEG_W), jnp.float32)],
)
def _sc_degree(dst_hbm, out_hbm, dst_buf, ones_buf, zbuf, acc):
    c = lax.axis_index("c")
    s = lax.axis_index("s")
    rbase = s * ROWS_PER_TILE
    _splat(zbuf, 0.0)
    _splat(ones_buf, 1.0)
    _init_acc(zbuf, acc, rbase)
    cbase = (c * 16 + s) * CH_PER_TILE
    pltpu.sync_copy(dst_hbm.at[pl.ds(cbase, CH_PER_TILE)], dst_buf)
    plsc.subcore_barrier()

    def body(j, carry):
        pltpu.sync_copy(ones_buf, acc.at[dst_buf.at[j]], add=True)
        return carry

    lax.fori_loop(0, CH_PER_TILE, body, 0)
    plsc.subcore_barrier()
    pltpu.sync_copy(acc.at[pl.ds(rbase, ROWS_PER_TILE)],
                    out_hbm.at[c].at[pl.ds(rbase, ROWS_PER_TILE)])


@functools.partial(
    pl.kernel,
    mesh=_mesh,
    out_type=jax.ShapeDtypeStruct((2, NPAD, C), jnp.float32),
    scratch_types=[
        pltpu.VMEM((PIECE, CHUNK), jnp.int32),
        pltpu.VMEM((PIECE, CHUNK), jnp.int32),
    ]
    + [pltpu.VMEM((CHUNK, C), jnp.float32) for _ in range(2)]
    + [pltpu.VMEM_SHARED((NPAD, C), jnp.float32)]
    + [pltpu.SemaphoreType.DMA for _ in range(2)],
)
def _sc_edge_scatter(hs_hbm, src_hbm, dst_hbm, out_hbm,
                     src_buf, dst_buf, rb0, rb1, acc, g0, g1):
    NBUF = 2
    NGRP = PIECE // NBUF
    rbufs = (rb0, rb1)
    gsems = (g0, g1)
    c = lax.axis_index("c")
    s = lax.axis_index("s")
    rbase = s * ROWS_PER_TILE
    _splat(rb0, 0.0)
    _init_acc(rb0, acc, rbase)
    plsc.subcore_barrier()
    npieces = jnp.where(c == 0, NP_FAST, NP_SLOW)
    tbase = jnp.where(c == 0, s * NP_FAST * PIECE,
                      FAST_CHUNKS + s * NP_SLOW * PIECE)

    def piece(p, carry):
        pbase = tbase + p * PIECE
        pltpu.sync_copy(src_hbm.at[pl.ds(pbase, PIECE)], src_buf)
        pltpu.sync_copy(dst_hbm.at[pl.ds(pbase, PIECE)], dst_buf)
        for b in range(NBUF):
            pltpu.async_copy(hs_hbm.at[src_buf.at[b]], rbufs[b], gsems[b])

        def group(g, carry2):
            for b in range(NBUF):
                j = g * NBUF + b
                pltpu.make_async_copy(hs_hbm.at[src_buf.at[j]],
                                      rbufs[b], gsems[b]).wait()
                pltpu.sync_copy(rbufs[b], acc.at[dst_buf.at[j]], add=True)
                pltpu.async_copy(
                    hs_hbm.at[src_buf.at[lax.rem(j + NBUF, PIECE)]],
                    rbufs[b], gsems[b])
            return carry2

        lax.fori_loop(0, NGRP, group, 0)
        for b in range(NBUF):
            pltpu.make_async_copy(hs_hbm.at[src_buf.at[b]],
                                  rbufs[b], gsems[b]).wait()
        return carry

    lax.fori_loop(0, npieces, piece, 0)
    plsc.subcore_barrier()
    pltpu.sync_copy(acc.at[pl.ds(rbase, ROWS_PER_TILE)],
                    out_hbm.at[c].at[pl.ds(rbase, ROWS_PER_TILE)])



def _dis_from(degp_ref):
    deg = degp_ref[0, :, :1] + degp_ref[1, :, :1] + 1.0
    return lax.rsqrt(deg)


def _leaky(v):
    return jnp.where(v > 0, v, 0.01 * v)


def _tc_mlp_pre_body(x_ref, w1_ref, b1_ref, w2_ref, b2_ref, h2_ref):
    h = _leaky(jnp.dot(x_ref[...], w1_ref[...],
                       preferred_element_type=jnp.float32) + b1_ref[...])
    h2_ref[...] = _leaky(jnp.dot(h, w2_ref[...],
                                 preferred_element_type=jnp.float32)
                         + b2_ref[...])


def _tc_mlp_post_body(h2_ref, wc1_ref, bc1_ref, degp_ref, hs_ref):
    ht = jnp.dot(h2_ref[...], wc1_ref[...],
                 preferred_element_type=jnp.float32) + bc1_ref[...]
    hs_ref[...] = ht * _dis_from(degp_ref)


def _tc_mid_body(p_ref, hs1_ref, degp_ref, wc2_ref, bc2_ref, hs2_ref):
    dis = _dis_from(degp_ref)
    c1 = _leaky(dis * (p_ref[0] + p_ref[1] + hs1_ref[...]))
    nrm = jnp.sqrt(jnp.sum(c1 * c1, axis=1, keepdims=True))
    hn = c1 / nrm
    ht2 = jnp.dot(hn, wc2_ref[...],
                  preferred_element_type=jnp.float32) + bc2_ref[...]
    hs2_ref[...] = ht2 * dis


def _tc_final_body(q_ref, hs2_ref, degp_ref, out_ref):
    dis = _dis_from(degp_ref)
    out_ref[...] = _leaky(dis * (q_ref[0] + q_ref[1] + hs2_ref[...]))


def _full(shape):
    return pl.BlockSpec(shape, lambda i: (0,) * len(shape))


_row_spec = lambda w: pl.BlockSpec((BLK, w), lambda i: (i, 0))
_part_spec = lambda w: pl.BlockSpec((2, BLK, w), lambda i: (0, i, 0))

_tc_mlp_pre = pl.pallas_call(
    _tc_mlp_pre_body,
    grid=(NBLK,),
    in_specs=[
        _row_spec(D_IN), _full((D_IN, H1)), _full((1, H1)),
        _full((H1, H2)), _full((1, H2)),
    ],
    out_specs=_row_spec(H2),
    out_shape=jax.ShapeDtypeStruct((N, H2), jnp.float32),
)

_tc_mlp_post = pl.pallas_call(
    _tc_mlp_post_body,
    grid=(NBLK,),
    in_specs=[
        _row_spec(H2), _full((H2, C)), _full((1, C)), _part_spec(DEG_W),
    ],
    out_specs=_row_spec(C),
    out_shape=jax.ShapeDtypeStruct((N, C), jnp.float32),
)

_tc_mid = pl.pallas_call(
    _tc_mid_body,
    grid=(NBLK,),
    in_specs=[
        _part_spec(C), _row_spec(C), _part_spec(DEG_W),
        _full((C, C)), _full((1, C)),
    ],
    out_specs=_row_spec(C),
    out_shape=jax.ShapeDtypeStruct((N, C), jnp.float32),
)

_tc_final = pl.pallas_call(
    _tc_final_body,
    grid=(NBLK,),
    in_specs=[_part_spec(C), _row_spec(C), _part_spec(DEG_W)],
    out_specs=_row_spec(C),
    out_shape=jax.ShapeDtypeStruct((N, C), jnp.float32),
)



def kernel(x, edge_index, previous_embeddings_0, previous_embeddings_1,
           W1, b1, W2, b2, Wc1, bc1, Wc2, bc2):
    del previous_embeddings_0, previous_embeddings_1
    src = edge_index[0]
    dst = edge_index[1]
    pad_src = (jnp.arange(EPAD - E, dtype=jnp.int32) * 7) % N
    src_p = jnp.concatenate([src, pad_src]).reshape(NCHUNKS, CHUNK)
    dst_p = jnp.concatenate(
        [dst, jnp.full((EPAD - E,), N, jnp.int32)]).reshape(NCHUNKS, CHUNK)

    degp = _sc_degree(dst_p)
    h2 = _tc_mlp_pre(x, W1, b1.reshape(1, -1), W2, b2.reshape(1, -1))
    hs1 = _tc_mlp_post(h2, Wc1, bc1.reshape(1, -1), degp)
    p1 = _sc_edge_scatter(hs1, src_p, dst_p)
    hs2 = _tc_mid(p1, hs1, degp, Wc2, bc2.reshape(1, -1))
    p2 = _sc_edge_scatter(hs2, src_p, dst_p)
    return _tc_final(p2, hs2, degp)

# --- scband reference (transcript-rebuilt; emitter-appended) ---
"""Pipeline reference for scband-rolandgnn-75651553951753 (READ-ONLY COPY).

The authoritative reference and input builder live on the scoring server;
editing this copy changes nothing except your own understanding.
"""

import jax, jax.numpy as jnp
import numpy as np

N = 10000
E = 320000
D_IN = 256
H1 = 256
H2 = 256
C1 = 128
C2 = 128


def setup_inputs(seed: int = 0) -> dict:
    key = jax.random.key(seed)
    ks = jax.random.split(key, 12)
    x = jax.random.normal(ks[0], (N, D_IN), dtype=jnp.float32)
    edge_index = jax.random.randint(ks[1], (2, E), 0, N, dtype=jnp.int32)
    prev0 = jax.random.normal(ks[2], (N, C1), dtype=jnp.float32)
    prev1 = jax.random.normal(ks[3], (N, C2), dtype=jnp.float32)
    # learned parameters (Linear preprocess1/preprocess2, GCNConv conv1/conv2)
    W1 = jax.random.normal(ks[4], (D_IN, H1), dtype=jnp.float32) * (1.0 / np.sqrt(D_IN))
    b1 = jnp.zeros((H1,), dtype=jnp.float32)
    W2 = jax.random.normal(ks[5], (H1, H2), dtype=jnp.float32) * (1.0 / np.sqrt(H1))
    b2 = jnp.zeros((H2,), dtype=jnp.float32)
    Wc1 = jax.random.normal(ks[6], (H2, C1), dtype=jnp.float32) * (1.0 / np.sqrt(H2))
    bc1 = jnp.zeros((C1,), dtype=jnp.float32)
    Wc2 = jax.random.normal(ks[7], (C1, C2), dtype=jnp.float32) * (1.0 / np.sqrt(C1))
    bc2 = jnp.zeros((C2,), dtype=jnp.float32)
    return {
        "x": x,
        "edge_index": edge_index,
        "previous_embeddings_0": prev0,
        "previous_embeddings_1": prev1,
        "W1": W1, "b1": b1, "W2": W2, "b2": b2,
        "Wc1": Wc1, "bc1": bc1, "Wc2": Wc2, "bc2": bc2,
    }


def _leaky_relu(v):
    return jnp.where(v > 0, v, 0.01 * v)


def _gcn_conv(h, edge_index, W, b, num_nodes):
    # PyG GCNConv: x' = D^{-1/2}(A+I)D^{-1/2} (x W) + (implicit bias)
    h = h @ W + b
    loop = jnp.arange(num_nodes, dtype=edge_index.dtype)
    src = jnp.concatenate([edge_index[0], loop])
    dst = jnp.concatenate([edge_index[1], loop])
    deg = jax.ops.segment_sum(jnp.ones_like(dst, dtype=jnp.float32), dst, num_segments=num_nodes)
    dis = jnp.where(deg > 0, jax.lax.rsqrt(deg), 0.0)
    norm = dis[src] * dis[dst]
    msgs = h[src] * norm[:, None]
    return jax.ops.segment_sum(msgs, dst, num_segments=num_nodes)


def reference(x, edge_index, previous_embeddings_0, previous_embeddings_1,
              W1, b1, W2, b2, Wc1, bc1, Wc2, bc2):
    tau = 0.0  # update='moving', tau initialized to 0; dropout p=0.0 -> identity
    h = _leaky_relu(x @ W1 + b1)
    h = _leaky_relu(h @ W2 + b2)
    h = _leaky_relu(_gcn_conv(h, edge_index, Wc1, bc1, N))
    # moving-average embedding update (layer 1)
    h = tau * previous_embeddings_0 + (1.0 - tau) * h
    h = h / jnp.linalg.norm(h, ord=2, axis=1, keepdims=True)
    h = _leaky_relu(_gcn_conv(h, edge_index, Wc2, bc2, N))
    # moving-average embedding update (layer 2)
    h = tau * previous_embeddings_1 + (1.0 - tau) * h
    return h

if __name__ == "__main__":
    import jax
    _d = setup_inputs()
    print(jax.jit(kernel)(*tuple(_d.values())))

</pallas_src>

<mosaic_0001>
#map = affine_map<(d0, d1) -> (0, 0)>
#map1 = affine_map<(d0, d1) -> (0, 0, 0)>
module attributes {stable_mosaic.version = 14 : i64} {
  func.func @_sc_degree(%arg0: i32, %arg1: i32, %arg2: memref<2560x128xi32, #tpu.memory_space<hbm>>, %arg3: memref<2x10112x128xf32, #tpu.memory_space<hbm>>, %arg4: memref<80x128xi32, #tpu.memory_space<vmem>>, %arg5: memref<128x128xf32, #tpu.memory_space<vmem>>, %arg6: memref<128x128xf32, #tpu.memory_space<vmem>>, %arg7: memref<10112x128xf32, #tpu.memory_space<vmem_shared>>) attributes {dimension_semantics = [#tpu.dimension_semantics<core_parallel>, #tpu.dimension_semantics<subcore_parallel>], iteration_bounds = array<i64: 2, 16>, scalar_prefetch = 0 : i64, scratch_operands = 4 : i64, tpu.core_type = #tpu.core_type<sc_vector_subcore>, window_params = [{transform_indices = #map}, {transform_indices = #map1}]} {
    %mul3A = arith.constant 632 : i32
    %mul3A_0 = arith.muli %arg1, %mul3A : i32
    %broadcast_in_dim3A = arith.constant 0.000000e+00 : f32
    %broadcast_in_dim3A_1 = vector.broadcast %broadcast_in_dim3A : f32 to vector<16xf32>
    %scan3A = arith.constant 0 : i32
    %scan3A_2 = arith.constant 0 : i32
    %scan3A_3 = arith.constant 128 : i32
    %scan3A_4 = arith.addi %scan3A_2, %scan3A_3 : i32
    %scan3A_5 = arith.constant 1 : i32
    scf.for %scan3A_36 = %scan3A_2 to %scan3A_4 step %scan3A_5  : i32 {
      %swap3A = arith.index_cast %scan3A_36 : i32 to index
      %swap3A_37 = arith.constant 0 : index
      %swap3A_38 = tpu.vector_load %arg6[%swap3A, %swap3A_37] {strides = array<i32>} : memref<128x128xf32, #tpu.memory_space<vmem>>, vector<1x16xf32>,
      %swap3A_39 = vector.shape_cast %swap3A_38 : vector<1x16xf32> to vector<16xf32>
      %swap3A_40 = vector.shape_cast %broadcast_in_dim3A_1 : vector<16xf32> to vector<1x16xf32>
      tpu.vector_store %arg6[%swap3A, %swap3A_37], %swap3A_40 {strides = array<i32>} : memref<128x128xf32, #tpu.memory_space<vmem>>, vector<1x16xf32>,
      %swap3A_41 = arith.index_cast %scan3A_36 : i32 to index
      %swap3A_42 = arith.constant 16 : index
      %swap3A_43 = tpu.vector_load %arg6[%swap3A_41, %swap3A_42] {strides = array<i32>} : memref<128x128xf32, #tpu.memory_space<vmem>>, vector<1x16xf32>,
      %swap3A_44 = vector.shape_cast %swap3A_43 : vector<1x16xf32> to vector<16xf32>
      %swap3A_45 = vector.shape_cast %broadcast_in_dim3A_1 : vector<16xf32> to vector<1x16xf32>
      tpu.vector_store %arg6[%swap3A_41, %swap3A_42], %swap3A_45 {strides = array<i32>} : memref<128x128xf32, #tpu.memory_space<vmem>>, vector<1x16xf32>,
      %swap3A_46 = arith.index_cast %scan3A_36 : i32 to index
      %swap3A_47 = arith.constant 32 : index
      %swap3A_48 = tpu.vector_load %arg6[%swap3A_46, %swap3A_47] {strides = array<i32>} : memref<128x128xf32, #tpu.memory_space<vmem>>, vector<1x16xf32>,
      %swap3A_49 = vector.shape_cast %swap3A_48 : vector<1x16xf32> to vector<16xf32>
      %swap3A_50 = vector.shape_cast %broadcast_in_dim3A_1 : vector<16xf32> to vector<1x16xf32>
      tpu.vector_store %arg6[%swap3A_46, %swap3A_47], %swap3A_50 {strides = array<i32>} : memref<128x128xf32, #tpu.memory_space<vmem>>, vector<1x16xf32>,
      %swap3A_51 = arith.index_cast %scan3A_36 : i32 to index
      %swap3A_52 = arith.constant 48 : index
      %swap3A_53 = tpu.vector_load %arg6[%swap3A_51, %swap3A_52] {strides = array<i32>} : memref<128x128xf32, #tpu.memory_space<vmem>>, vector<1x16xf32>,
      %swap3A_54 = vector.shape_cast %swap3A_53 : vector<1x16xf32> to vector<16xf32>
      %swap3A_55 = vector.shape_cast %broadcast_in_dim3A_1 : vector<16xf32> to vector<1x16xf32>
      tpu.vector_store %arg6[%swap3A_51, %swap3A_52], %swap3A_55 {strides = array<i32>} : memref<128x128xf32, #tpu.memory_space<vmem>>, vector<1x16xf32>,
      %swap3A_56 = arith.index_cast %scan3A_36 : i32 to index
      %swap3A_57 = arith.constant 64 : index
      %swap3A_58 = tpu.vector_load %arg6[%swap3A_56, %swap3A_57] {strides = array<i32>} : memref<128x128xf32, #tpu.memory_space<vmem>>, vector<1x16xf32>,
      %swap3A_59 = vector.shape_cast %swap3A_58 : vector<1x16xf32> to vector<16xf32>
      %swap3A_60 = vector.shape_cast %broadcast_in_dim3A_1 : vector<16xf32> to vector<1x16xf32>
      tpu.vector_store %arg6[%swap3A_56, %swap3A_57], %swap3A_60 {strides = array<i32>} : memref<128x128xf32, #tpu.memory_space<vmem>>, vector<1x16xf32>,
      %swap3A_61 = arith.index_cast %scan3A_36 : i32 to index
      %swap3A_62 = arith.constant 80 : index
      %swap3A_63 = tpu.vector_load %arg6[%swap3A_61, %swap3A_62] {strides = array<i32>} : memref<128x128xf32, #tpu.memory_space<vmem>>, vector<1x16xf32>,
      %swap3A_64 = vector.shape_cast %swap3A_63 : vector<1x16xf32> to vector<16xf32>
      %swap3A_65 = vector.shape_cast %broadcast_in_dim3A_1 : vector<16xf32> to vector<1x16xf32>
      tpu.vector_store %arg6[%swap3A_61, %swap3A_62], %swap3A_65 {strides = array<i32>} : memref<128x128xf32, #tpu.memory_space<vmem>>, vector<1x16xf32>,
      %swap3A_66 = arith.index_cast %scan3A_36 : i32 to index
      %swap3A_67 = arith.constant 96 : index
      %swap3A_68 = tpu.vector_load %arg6[%swap3A_66, %swap3A_67] {strides = array<i32>} : memref<128x128xf32, #tpu.memory_space<vmem>>, vector<1x16xf32>,
      %swap3A_69 = vector.shape_cast %swap3A_68 : vector<1x16xf32> to vector<16xf32>
      %swap3A_70 = vector.shape_cast %broadcast_in_dim3A_1 : vector<16xf32> to vector<1x16xf32>
      tpu.vector_store %arg6[%swap3A_66, %swap3A_67], %swap3A_70 {strides = array<i32>} : memref<128x128xf32, #tpu.memory_space<vmem>>, vector<1x16xf32>,
      %swap3A_71 = arith.index_cast %scan3A_36 : i32 to index
      %swap3A_72 = arith.constant 112 : index
      %swap3A_73 = tpu.vector_load %arg6[%swap3A_71, %swap3A_72] {strides = array<i32>} : memref<128x128xf32, #tpu.memory_space<vmem>>, vector<1x16xf32>,
      %swap3A_74 = vector.shape_cast %swap3A_73 : vector<1x16xf32> to vector<16xf32>
      %swap3A_75 = vector.shape_cast %broadcast_in_dim3A_1 : vector<16xf32> to vector<1x16xf32>
      tpu.vector_store %arg6[%swap3A_71, %swap3A_72], %swap3A_75 {strides = array<i32>} : memref<128x128xf32, #tpu.memory_space<vmem>>, vector<1x16xf32>,
    }
    %scan3A_6 = arith.constant 128 : i32
    %broadcast_in_dim3A_7 = arith.constant 1.000000e+00 : f32
    %broadcast_in_dim3A_8 = vector.broadcast %broadcast_in_dim3A_7 : f32 to vector<16xf32>
    %scan3A_9 = arith.constant 0 : i32
    %scan3A_10 = arith.constant 0 : i32
    %scan3A_11 = arith.constant 128 : i32
    %scan3A_12 = arith.addi %scan3A_10, %scan3A_11 : i32
    %scan3A_13 = arith.constant 1 : i32
    scf.for %scan3A_36 = %scan3A_10 to %scan3A_12 step %scan3A_13  : i32 {
      %swap3A = arith.index_cast %scan3A_36 : i32 to index
      %swap3A_37 = arith.constant 0 : index
      %swap3A_38 = tpu.vector_load %arg5[%swap3A, %swap3A_37] {strides = array<i32>} : memref<128x128xf32, #tpu.memory_space<vmem>>, vector<1x16xf32>,
      %swap3A_39 = vector.shape_cast %swap3A_38 : vector<1x16xf32> to vector<16xf32>
      %swap3A_40 = vector.shape_cast %broadcast_in_dim3A_8 : vector<16xf32> to vector<1x16xf32>
      tpu.vector_store %arg5[%swap3A, %swap3A_37], %swap3A_40 {strides = array<i32>} : memref<128x128xf32, #tpu.memory_space<vmem>>, vector<1x16xf32>,
      %swap3A_41 = arith.index_cast %scan3A_36 : i32 to index
      %swap3A_42 = arith.constant 16 : index
      %swap3A_43 = tpu.vector_load %arg5[%swap3A_41, %swap3A_42] {strides = array<i32>} : memref<128x128xf32, #tpu.memory_space<vmem>>, vector<1x16xf32>,
      %swap3A_44 = vector.shape_cast %swap3A_43 : vector<1x16xf32> to vector<16xf32>
      %swap3A_45 = vector.shape_cast %broadcast_in_dim3A_8 : vector<16xf32> to vector<1x16xf32>
      tpu.vector_store %arg5[%swap3A_41, %swap3A_42], %swap3A_45 {strides = array<i32>} : memref<128x128xf32, #tpu.memory_space<vmem>>, vector<1x16xf32>,
      %swap3A_46 = arith.index_cast %scan3A_36 : i32 to index
      %swap3A_47 = arith.constant 32 : index
      %swap3A_48 = tpu.vector_load %arg5[%swap3A_46, %swap3A_47] {strides = array<i32>} : memref<128x128xf32, #tpu.memory_space<vmem>>, vector<1x16xf32>,
      %swap3A_49 = vector.shape_cast %swap3A_48 : vector<1x16xf32> to vector<16xf32>
      %swap3A_50 = vector.shape_cast %broadcast_in_dim3A_8 : vector<16xf32> to vector<1x16xf32>
      tpu.vector_store %arg5[%swap3A_46, %swap3A_47], %swap3A_50 {strides = array<i32>} : memref<128x128xf32, #tpu.memory_space<vmem>>, vector<1x16xf32>,
      %swap3A_51 = arith.index_cast %scan3A_36 : i32 to index
      %swap3A_52 = arith.constant 48 : index
      %swap3A_53 = tpu.vector_load %arg5[%swap3A_51, %swap3A_52] {strides = array<i32>} : memref<128x128xf32, #tpu.memory_space<vmem>>, vector<1x16xf32>,
      %swap3A_54 = vector.shape_cast %swap3A_53 : vector<1x16xf32> to vector<16xf32>
      %swap3A_55 = vector.shape_cast %broadcast_in_dim3A_8 : vector<16xf32> to vector<1x16xf32>
      tpu.vector_store %arg5[%swap3A_51, %swap3A_52], %swap3A_55 {strides = array<i32>} : memref<128x128xf32, #tpu.memory_space<vmem>>, vector<1x16xf32>,
      %swap3A_56 = arith.index_cast %scan3A_36 : i32 to index
      %swap3A_57 = arith.constant 64 : index
      %swap3A_58 = tpu.vector_load %arg5[%swap3A_56, %swap3A_57] {strides = array<i32>} : memref<128x128xf32, #tpu.memory_space<vmem>>, vector<1x16xf32>,
      %swap3A_59 = vector.shape_cast %swap3A_58 : vector<1x16xf32> to vector<16xf32>
      %swap3A_60 = vector.shape_cast %broadcast_in_dim3A_8 : vector<16xf32> to vector<1x16xf32>
      tpu.vector_store %arg5[%swap3A_56, %swap3A_57], %swap3A_60 {strides = array<i32>} : memref<128x128xf32, #tpu.memory_space<vmem>>, vector<1x16xf32>,
      %swap3A_61 = arith.index_cast %scan3A_36 : i32 to index
      %swap3A_62 = arith.constant 80 : index
      %swap3A_63 = tpu.vector_load %arg5[%swap3A_61, %swap3A_62] {strides = array<i32>} : memref<128x128xf32, #tpu.memory_space<vmem>>, vector<1x16xf32>,
      %swap3A_64 = vector.shape_cast %swap3A_63 : vector<1x16xf32> to vector<16xf32>
      %swap3A_65 = vector.shape_cast %broadcast_in_dim3A_8 : vector<16xf32> to vector<1x16xf32>
      tpu.vector_store %arg5[%swap3A_61, %swap3A_62], %swap3A_65 {strides = array<i32>} : memref<128x128xf32, #tpu.memory_space<vmem>>, vector<1x16xf32>,
      %swap3A_66 = arith.index_cast %scan3A_36 : i32 to index
      %swap3A_67 = arith.constant 96 : index
      %swap3A_68 = tpu.vector_load %arg5[%swap3A_66, %swap3A_67] {strides = array<i32>} : memref<128x128xf32, #tpu.memory_space<vmem>>, vector<1x16xf32>,
      %swap3A_69 = vector.shape_cast %swap3A_68 : vector<1x16xf32> to vector<16xf32>
      %swap3A_70 = vector.shape_cast %broadcast_in_dim3A_8 : vector<16xf32> to vector<1x16xf32>
      tpu.vector_store %arg5[%swap3A_66, %swap3A_67], %swap3A_70 {strides = array<i32>} : memref<128x128xf32, #tpu.memory_space<vmem>>, vector<1x16xf32>,
      %swap3A_71 = arith.index_cast %scan3A_36 : i32 to index
      %swap3A_72 = arith.constant 112 : index
      %swap3A_73 = tpu.vector_load %arg5[%swap3A_71, %swap3A_72] {strides = array<i32>} : memref<128x128xf32, #tpu.memory_space<vmem>>, vector<1x16xf32>,
      %swap3A_74 = vector.shape_cast %swap3A_73 : vector<1x16xf32> to vector<16xf32>
      %swap3A_75 = vector.shape_cast %broadcast_in_dim3A_8 : vector<16xf32> to vector<1x16xf32>
      tpu.vector_store %arg5[%swap3A_71, %swap3A_72], %swap3A_75 {strides = array<i32>} : memref<128x128xf32, #tpu.memory_space<vmem>>, vector<1x16xf32>,
    }
    %scan3A_14 = arith.constant 128 : i32
    %add3A = arith.constant 0 : i32
    %add3A_15 = arith.addi %mul3A_0, %add3A : i32
    "tpu.region"() ({
      %run_scoped3A = tpu.sem_alloc : memref<!tpu.dma_semaphore, #tpu.memory_space<semaphore_mem>>
      %dma_start3A = arith.constant 0 : i32
      %dma_start3A_36 = tpu.memref_slice %arg7[%add3A_15, %dma_start3A] : memref<10112x128xf32, #tpu.memory_space<vmem_shared>> -> memref<128x128xf32, #tpu.memory_space<vmem_shared>>
      %dma_start3A_37 = arith.constant 0 : i32
      %dma_start3A_38 = tpu.memref_slice %arg7[%add3A_15, %dma_start3A_37] : memref<10112x128xf32, #tpu.memory_space<vmem_shared>> -> memref<128x128xf32, #tpu.memory_space<vmem_shared>>
      tpu.enqueue_dma source(%arg6 : memref<128x128xf32, #tpu.memory_space<vmem>>) target(%dma_start3A_38 : memref<128x128xf32, #tpu.memory_space<vmem_shared>>) target_semaphore(%run_scoped3A : memref<!tpu.dma_semaphore, #tpu.memory_space<semaphore_mem>>)
      %dma_wait3A = arith.constant 0 : i32
      %dma_wait3A_39 = tpu.memref_slice %arg7[%add3A_15, %dma_wait3A] : memref<10112x128xf32, #tpu.memory_space<vmem_shared>> -> memref<128x128xf32, #tpu.memory_space<vmem_shared>>
      %dma_wait3A_40 = arith.constant 0 : i32
      %dma_wait3A_41 = tpu.memref_slice %arg7[%add3A_15, %dma_wait3A_40] : memref<10112x128xf32, #tpu.memory_space<vmem_shared>> -> memref<128x128xf32, #tpu.memory_space<vmem_shared>>
      tpu.wait_dma2 semaphore(%run_scoped3A : memref<!tpu.dma_semaphore, #tpu.memory_space<semaphore_mem>>) src(%arg6 : memref<128x128xf32, #tpu.memory_space<vmem>>) dst(%dma_wait3A_41 : memref<128x128xf32, #tpu.memory_space<vmem_shared>>)
      tpu.yield
    }) : () -> ()
    %add3A_16 = arith.constant 128 : i32
    %add3A_17 = arith.addi %mul3A_0, %add3A_16 : i32
    "tpu.region"() ({
      %run_scoped3A = tpu.sem_alloc : memref<!tpu.dma_semaphore, #tpu.memory_space<semaphore_mem>>
      %dma_start3A = arith.constant 0 : i32
      %dma_start3A_36 = tpu.memref_slice %arg7[%add3A_17, %dma_start3A] : memref<10112x128xf32, #tpu.memory_space<vmem_shared>> -> memref<128x128xf32, #tpu.memory_space<vmem_shared>>
      %dma_start3A_37 = arith.constant 0 : i32
      %dma_start3A_38 = tpu.memref_slice %arg7[%add3A_17, %dma_start3A_37] : memref<10112x128xf32, #tpu.memory_space<vmem_shared>> -> memref<128x128xf32, #tpu.memory_space<vmem_shared>>
      tpu.enqueue_dma source(%arg6 : memref<128x128xf32, #tpu.memory_space<vmem>>) target(%dma_start3A_38 : memref<128x128xf32, #tpu.memory_space<vmem_shared>>) target_semaphore(%run_scoped3A : memref<!tpu.dma_semaphore, #tpu.memory_space<semaphore_mem>>)
      %dma_wait3A = arith.constant 0 : i32
      %dma_wait3A_39 = tpu.memref_slice %arg7[%add3A_17, %dma_wait3A] : memref<10112x128xf32, #tpu.memory_space<vmem_shared>> -> memref<128x128xf32, #tpu.memory_space<vmem_shared>>
      %dma_wait3A_40 = arith.constant 0 : i32
      %dma_wait3A_41 = tpu.memref_slice %arg7[%add3A_17, %dma_wait3A_40] : memref<10112x128xf32, #tpu.memory_space<vmem_shared>> -> memref<128x128xf32, #tpu.memory_space<vmem_shared>>
      tpu.wait_dma2 semaphore(%run_scoped3A : memref<!tpu.dma_semaphore, #tpu.memory_space<semaphore_mem>>) src(%arg6 : memref<128x128xf32, #tpu.memory_space<vmem>>) dst(%dma_wait3A_41 : memref<128x128xf32, #tpu.memory_space<vmem_shared>>)
      tpu.yield
    }) : () -> ()
    %add3A_18 = arith.constant 256 : i32
    %add3A_19 = arith.addi %mul3A_0, %add3A_18 : i32
    "tpu.region"() ({
      %run_scoped3A = tpu.sem_alloc : memref<!tpu.dma_semaphore, #tpu.memory_space<semaphore_mem>>
      %dma_start3A = arith.constant 0 : i32
      %dma_start3A_36 = tpu.memref_slice %arg7[%add3A_19, %dma_start3A] : memref<10112x128xf32, #tpu.memory_space<vmem_shared>> -> memref<128x128xf32, #tpu.memory_space<vmem_shared>>
      %dma_start3A_37 = arith.constant 0 : i32
      %dma_start3A_38 = tpu.memref_slice %arg7[%add3A_19, %dma_start3A_37] : memref<10112x128xf32, #tpu.memory_space<vmem_shared>> -> memref<128x128xf32, #tpu.memory_space<vmem_shared>>
      tpu.enqueue_dma source(%arg6 : memref<128x128xf32, #tpu.memory_space<vmem>>) target(%dma_start3A_38 : memref<128x128xf32, #tpu.memory_space<vmem_shared>>) target_semaphore(%run_scoped3A : memref<!tpu.dma_semaphore, #tpu.memory_space<semaphore_mem>>)
      %dma_wait3A = arith.constant 0 : i32
      %dma_wait3A_39 = tpu.memref_slice %arg7[%add3A_19, %dma_wait3A] : memref<10112x128xf32, #tpu.memory_space<vmem_shared>> -> memref<128x128xf32, #tpu.memory_space<vmem_shared>>
      %dma_wait3A_40 = arith.constant 0 : i32
      %dma_wait3A_41 = tpu.memref_slice %arg7[%add3A_19, %dma_wait3A_40] : memref<10112x128xf32, #tpu.memory_space<vmem_shared>> -> memref<128x128xf32, #tpu.memory_space<vmem_shared>>
      tpu.wait_dma2 semaphore(%run_scoped3A : memref<!tpu.dma_semaphore, #tpu.memory_space<semaphore_mem>>) src(%arg6 : memref<128x128xf32, #tpu.memory_space<vmem>>) dst(%dma_wait3A_41 : memref<128x128xf32, #tpu.memory_space<vmem_shared>>)
      tpu.yield
    }) : () -> ()
    %add3A_20 = arith.constant 384 : i32
    %add3A_21 = arith.addi %mul3A_0, %add3A_20 : i32
    "tpu.region"() ({
      %run_scoped3A = tpu.sem_alloc : memref<!tpu.dma_semaphore, #tpu.memory_space<semaphore_mem>>
      %dma_start3A = arith.constant 0 : i32
      %dma_start3A_36 = tpu.memref_slice %arg7[%add3A_21, %dma_start3A] : memref<10112x128xf32, #tpu.memory_space<vmem_shared>> -> memref<128x128xf32, #tpu.memory_space<vmem_shared>>
      %dma_start3A_37 = arith.constant 0 : i32
      %dma_start3A_38 = tpu.memref_slice %arg7[%add3A_21, %dma_start3A_37] : memref<10112x128xf32, #tpu.memory_space<vmem_shared>> -> memref<128x128xf32, #tpu.memory_space<vmem_shared>>
      tpu.enqueue_dma source(%arg6 : memref<128x128xf32, #tpu.memory_space<vmem>>) target(%dma_start3A_38 : memref<128x128xf32, #tpu.memory_space<vmem_shared>>) target_semaphore(%run_scoped3A : memref<!tpu.dma_semaphore, #tpu.memory_space<semaphore_mem>>)
      %dma_wait3A = arith.constant 0 : i32
      %dma_wait3A_39 = tpu.memref_slice %arg7[%add3A_21, %dma_wait3A] : memref<10112x128xf32, #tpu.memory_space<vmem_shared>> -> memref<128x128xf32, #tpu.memory_space<vmem_shared>>
      %dma_wait3A_40 = arith.constant 0 : i32
      %dma_wait3A_41 = tpu.memref_slice %arg7[%add3A_21, %dma_wait3A_40] : memref<10112x128xf32, #tpu.memory_space<vmem_shared>> -> memref<128x128xf32, #tpu.memory_space<vmem_shared>>
      tpu.wait_dma2 semaphore(%run_scoped3A : memref<!tpu.dma_semaphore, #tpu.memory_space<semaphore_mem>>) src(%arg6 : memref<128x128xf32, #tpu.memory_space<vmem>>) dst(%dma_wait3A_41 : memref<128x128xf32, #tpu.memory_space<vmem_shared>>)
      tpu.yield
    }) : () -> ()
    %add3A_22 = arith.constant 512 : i32
    %add3A_23 = arith.addi %mul3A_0, %add3A_22 : i32
    "tpu.region"() ({
      %run_scoped3A = tpu.sem_alloc : memref<!tpu.dma_semaphore, #tpu.memory_space<semaphore_mem>>
      %dma_start3A = arith.constant 0 : i32
      %dma_start3A_36 = arith.constant 0 : i32
      %dma_start3A_37 = tpu.memref_slice %arg6[%dma_start3A, %dma_start3A_36] : memref<128x128xf32, #tpu.memory_space<vmem>> -> memref<120x128xf32, #tpu.memory_space<vmem>>
      %dma_start3A_38 = arith.constant 0 : i32
      %dma_start3A_39 = tpu.memref_slice %arg7[%add3A_23, %dma_start3A_38] : memref<10112x128xf32, #tpu.memory_space<vmem_shared>> -> memref<120x128xf32, #tpu.memory_space<vmem_shared>>
      %dma_start3A_40 = arith.constant 0 : i32
      %dma_start3A_41 = tpu.memref_slice %arg7[%add3A_23, %dma_start3A_40] : memref<10112x128xf32, #tpu.memory_space<vmem_shared>> -> memref<120x128xf32, #tpu.memory_space<vmem_shared>>
      %dma_start3A_42 = arith.constant 0 : i32
      %dma_start3A_43 = arith.constant 0 : i32
      %dma_start3A_44 = tpu.memref_slice %arg6[%dma_start3A_42, %dma_start3A_43] : memref<128x128xf32, #tpu.memory_space<vmem>> -> memref<120x128xf32, #tpu.memory_space<vmem>>
      tpu.enqueue_dma source(%dma_start3A_44 : memref<120x128xf32, #tpu.memory_space<vmem>>) target(%dma_start3A_41 : memref<120x128xf32, #tpu.memory_space<vmem_shared>>) target_semaphore(%run_scoped3A : memref<!tpu.dma_semaphore, #tpu.memory_space<semaphore_mem>>)
      %dma_wait3A = arith.constant 0 : i32
      %dma_wait3A_45 = arith.constant 0 : i32
      %dma_wait3A_46 = tpu.memref_slice %arg6[%dma_wait3A, %dma_wait3A_45] : memref<128x128xf32, #tpu.memory_space<vmem>> -> memref<120x128xf32, #tpu.memory_space<vmem>>
      %dma_wait3A_47 = arith.constant 0 : i32
      %dma_wait3A_48 = tpu.memref_slice %arg7[%add3A_23, %dma_wait3A_47] : memref<10112x128xf32, #tpu.memory_space<vmem_shared>> -> memref<120x128xf32, #tpu.memory_space<vmem_shared>>
      %dma_wait3A_49 = arith.constant 0 : i32
      %dma_wait3A_50 = tpu.memref_slice %arg7[%add3A_23, %dma_wait3A_49] : memref<10112x128xf32, #tpu.memory_space<vmem_shared>> -> memref<120x128xf32, #tpu.memory_space<vmem_shared>>
      %dma_wait3A_51 = arith.constant 0 : i32
      %dma_wait3A_52 = arith.constant 0 : i32
      %dma_wait3A_53 = tpu.memref_slice %arg6[%dma_wait3A_51, %dma_wait3A_52] : memref<128x128xf32, #tpu.memory_space<vmem>> -> memref<120x128xf32, #tpu.memory_space<vmem>>
      tpu.wait_dma2 semaphore(%run_scoped3A : memref<!tpu.dma_semaphore, #tpu.memory_space<semaphore_mem>>) src(%dma_wait3A_53 : memref<120x128xf32, #tpu.memory_space<vmem>>) dst(%dma_wait3A_50 : memref<120x128xf32, #tpu.memory_space<vmem_shared>>)
      tpu.yield
    }) : () -> ()
    %mul3A_24 = arith.constant 16 : i32
    %mul3A_25 = arith.muli %arg0, %mul3A_24 : i32
    %add3A_26 = arith.addi %mul3A_25, %arg1 : i32
    %mul3A_27 = arith.constant 80 : i32
    %mul3A_28 = arith.muli %add3A_26, %mul3A_27 : i32
    "tpu.region"() ({
      %run_scoped3A = tpu.sem_alloc : memref<!tpu.dma_semaphore, #tpu.memory_space<semaphore_mem>>
      %dma_start3A = arith.constant 0 : i32
      %dma_start3A_36 = tpu.memref_slice %arg2[%mul3A_28, %dma_start3A] : memref<2560x128xi32, #tpu.memory_space<hbm>> -> memref<80x128xi32, #tpu.memory_space<hbm>>
      %dma_start3A_37 = arith.constant 0 : i32
      %dma_start3A_38 = tpu.memref_slice %arg2[%mul3A_28, %dma_start3A_37] : memref<2560x128xi32, #tpu.memory_space<hbm>> -> memref<80x128xi32, #tpu.memory_space<hbm>>
      tpu.enqueue_dma source(%dma_start3A_38 : memref<80x128xi32, #tpu.memory_space<hbm>>) target(%arg4 : memref<80x128xi32, #tpu.memory_space<vmem>>) target_semaphore(%run_scoped3A : memref<!tpu.dma_semaphore, #tpu.memory_space<semaphore_mem>>)
      %dma_wait3A = arith.constant 0 : i32
      %dma_wait3A_39 = tpu.memref_slice %arg2[%mul3A_28, %dma_wait3A] : memref<2560x128xi32, #tpu.memory_space<hbm>> -> memref<80x128xi32, #tpu.memory_space<hbm>>
      %dma_wait3A_40 = arith.constant 0 : i32
      %dma_wait3A_41 = tpu.memref_slice %arg2[%mul3A_28, %dma_wait3A_40] : memref<2560x128xi32, #tpu.memory_space<hbm>> -> memref<80x128xi32, #tpu.memory_space<hbm>>
      tpu.wait_dma2 semaphore(%run_scoped3A : memref<!tpu.dma_semaphore, #tpu.memory_space<semaphore_mem>>) src(%dma_wait3A_41 : memref<80x128xi32, #tpu.memory_space<hbm>>) dst(%arg4 : memref<80x128xi32, #tpu.memory_space<vmem>>)
      tpu.yield
    }) : () -> ()
    %barrier3A = arith.constant 0 : index
    tpu.barrier barrier_id(%barrier3A)
    %scan3A_29 = arith.constant 0 : i32
    %scan3A_30 = arith.constant 0 : i32
    %scan3A_31 = arith.constant 80 : i32
    %scan3A_32 = arith.addi %scan3A_30, %scan3A_31 : i32
    %scan3A_33 = arith.constant 1 : i32
    scf.for %scan3A_36 = %scan3A_30 to %scan3A_32 step %scan3A_33  : i32 {
      "tpu.region"() ({
        %run_scoped3A = tpu.sem_alloc : memref<!tpu.dma_semaphore, #tpu.memory_space<semaphore_mem>>
        %dma_start3A = arith.constant 0 : i32
        %dma_start3A_37 = tpu.memref_slice %arg4[%scan3A_36, %dma_start3A] : memref<80x128xi32, #tpu.memory_space<vmem>> -> memref<1x128xi32, #tpu.memory_space<vmem>>
        %dma_start3A_38 = tpu.memref_squeeze %dma_start3A_37 : memref<1x128xi32, #tpu.memory_space<vmem>> -> memref<128xi32, #tpu.memory_space<vmem>>
        %dma_start3A_39 = arith.constant 0 : i32
        %dma_start3A_40 = arith.constant 0 : i32
        %dma_start3A_41 = tpu.memref_slice %arg7[%dma_start3A_39, %dma_start3A_40] : memref<10112x128xf32, #tpu.memory_space<vmem_shared>> -> memref<10112x128xf32, #tpu.memory_space<vmem_shared>>
        tpu.enqueue_indirect_dma source(%arg5 : memref<128x128xf32, #tpu.memory_space<vmem>>) target(%dma_start3A_41 : memref<10112x128xf32, #tpu.memory_space<vmem_shared>>) offsets(%dma_start3A_38 : memref<128xi32, #tpu.memory_space<vmem>>) semaphore(%run_scoped3A : memref<!tpu.dma_semaphore, #tpu.memory_space<semaphore_mem>>) {add = true}
        %dma_wait3A = arith.constant 0 : i32
        %dma_wait3A_42 = tpu.memref_slice %arg4[%scan3A_36, %dma_wait3A] : memref<80x128xi32, #tpu.memory_space<vmem>> -> memref<1x128xi32, #tpu.memory_space<vmem>>
        %dma_wait3A_43 = tpu.memref_squeeze %dma_wait3A_42 : memref<1x128xi32, #tpu.memory_space<vmem>> -> memref<128xi32, #tpu.memory_space<vmem>>
        %dma_wait3A_44 = arith.constant 0 : i32
        %dma_wait3A_45 = arith.constant 0 : i32
        %dma_wait3A_46 = tpu.memref_slice %arg7[%dma_wait3A_44, %dma_wait3A_45] : memref<10112x128xf32, #tpu.memory_space<vmem_shared>> -> memref<10112x128xf32, #tpu.memory_space<vmem_shared>>
        tpu.wait_indirect_dma semaphore(%run_scoped3A : memref<!tpu.dma_semaphore, #tpu.memory_space<semaphore_mem>>) src(%arg5 : memref<128x128xf32, #tpu.memory_space<vmem>>) dst(%dma_wait3A_46 : memref<10112x128xf32, #tpu.memory_space<vmem_shared>>)
        tpu.yield
      }) : () -> ()
    }
    %scan3A_34 = arith.constant 80 : i32
    %barrier3A_35 = arith.constant 0 : index
    tpu.barrier barrier_id(%barrier3A_35)
    "tpu.region"() ({
      %run_scoped3A = tpu.sem_alloc : memref<!tpu.dma_semaphore, #tpu.memory_space<semaphore_mem>>
      %dma_start3A = arith.constant 0 : i32
      %dma_start3A_36 = arith.constant 0 : i32
      %dma_start3A_37 = tpu.memref_slice %arg3[%arg0, %dma_start3A, %dma_start3A_36] : memref<2x10112x128xf32, #tpu.memory_space<hbm>> -> memref<1x10112x128xf32, #tpu.memory_space<hbm>>
      %dma_start3A_38 = tpu.memref_squeeze %dma_start3A_37 : memref<1x10112x128xf32, #tpu.memory_space<hbm>> -> memref<10112x128xf32, #tpu.memory_space<hbm>>
      %dma_start3A_39 = arith.constant 0 : i32
      %dma_start3A_40 = tpu.memref_slice %dma_start3A_38[%mul3A_0, %dma_start3A_39] : memref<10112x128xf32, #tpu.memory_space<hbm>> -> memref<632x128xf32, #tpu.memory_space<hbm>>
      %dma_start3A_41 = arith.constant 0 : i32
      %dma_start3A_42 = tpu.memref_slice %arg7[%mul3A_0, %dma_start3A_41] : memref<10112x128xf32, #tpu.memory_space<vmem_shared>> -> memref<632x128xf32, #tpu.memory_space<vmem_shared>>
      tpu.enqueue_dma source(%dma_start3A_42 : memref<632x128xf32, #tpu.memory_space<vmem_shared>>) target(%dma_start3A_40 : memref<632x128xf32, #tpu.memory_space<hbm>>) target_semaphore(%run_scoped3A : memref<!tpu.dma_semaphore, #tpu.memory_space<semaphore_mem>>)
      %dma_wait3A = arith.constant 0 : i32
      %dma_wait3A_43 = arith.constant 0 : i32
      %dma_wait3A_44 = tpu.memref_slice %arg3[%arg0, %dma_wait3A, %dma_wait3A_43] : memref<2x10112x128xf32, #tpu.memory_space<hbm>> -> memref<1x10112x128xf32, #tpu.memory_space<hbm>>
      %dma_wait3A_45 = tpu.memref_squeeze %dma_wait3A_44 : memref<1x10112x128xf32, #tpu.memory_space<hbm>> -> memref<10112x128xf32, #tpu.memory_space<hbm>>
      %dma_wait3A_46 = arith.constant 0 : i32
      %dma_wait3A_47 = tpu.memref_slice %dma_wait3A_45[%mul3A_0, %dma_wait3A_46] : memref<10112x128xf32, #tpu.memory_space<hbm>> -> memref<632x128xf32, #tpu.memory_space<hbm>>
      %dma_wait3A_48 = arith.constant 0 : i32
      %dma_wait3A_49 = tpu.memref_slice %arg7[%mul3A_0, %dma_wait3A_48] : memref<10112x128xf32, #tpu.memory_space<vmem_shared>> -> memref<632x128xf32, #tpu.memory_space<vmem_shared>>
      tpu.wait_dma2 semaphore(%run_scoped3A : memref<!tpu.dma_semaphore, #tpu.memory_space<semaphore_mem>>) src(%dma_wait3A_49 : memref<632x128xf32, #tpu.memory_space<vmem_shared>>) dst(%dma_wait3A_47 : memref<632x128xf32, #tpu.memory_space<hbm>>)
      tpu.yield
    }) : () -> ()
    return
  }
}

#map = affine_map<(d0, d1) -> (0, 0)>
#map1 = affine_map<(d0, d1) -> (0, 0, 0)>
module attributes {stable_mosaic.version = 14 : i64} {
  func.func @_sc_edge_scatter(%arg0: i32, %arg1: i32, %arg2: memref<10000x128xf32, #tpu.memory_space<hbm>>, %arg3: memref<2560x128xi32, #tpu.memory_space<hbm>>, %arg4: memref<2560x128xi32, #tpu.memory_space<hbm>>, %arg5: memref<2x10112x128xf32, #tpu.memory_space<hbm>>, %arg6: memref<40x128xi32, #tpu.memory_space<vmem>>, %arg7: memref<40x128xi32, #tpu.memory_space<vmem>>, %arg8: memref<128x128xf32, #tpu.memory_space<vmem>>, %arg9: memref<128x128xf32, #tpu.memory_space<vmem>>, %arg10: memref<10112x128xf32, #tpu.memory_space<vmem_shared>>, %arg11: memref<!tpu.dma_semaphore, #tpu.memory_space<semaphore_mem>>, %arg12: memref<!tpu.dma_semaphore, #tpu.memory_space<semaphore_mem>>) attributes {dimension_semantics = [#tpu.dimension_semantics<core_parallel>, #tpu.dimension_semantics<subcore_parallel>], iteration_bounds = array<i64: 2, 16>, scalar_prefetch = 0 : i64, scratch_operands = 7 : i64, tpu.core_type = #tpu.core_type<sc_vector_subcore>, window_params = [{transform_indices = #map}, {transform_indices = #map}, {transform_indices = #map}, {transform_indices = #map1}]} {
    %mul3A = arith.constant 632 : i32
    %mul3A_0 = arith.muli %arg1, %mul3A : i32
    %broadcast_in_dim3A = arith.constant 0.000000e+00 : f32
    %broadcast_in_dim3A_1 = vector.broadcast %broadcast_in_dim3A : f32 to vector<16xf32>
    %scan3A = arith.constant 0 : i32
    %scan3A_2 = arith.constant 0 : i32
    %scan3A_3 = arith.constant 128 : i32
    %scan3A_4 = arith.addi %scan3A_2, %scan3A_3 : i32
    %scan3A_5 = arith.constant 1 : i32
    scf.for %scan3A_41 = %scan3A_2 to %scan3A_4 step %scan3A_5  : i32 {
      %swap3A = arith.index_cast %scan3A_41 : i32 to index
      %swap3A_42 = arith.constant 0 : index
      %swap3A_43 = tpu.vector_load %arg8[%swap3A, %swap3A_42] {strides = array<i32>} : memref<128x128xf32, #tpu.memory_space<vmem>>, vector<1x16xf32>,
      %swap3A_44 = vector.shape_cast %swap3A_43 : vector<1x16xf32> to vector<16xf32>
      %swap3A_45 = vector.shape_cast %broadcast_in_dim3A_1 : vector<16xf32> to vector<1x16xf32>
      tpu.vector_store %arg8[%swap3A, %swap3A_42], %swap3A_45 {strides = array<i32>} : memref<128x128xf32, #tpu.memory_space<vmem>>, vector<1x16xf32>,
      %swap3A_46 = arith.index_cast %scan3A_41 : i32 to index
      %swap3A_47 = arith.constant 16 : index
      %swap3A_48 = tpu.vector_load %arg8[%swap3A_46, %swap3A_47] {strides = array<i32>} : memref<128x128xf32, #tpu.memory_space<vmem>>, vector<1x16xf32>,
      %swap3A_49 = vector.shape_cast %swap3A_48 : vector<1x16xf32> to vector<16xf32>
      %swap3A_50 = vector.shape_cast %broadcast_in_dim3A_1 : vector<16xf32> to vector<1x16xf32>
      tpu.vector_store %arg8[%swap3A_46, %swap3A_47], %swap3A_50 {strides = array<i32>} : memref<128x128xf32, #tpu.memory_space<vmem>>, vector<1x16xf32>,
      %swap3A_51 = arith.index_cast %scan3A_41 : i32 to index
      %swap3A_52 = arith.constant 32 : index
      %swap3A_53 = tpu.vector_load %arg8[%swap3A_51, %swap3A_52] {strides = array<i32>} : memref<128x128xf32, #tpu.memory_space<vmem>>, vector<1x16xf32>,
      %swap3A_54 = vector.shape_cast %swap3A_53 : vector<1x16xf32> to vector<16xf32>
      %swap3A_55 = vector.shape_cast %broadcast_in_dim3A_1 : vector<16xf32> to vector<1x16xf32>
      tpu.vector_store %arg8[%swap3A_51, %swap3A_52], %swap3A_55 {strides = array<i32>} : memref<128x128xf32, #tpu.memory_space<vmem>>, vector<1x16xf32>,
      %swap3A_56 = arith.index_cast %scan3A_41 : i32 to index
      %swap3A_57 = arith.constant 48 : index
      %swap3A_58 = tpu.vector_load %arg8[%swap3A_56, %swap3A_57] {strides = array<i32>} : memref<128x128xf32, #tpu.memory_space<vmem>>, vector<1x16xf32>,
      %swap3A_59 = vector.shape_cast %swap3A_58 : vector<1x16xf32> to vector<16xf32>
      %swap3A_60 = vector.shape_cast %broadcast_in_dim3A_1 : vector<16xf32> to vector<1x16xf32>
      tpu.vector_store %arg8[%swap3A_56, %swap3A_57], %swap3A_60 {strides = array<i32>} : memref<128x128xf32, #tpu.memory_space<vmem>>, vector<1x16xf32>,
      %swap3A_61 = arith.index_cast %scan3A_41 : i32 to index
      %swap3A_62 = arith.constant 64 : index
      %swap3A_63 = tpu.vector_load %arg8[%swap3A_61, %swap3A_62] {strides = array<i32>} : memref<128x128xf32, #tpu.memory_space<vmem>>, vector<1x16xf32>,
      %swap3A_64 = vector.shape_cast %swap3A_63 : vector<1x16xf32> to vector<16xf32>
      %swap3A_65 = vector.shape_cast %broadcast_in_dim3A_1 : vector<16xf32> to vector<1x16xf32>
      tpu.vector_store %arg8[%swap3A_61, %swap3A_62], %swap3A_65 {strides = array<i32>} : memref<128x128xf32, #tpu.memory_space<vmem>>, vector<1x16xf32>,
      %swap3A_66 = arith.index_cast %scan3A_41 : i32 to index
      %swap3A_67 = arith.constant 80 : index
      %swap3A_68 = tpu.vector_load %arg8[%swap3A_66, %swap3A_67] {strides = array<i32>} : memref<128x128xf32, #tpu.memory_space<vmem>>, vector<1x16xf32>,
      %swap3A_69 = vector.shape_cast %swap3A_68 : vector<1x16xf32> to vector<16xf32>
      %swap3A_70 = vector.shape_cast %broadcast_in_dim3A_1 : vector<16xf32> to vector<1x16xf32>
      tpu.vector_store %arg8[%swap3A_66, %swap3A_67], %swap3A_70 {strides = array<i32>} : memref<128x128xf32, #tpu.memory_space<vmem>>, vector<1x16xf32>,
      %swap3A_71 = arith.index_cast %scan3A_41 : i32 to index
      %swap3A_72 = arith.constant 96 : index
      %swap3A_73 = tpu.vector_load %arg8[%swap3A_71, %swap3A_72] {strides = array<i32>} : memref<128x128xf32, #tpu.memory_space<vmem>>, vector<1x16xf32>,
      %swap3A_74 = vector.shape_cast %swap3A_73 : vector<1x16xf32> to vector<16xf32>
      %swap3A_75 = vector.shape_cast %broadcast_in_dim3A_1 : vector<16xf32> to vector<1x16xf32>
      tpu.vector_store %arg8[%swap3A_71, %swap3A_72], %swap3A_75 {strides = array<i32>} : memref<128x128xf32, #tpu.memory_space<vmem>>, vector<1x16xf32>,
      %swap3A_76 = arith.index_cast %scan3A_41 : i32 to index
      %swap3A_77 = arith.constant 112 : index
      %swap3A_78 = tpu.vector_load %arg8[%swap3A_76, %swap3A_77] {strides = array<i32>} : memref<128x128xf32, #tpu.memory_space<vmem>>, vector<1x16xf32>,
      %swap3A_79 = vector.shape_cast %swap3A_78 : vector<1x16xf32> to vector<16xf32>
      %swap3A_80 = vector.shape_cast %broadcast_in_dim3A_1 : vector<16xf32> to vector<1x16xf32>
      tpu.vector_store %arg8[%swap3A_76, %swap3A_77], %swap3A_80 {strides = array<i32>} : memref<128x128xf32, #tpu.memory_space<vmem>>, vector<1x16xf32>,
    }
    %scan3A_6 = arith.constant 128 : i32
    %add3A = arith.constant 0 : i32
    %add3A_7 = arith.addi %mul3A_0, %add3A : i32
    "tpu.region"() ({
      %run_scoped3A = tpu.sem_alloc : memref<!tpu.dma_semaphore, #tpu.memory_space<semaphore_mem>>
      %dma_start3A = arith.constant 0 : i32
      %dma_start3A_41 = tpu.memref_slice %arg10[%add3A_7, %dma_start3A] : memref<10112x128xf32, #tpu.memory_space<vmem_shared>> -> memref<128x128xf32, #tpu.memory_space<vmem_shared>>
      %dma_start3A_42 = arith.constant 0 : i32
      %dma_start3A_43 = tpu.memref_slice %arg10[%add3A_7, %dma_start3A_42] : memref<10112x128xf32, #tpu.memory_space<vmem_shared>> -> memref<128x128xf32, #tpu.memory_space<vmem_shared>>
      tpu.enqueue_dma source(%arg8 : memref<128x128xf32, #tpu.memory_space<vmem>>) target(%dma_start3A_43 : memref<128x128xf32, #tpu.memory_space<vmem_shared>>) target_semaphore(%run_scoped3A : memref<!tpu.dma_semaphore, #tpu.memory_space<semaphore_mem>>)
      %dma_wait3A = arith.constant 0 : i32
      %dma_wait3A_44 = tpu.memref_slice %arg10[%add3A_7, %dma_wait3A] : memref<10112x128xf32, #tpu.memory_space<vmem_shared>> -> memref<128x128xf32, #tpu.memory_space<vmem_shared>>
      %dma_wait3A_45 = arith.constant 0 : i32
      %dma_wait3A_46 = tpu.memref_slice %arg10[%add3A_7, %dma_wait3A_45] : memref<10112x128xf32, #tpu.memory_space<vmem_shared>> -> memref<128x128xf32, #tpu.memory_space<vmem_shared>>
      tpu.wait_dma2 semaphore(%run_scoped3A : memref<!tpu.dma_semaphore, #tpu.memory_space<semaphore_mem>>) src(%arg8 : memref<128x128xf32, #tpu.memory_space<vmem>>) dst(%dma_wait3A_46 : memref<128x128xf32, #tpu.memory_space<vmem_shared>>)
      tpu.yield
    }) : () -> ()
    %add3A_8 = arith.constant 128 : i32
    %add3A_9 = arith.addi %mul3A_0, %add3A_8 : i32
    "tpu.region"() ({
      %run_scoped3A = tpu.sem_alloc : memref<!tpu.dma_semaphore, #tpu.memory_space<semaphore_mem>>
      %dma_start3A = arith.constant 0 : i32
      %dma_start3A_41 = tpu.memref_slice %arg10[%add3A_9, %dma_start3A] : memref<10112x128xf32, #tpu.memory_space<vmem_shared>> -> memref<128x128xf32, #tpu.memory_space<vmem_shared>>
      %dma_start3A_42 = arith.constant 0 : i32
      %dma_start3A_43 = tpu.memref_slice %arg10[%add3A_9, %dma_start3A_42] : memref<10112x128xf32, #tpu.memory_space<vmem_shared>> -> memref<128x128xf32, #tpu.memory_space<vmem_shared>>
      tpu.enqueue_dma source(%arg8 : memref<128x128xf32, #tpu.memory_space<vmem>>) target(%dma_start3A_43 : memref<128x128xf32, #tpu.memory_space<vmem_shared>>) target_semaphore(%run_scoped3A : memref<!tpu.dma_semaphore, #tpu.memory_space<semaphore_mem>>)
      %dma_wait3A = arith.constant 0 : i32
      %dma_wait3A_44 = tpu.memref_slice %arg10[%add3A_9, %dma_wait3A] : memref<10112x128xf32, #tpu.memory_space<vmem_shared>> -> memref<128x128xf32, #tpu.memory_space<vmem_shared>>
      %dma_wait3A_45 = arith.constant 0 : i32
      %dma_wait3A_46 = tpu.memref_slice %arg10[%add3A_9, %dma_wait3A_45] : memref<10112x128xf32, #tpu.memory_space<vmem_shared>> -> memref<128x128xf32, #tpu.memory_space<vmem_shared>>
      tpu.wait_dma2 semaphore(%run_scoped3A : memref<!tpu.dma_semaphore, #tpu.memory_space<semaphore_mem>>) src(%arg8 : memref<128x128xf32, #tpu.memory_space<vmem>>) dst(%dma_wait3A_46 : memref<128x128xf32, #tpu.memory_space<vmem_shared>>)
      tpu.yield
    }) : () -> ()
    %add3A_10 = arith.constant 256 : i32
    %add3A_11 = arith.addi %mul3A_0, %add3A_10 : i32
    "tpu.region"() ({
      %run_scoped3A = tpu.sem_alloc : memref<!tpu.dma_semaphore, #tpu.memory_space<semaphore_mem>>
      %dma_start3A = arith.constant 0 : i32
      %dma_start3A_41 = tpu.memref_slice %arg10[%add3A_11, %dma_start3A] : memref<10112x128xf32, #tpu.memory_space<vmem_shared>> -> memref<128x128xf32, #tpu.memory_space<vmem_shared>>
      %dma_start3A_42 = arith.constant 0 : i32
      %dma_start3A_43 = tpu.memref_slice %arg10[%add3A_11, %dma_start3A_42] : memref<10112x128xf32, #tpu.memory_space<vmem_shared>> -> memref<128x128xf32, #tpu.memory_space<vmem_shared>>
      tpu.enqueue_dma source(%arg8 : memref<128x128xf32, #tpu.memory_space<vmem>>) target(%dma_start3A_43 : memref<128x128xf32, #tpu.memory_space<vmem_shared>>) target_semaphore(%run_scoped3A : memref<!tpu.dma_semaphore, #tpu.memory_space<semaphore_mem>>)
      %dma_wait3A = arith.constant 0 : i32
      %dma_wait3A_44 = tpu.memref_slice %arg10[%add3A_11, %dma_wait3A] : memref<10112x128xf32, #tpu.memory_space<vmem_shared>> -> memref<128x128xf32, #tpu.memory_space<vmem_shared>>
      %dma_wait3A_45 = arith.constant 0 : i32
      %dma_wait3A_46 = tpu.memref_slice %arg10[%add3A_11, %dma_wait3A_45] : memref<10112x128xf32, #tpu.memory_space<vmem_shared>> -> memref<128x128xf32, #tpu.memory_space<vmem_shared>>
      tpu.wait_dma2 semaphore(%run_scoped3A : memref<!tpu.dma_semaphore, #tpu.memory_space<semaphore_mem>>) src(%arg8 : memref<128x128xf32, #tpu.memory_space<vmem>>) dst(%dma_wait3A_46 : memref<128x128xf32, #tpu.memory_space<vmem_shared>>)
      tpu.yield
    }) : () -> ()
    %add3A_12 = arith.constant 384 : i32
    %add3A_13 = arith.addi %mul3A_0, %add3A_12 : i32
    "tpu.region"() ({
      %run_scoped3A = tpu.sem_alloc : memref<!tpu.dma_semaphore, #tpu.memory_space<semaphore_mem>>
      %dma_start3A = arith.constant 0 : i32
      %dma_start3A_41 = tpu.memref_slice %arg10[%add3A_13, %dma_start3A] : memref<10112x128xf32, #tpu.memory_space<vmem_shared>> -> memref<128x128xf32, #tpu.memory_space<vmem_shared>>
      %dma_start3A_42 = arith.constant 0 : i32
      %dma_start3A_43 = tpu.memref_slice %arg10[%add3A_13, %dma_start3A_42] : memref<10112x128xf32, #tpu.memory_space<vmem_shared>> -> memref<128x128xf32, #tpu.memory_space<vmem_shared>>
      tpu.enqueue_dma source(%arg8 : memref<128x128xf32, #tpu.memory_space<vmem>>) target(%dma_start3A_43 : memref<128x128xf32, #tpu.memory_space<vmem_shared>>) target_semaphore(%run_scoped3A : memref<!tpu.dma_semaphore, #tpu.memory_space<semaphore_mem>>)
      %dma_wait3A = arith.constant 0 : i32
      %dma_wait3A_44 = tpu.memref_slice %arg10[%add3A_13, %dma_wait3A] : memref<10112x128xf32, #tpu.memory_space<vmem_shared>> -> memref<128x128xf32, #tpu.memory_space<vmem_shared>>
      %dma_wait3A_45 = arith.constant 0 : i32
      %dma_wait3A_46 = tpu.memref_slice %arg10[%add3A_13, %dma_wait3A_45] : memref<10112x128xf32, #tpu.memory_space<vmem_shared>> -> memref<128x128xf32, #tpu.memory_space<vmem_shared>>
      tpu.wait_dma2 semaphore(%run_scoped3A : memref<!tpu.dma_semaphore, #tpu.memory_space<semaphore_mem>>) src(%arg8 : memref<128x128xf32, #tpu.memory_space<vmem>>) dst(%dma_wait3A_46 : memref<128x128xf32, #tpu.memory_space<vmem_shared>>)
      tpu.yield
    }) : () -> ()
    %add3A_14 = arith.constant 512 : i32
    %add3A_15 = arith.addi %mul3A_0, %add3A_14 : i32
    "tpu.region"() ({
      %run_scoped3A = tpu.sem_alloc : memref<!tpu.dma_semaphore, #tpu.memory_space<semaphore_mem>>
      %dma_start3A = arith.constant 0 : i32
      %dma_start3A_41 = arith.constant 0 : i32
      %dma_start3A_42 = tpu.memref_slice %arg8[%dma_start3A, %dma_start3A_41] : memref<128x128xf32, #tpu.memory_space<vmem>> -> memref<120x128xf32, #tpu.memory_space<vmem>>
      %dma_start3A_43 = arith.constant 0 : i32
      %dma_start3A_44 = tpu.memref_slice %arg10[%add3A_15, %dma_start3A_43] : memref<10112x128xf32, #tpu.memory_space<vmem_shared>> -> memref<120x128xf32, #tpu.memory_space<vmem_shared>>
      %dma_start3A_45 = arith.constant 0 : i32
      %dma_start3A_46 = tpu.memref_slice %arg10[%add3A_15, %dma_start3A_45] : memref<10112x128xf32, #tpu.memory_space<vmem_shared>> -> memref<120x128xf32, #tpu.memory_space<vmem_shared>>
      %dma_start3A_47 = arith.constant 0 : i32
      %dma_start3A_48 = arith.constant 0 : i32
      %dma_start3A_49 = tpu.memref_slice %arg8[%dma_start3A_47, %dma_start3A_48] : memref<128x128xf32, #tpu.memory_space<vmem>> -> memref<120x128xf32, #tpu.memory_space<vmem>>
      tpu.enqueue_dma source(%dma_start3A_49 : memref<120x128xf32, #tpu.memory_space<vmem>>) target(%dma_start3A_46 : memref<120x128xf32, #tpu.memory_space<vmem_shared>>) target_semaphore(%run_scoped3A : memref<!tpu.dma_semaphore, #tpu.memory_space<semaphore_mem>>)
      %dma_wait3A = arith.constant 0 : i32
      %dma_wait3A_50 = arith.constant 0 : i32
      %dma_wait3A_51 = tpu.memref_slice %arg8[%dma_wait3A, %dma_wait3A_50] : memref<128x128xf32, #tpu.memory_space<vmem>> -> memref<120x128xf32, #tpu.memory_space<vmem>>
      %dma_wait3A_52 = arith.constant 0 : i32
      %dma_wait3A_53 = tpu.memref_slice %arg10[%add3A_15, %dma_wait3A_52] : memref<10112x128xf32, #tpu.memory_space<vmem_shared>> -> memref<120x128xf32, #tpu.memory_space<vmem_shared>>
      %dma_wait3A_54 = arith.constant 0 : i32
      %dma_wait3A_55 = tpu.memref_slice %arg10[%add3A_15, %dma_wait3A_54] : memref<10112x128xf32, #tpu.memory_space<vmem_shared>> -> memref<120x128xf32, #tpu.memory_space<vmem_shared>>
      %dma_wait3A_56 = arith.constant 0 : i32
      %dma_wait3A_57 = arith.constant 0 : i32
      %dma_wait3A_58 = tpu.memref_slice %arg8[%dma_wait3A_56, %dma_wait3A_57] : memref<128x128xf32, #tpu.memory_space<vmem>> -> memref<120x128xf32, #tpu.memory_space<vmem>>
      tpu.wait_dma2 semaphore(%run_scoped3A : memref<!tpu.dma_semaphore, #tpu.memory_space<semaphore_mem>>) src(%dma_wait3A_58 : memref<120x128xf32, #tpu.memory_space<vmem>>) dst(%dma_wait3A_55 : memref<120x128xf32, #tpu.memory_space<vmem_shared>>)
      tpu.yield
    }) : () -> ()
    %barrier3A = arith.constant 0 : index
    tpu.barrier barrier_id(%barrier3A)
    %eq3A = arith.constant 0 : i32
    %eq3A_16 = arith.cmpi eq, %arg0, %eq3A : i32
    %jit3A = arith.constant 2 : i32
    %jit3A_17 = arith.constant 2 : i32
    %select_n3A = arith.select %eq3A_16, %jit3A, %jit3A_17 : i32
    %eq3A_18 = arith.constant 0 : i32
    %eq3A_19 = arith.cmpi eq, %arg0, %eq3A_18 : i32
    %mul3A_20 = arith.constant 2 : i32
    %mul3A_21 = arith.muli %arg1, %mul3A_20 : i32
    %mul3A_22 = arith.constant 40 : i32
    %mul3A_23 = arith.muli %mul3A_21, %mul3A_22 : i32
    %mul3A_24 = arith.constant 2 : i32
    %mul3A_25 = arith.muli %arg1, %mul3A_24 : i32
    %mul3A_26 = arith.constant 40 : i32
    %mul3A_27 = arith.muli %mul3A_25, %mul3A_26 : i32
    %add3A_28 = arith.constant 1280 : i32
    %add3A_29 = arith.addi %add3A_28, %mul3A_27 : i32
    %select_n3A_30 = arith.select %eq3A_19, %mul3A_23, %add3A_29 : i32
    %while3A = arith.constant 0 : i32
    %while3A_31 = arith.constant 0 : i32
    %while3A_32 = arith.subi %select_n3A, %while3A_31 : i32
    %while3A_33 = arith.addi %while3A_31, %while3A_32 : i32
    %while3A_34 = arith.constant 1 : i32
    %while3A_35 = arith.divsi %while3A_32, %while3A_34 : i32
    %while3A_36 = arith.muli %while3A_35, %while3A_34 : i32
    %while3A_37 = arith.addi %while3A_31, %while3A_36 : i32
    %while3A_38 = arith.constant 1 : i32
    scf.for %while3A_41 = %while3A_31 to %while3A_37 step %while3A_38  : i32 {
      %mul3A_42 = arith.constant 40 : i32
      %mul3A_43 = arith.muli %while3A_41, %mul3A_42 : i32
      %add3A_44 = arith.addi %select_n3A_30, %mul3A_43 : i32
      "tpu.region"() ({
        %run_scoped3A = tpu.sem_alloc : memref<!tpu.dma_semaphore, #tpu.memory_space<semaphore_mem>>
        %dma_start3A_77 = arith.constant 0 : i32
        %dma_start3A_78 = tpu.memref_slice %arg3[%add3A_44, %dma_start3A_77] : memref<2560x128xi32, #tpu.memory_space<hbm>> -> memref<40x128xi32, #tpu.memory_space<hbm>>
        %dma_start3A_79 = arith.constant 0 : i32
        %dma_start3A_80 = tpu.memref_slice %arg3[%add3A_44, %dma_start3A_79] : memref<2560x128xi32, #tpu.memory_space<hbm>> -> memref<40x128xi32, #tpu.memory_space<hbm>>
        tpu.enqueue_dma source(%dma_start3A_80 : memref<40x128xi32, #tpu.memory_space<hbm>>) target(%arg6 : memref<40x128xi32, #tpu.memory_space<vmem>>) target_semaphore(%run_scoped3A : memref<!tpu.dma_semaphore, #tpu.memory_space<semaphore_mem>>)
        %dma_wait3A_81 = arith.constant 0 : i32
        %dma_wait3A_82 = tpu.memref_slice %arg3[%add3A_44, %dma_wait3A_81] : memref<2560x128xi32, #tpu.memory_space<hbm>> -> memref<40x128xi32, #tpu.memory_space<hbm>>
        %dma_wait3A_83 = arith.constant 0 : i32
        %dma_wait3A_84 = tpu.memref_slice %arg3[%add3A_44, %dma_wait3A_83] : memref<2560x128xi32, #tpu.memory_space<hbm>> -> memref<40x128xi32, #tpu.memory_space<hbm>>
        tpu.wait_dma2 semaphore(%run_scoped3A : memref<!tpu.dma_semaphore, #tpu.memory_space<semaphore_mem>>) src(%dma_wait3A_84 : memref<40x128xi32, #tpu.memory_space<hbm>>) dst(%arg6 : memref<40x128xi32, #tpu.memory_space<vmem>>)
        tpu.yield
      }) : () -> ()
      "tpu.region"() ({
        %run_scoped3A = tpu.sem_alloc : memref<!tpu.dma_semaphore, #tpu.memory_space<semaphore_mem>>
        %dma_start3A_77 = arith.constant 0 : i32
        %dma_start3A_78 = tpu.memref_slice %arg4[%add3A_44, %dma_start3A_77] : memref<2560x128xi32, #tpu.memory_space<hbm>> -> memref<40x128xi32, #tpu.memory_space<hbm>>
        %dma_start3A_79 = arith.constant 0 : i32
        %dma_start3A_80 = tpu.memref_slice %arg4[%add3A_44, %dma_start3A_79] : memref<2560x128xi32, #tpu.memory_space<hbm>> -> memref<40x128xi32, #tpu.memory_space<hbm>>
        tpu.enqueue_dma source(%dma_start3A_80 : memref<40x128xi32, #tpu.memory_space<hbm>>) target(%arg7 : memref<40x128xi32, #tpu.memory_space<vmem>>) target_semaphore(%run_scoped3A : memref<!tpu.dma_semaphore, #tpu.memory_space<semaphore_mem>>)
        %dma_wait3A_81 = arith.constant 0 : i32
        %dma_wait3A_82 = tpu.memref_slice %arg4[%add3A_44, %dma_wait3A_81] : memref<2560x128xi32, #tpu.memory_space<hbm>> -> memref<40x128xi32, #tpu.memory_space<hbm>>
        %dma_wait3A_83 = arith.constant 0 : i32
        %dma_wait3A_84 = tpu.memref_slice %arg4[%add3A_44, %dma_wait3A_83] : memref<2560x128xi32, #tpu.memory_space<hbm>> -> memref<40x128xi32, #tpu.memory_space<hbm>>
        tpu.wait_dma2 semaphore(%run_scoped3A : memref<!tpu.dma_semaphore, #tpu.memory_space<semaphore_mem>>) src(%dma_wait3A_84 : memref<40x128xi32, #tpu.memory_space<hbm>>) dst(%arg7 : memref<40x128xi32, #tpu.memory_space<vmem>>)
        tpu.yield
      }) : () -> ()
      %dma_start3A = arith.constant 0 : i32
      %dma_start3A_45 = arith.constant 0 : i32
      %dma_start3A_46 = tpu.memref_slice %arg6[%dma_start3A, %dma_start3A_45] : memref<40x128xi32, #tpu.memory_space<vmem>> -> memref<1x128xi32, #tpu.memory_space<vmem>>
      %dma_start3A_47 = tpu.memref_squeeze %dma_start3A_46 : memref<1x128xi32, #tpu.memory_space<vmem>> -> memref<128xi32, #tpu.memory_space<vmem>>
      %dma_start3A_48 = arith.constant 0 : i32
      %dma_start3A_49 = arith.constant 0 : i32
      %dma_start3A_50 = tpu.memref_slice %arg2[%dma_start3A_48, %dma_start3A_49] : memref<10000x128xf32, #tpu.memory_space<hbm>> -> memref<10000x128xf32, #tpu.memory_space<hbm>>
      tpu.enqueue_indirect_dma source(%dma_start3A_50 : memref<10000x128xf32, #tpu.memory_space<hbm>>) target(%arg8 : memref<128x128xf32, #tpu.memory_space<vmem>>) offsets(%dma_start3A_47 : memref<128xi32, #tpu.memory_space<vmem>>) semaphore(%arg11 : memref<!tpu.dma_semaphore, #tpu.memory_space<semaphore_mem>>)
      %dma_start3A_51 = arith.constant 1 : i32
      %dma_start3A_52 = arith.constant 0 : i32
      %dma_start3A_53 = tpu.memref_slice %arg6[%dma_start3A_51, %dma_start3A_52] : memref<40x128xi32, #tpu.memory_space<vmem>> -> memref<1x128xi32, #tpu.memory_space<vmem>>
      %dma_start3A_54 = tpu.memref_squeeze %dma_start3A_53 : memref<1x128xi32, #tpu.memory_space<vmem>> -> memref<128xi32, #tpu.memory_space<vmem>>
      %dma_start3A_55 = arith.constant 0 : i32
      %dma_start3A_56 = arith.constant 0 : i32
      %dma_start3A_57 = tpu.memref_slice %arg2[%dma_start3A_55, %dma_start3A_56] : memref<10000x128xf32, #tpu.memory_space<hbm>> -> memref<10000x128xf32, #tpu.memory_space<hbm>>
      tpu.enqueue_indirect_dma source(%dma_start3A_57 : memref<10000x128xf32, #tpu.memory_space<hbm>>) target(%arg9 : memref<128x128xf32, #tpu.memory_space<vmem>>) offsets(%dma_start3A_54 : memref<128xi32, #tpu.memory_space<vmem>>) semaphore(%arg12 : memref<!tpu.dma_semaphore, #tpu.memory_space<semaphore_mem>>)
      %scan3A_58 = arith.constant 0 : i32
      %scan3A_59 = arith.constant 0 : i32
      %scan3A_60 = arith.constant 20 : i32
      %scan3A_61 = arith.addi %scan3A_59, %scan3A_60 : i32
      %scan3A_62 = arith.constant 1 : i32
      scf.for %scan3A_77 = %scan3A_59 to %scan3A_61 step %scan3A_62  : i32 {
        %mul3A_78 = arith.constant 2 : i32
        %mul3A_79 = arith.muli %scan3A_77, %mul3A_78 : i32
        %add3A_80 = arith.constant 0 : i32
        %add3A_81 = arith.addi %mul3A_79, %add3A_80 : i32
        %dma_wait3A_82 = arith.constant 0 : i32
        %dma_wait3A_83 = tpu.memref_slice %arg6[%add3A_81, %dma_wait3A_82] : memref<40x128xi32, #tpu.memory_space<vmem>> -> memref<1x128xi32, #tpu.memory_space<vmem>>
        %dma_wait3A_84 = tpu.memref_squeeze %dma_wait3A_83 : memref<1x128xi32, #tpu.memory_space<vmem>> -> memref<128xi32, #tpu.memory_space<vmem>>
        %dma_wait3A_85 = arith.constant 0 : i32
        %dma_wait3A_86 = arith.constant 0 : i32
        %dma_wait3A_87 = tpu.memref_slice %arg2[%dma_wait3A_85, %dma_wait3A_86] : memref<10000x128xf32, #tpu.memory_space<hbm>> -> memref<10000x128xf32, #tpu.memory_space<hbm>>
        tpu.wait_indirect_dma semaphore(%arg11 : memref<!tpu.dma_semaphore, #tpu.memory_space<semaphore_mem>>) src(%dma_wait3A_87 : memref<10000x128xf32, #tpu.memory_space<hbm>>) dst(%arg8 : memref<128x128xf32, #tpu.memory_space<vmem>>)
        "tpu.region"() ({
          %run_scoped3A = tpu.sem_alloc : memref<!tpu.dma_semaphore, #tpu.memory_space<semaphore_mem>>
          %dma_start3A_117 = arith.constant 0 : i32
          %dma_start3A_118 = tpu.memref_slice %arg7[%add3A_81, %dma_start3A_117] : memref<40x128xi32, #tpu.memory_space<vmem>> -> memref<1x128xi32, #tpu.memory_space<vmem>>
          %dma_start3A_119 = tpu.memref_squeeze %dma_start3A_118 : memref<1x128xi32, #tpu.memory_space<vmem>> -> memref<128xi32, #tpu.memory_space<vmem>>
          %dma_start3A_120 = arith.constant 0 : i32
          %dma_start3A_121 = arith.constant 0 : i32
          %dma_start3A_122 = tpu.memref_slice %arg10[%dma_start3A_120, %dma_start3A_121] : memref<10112x128xf32, #tpu.memory_space<vmem_shared>> -> memref<10112x128xf32, #tpu.memory_space<vmem_shared>>
          tpu.enqueue_indirect_dma source(%arg8 : memref<128x128xf32, #tpu.memory_space<vmem>>) target(%dma_start3A_122 : memref<10112x128xf32, #tpu.memory_space<vmem_shared>>) offsets(%dma_start3A_119 : memref<128xi32, #tpu.memory_space<vmem>>) semaphore(%run_scoped3A : memref<!tpu.dma_semaphore, #tpu.memory_space<semaphore_mem>>) {add = true}
          %dma_wait3A_123 = arith.constant 0 : i32
          %dma_wait3A_124 = tpu.memref_slice %arg7[%add3A_81, %dma_wait3A_123] : memref<40x128xi32, #tpu.memory_space<vmem>> -> memref<1x128xi32, #tpu.memory_space<vmem>>
          %dma_wait3A_125 = tpu.memref_squeeze %dma_wait3A_124 : memref<1x128xi32, #tpu.memory_space<vmem>> -> memref<128xi32, #tpu.memory_space<vmem>>
          %dma_wait3A_126 = arith.constant 0 : i32
          %dma_wait3A_127 = arith.constant 0 : i32
          %dma_wait3A_128 = tpu.memref_slice %arg10[%dma_wait3A_126, %dma_wait3A_127] : memref<10112x128xf32, #tpu.memory_space<vmem_shared>> -> memref<10112x128xf32, #tpu.memory_space<vmem_shared>>
          tpu.wait_indirect_dma semaphore(%run_scoped3A : memref<!tpu.dma_semaphore, #tpu.memory_space<semaphore_mem>>) src(%arg8 : memref<128x128xf32, #tpu.memory_space<vmem>>) dst(%dma_wait3A_128 : memref<10112x128xf32, #tpu.memory_space<vmem_shared>>)
          tpu.yield
        }) : () -> ()
        %add3A_88 = arith.constant 2 : i32
        %add3A_89 = arith.addi %add3A_81, %add3A_88 : i32
        %rem3A = arith.constant 40 : i32
        %rem3A_90 = arith.remsi %add3A_89, %rem3A : i32
        %dma_start3A_91 = arith.constant 0 : i32
        %dma_start3A_92 = tpu.memref_slice %arg6[%rem3A_90, %dma_start3A_91] : memref<40x128xi32, #tpu.memory_space<vmem>> -> memref<1x128xi32, #tpu.memory_space<vmem>>
        %dma_start3A_93 = tpu.memref_squeeze %dma_start3A_92 : memref<1x128xi32, #tpu.memory_space<vmem>> -> memref<128xi32, #tpu.memory_space<vmem>>
        %dma_start3A_94 = arith.constant 0 : i32
        %dma_start3A_95 = arith.constant 0 : i32
        %dma_start3A_96 = tpu.memref_slice %arg2[%dma_start3A_94, %dma_start3A_95] : memref<10000x128xf32, #tpu.memory_space<hbm>> -> memref<10000x128xf32, #tpu.memory_space<hbm>>
        tpu.enqueue_indirect_dma source(%dma_start3A_96 : memref<10000x128xf32, #tpu.memory_space<hbm>>) target(%arg8 : memref<128x128xf32, #tpu.memory_space<vmem>>) offsets(%dma_start3A_93 : memref<128xi32, #tpu.memory_space<vmem>>) semaphore(%arg11 : memref<!tpu.dma_semaphore, #tpu.memory_space<semaphore_mem>>)
        %mul3A_97 = arith.constant 2 : i32
        %mul3A_98 = arith.muli %scan3A_77, %mul3A_97 : i32
        %add3A_99 = arith.constant 1 : i32
        %add3A_100 = arith.addi %mul3A_98, %add3A_99 : i32
        %dma_wait3A_101 = arith.constant 0 : i32
        %dma_wait3A_102 = tpu.memref_slice %arg6[%add3A_100, %dma_wait3A_101] : memref<40x128xi32, #tpu.memory_space<vmem>> -> memref<1x128xi32, #tpu.memory_space<vmem>>
        %dma_wait3A_103 = tpu.memref_squeeze %dma_wait3A_102 : memref<1x128xi32, #tpu.memory_space<vmem>> -> memref<128xi32, #tpu.memory_space<vmem>>
        %dma_wait3A_104 = arith.constant 0 : i32
        %dma_wait3A_105 = arith.constant 0 : i32
        %dma_wait3A_106 = tpu.memref_slice %arg2[%dma_wait3A_104, %dma_wait3A_105] : memref<10000x128xf32, #tpu.memory_space<hbm>> -> memref<10000x128xf32, #tpu.memory_space<hbm>>
        tpu.wait_indirect_dma semaphore(%arg12 : memref<!tpu.dma_semaphore, #tpu.memory_space<semaphore_mem>>) src(%dma_wait3A_106 : memref<10000x128xf32, #tpu.memory_space<hbm>>) dst(%arg9 : memref<128x128xf32, #tpu.memory_space<vmem>>)
        "tpu.region"() ({
          %run_scoped3A = tpu.sem_alloc : memref<!tpu.dma_semaphore, #tpu.memory_space<semaphore_mem>>
          %dma_start3A_117 = arith.constant 0 : i32
          %dma_start3A_118 = tpu.memref_slice %arg7[%add3A_100, %dma_start3A_117] : memref<40x128xi32, #tpu.memory_space<vmem>> -> memref<1x128xi32, #tpu.memory_space<vmem>>
          %dma_start3A_119 = tpu.memref_squeeze %dma_start3A_118 : memref<1x128xi32, #tpu.memory_space<vmem>> -> memref<128xi32, #tpu.memory_space<vmem>>
          %dma_start3A_120 = arith.constant 0 : i32
          %dma_start3A_121 = arith.constant 0 : i32
          %dma_start3A_122 = tpu.memref_slice %arg10[%dma_start3A_120, %dma_start3A_121] : memref<10112x128xf32, #tpu.memory_space<vmem_shared>> -> memref<10112x128xf32, #tpu.memory_space<vmem_shared>>
          tpu.enqueue_indirect_dma source(%arg9 : memref<128x128xf32, #tpu.memory_space<vmem>>) target(%dma_start3A_122 : memref<10112x128xf32, #tpu.memory_space<vmem_shared>>) offsets(%dma_start3A_119 : memref<128xi32, #tpu.memory_space<vmem>>) semaphore(%run_scoped3A : memref<!tpu.dma_semaphore, #tpu.memory_space<semaphore_mem>>) {add = true}
          %dma_wait3A_123 = arith.constant 0 : i32
          %dma_wait3A_124 = tpu.memref_slice %arg7[%add3A_100, %dma_wait3A_123] : memref<40x128xi32, #tpu.memory_space<vmem>> -> memref<1x128xi32, #tpu.memory_space<vmem>>
          %dma_wait3A_125 = tpu.memref_squeeze %dma_wait3A_124 : memref<1x128xi32, #tpu.memory_space<vmem>> -> memref<128xi32, #tpu.memory_space<vmem>>
          %dma_wait3A_126 = arith.constant 0 : i32
          %dma_wait3A_127 = arith.constant 0 : i32
          %dma_wait3A_128 = tpu.memref_slice %arg10[%dma_wait3A_126, %dma_wait3A_127] : memref<10112x128xf32, #tpu.memory_space<vmem_shared>> -> memref<10112x128xf32, #tpu.memory_space<vmem_shared>>
          tpu.wait_indirect_dma semaphore(%run_scoped3A : memref<!tpu.dma_semaphore, #tpu.memory_space<semaphore_mem>>) src(%arg9 : memref<128x128xf32, #tpu.memory_space<vmem>>) dst(%dma_wait3A_128 : memref<10112x128xf32, #tpu.memory_space<vmem_shared>>)
          tpu.yield
        }) : () -> ()
        %add3A_107 = arith.constant 2 : i32
        %add3A_108 = arith.addi %add3A_100, %add3A_107 : i32
        %rem3A_109 = arith.constant 40 : i32
        %rem3A_110 = arith.remsi %add3A_108, %rem3A_109 : i32
        %dma_start3A_111 = arith.constant 0 : i32
        %dma_start3A_112 = tpu.memref_slice %arg6[%rem3A_110, %dma_start3A_111] : memref<40x128xi32, #tpu.memory_space<vmem>> -> memref<1x128xi32, #tpu.memory_space<vmem>>
        %dma_start3A_113 = tpu.memref_squeeze %dma_start3A_112 : memref<1x128xi32, #tpu.memory_space<vmem>> -> memref<128xi32, #tpu.memory_space<vmem>>
        %dma_start3A_114 = arith.constant 0 : i32
        %dma_start3A_115 = arith.constant 0 : i32
        %dma_start3A_116 = tpu.memref_slice %arg2[%dma_start3A_114, %dma_start3A_115] : memref<10000x128xf32, #tpu.memory_space<hbm>> -> memref<10000x128xf32, #tpu.memory_space<hbm>>
        tpu.enqueue_indirect_dma source(%dma_start3A_116 : memref<10000x128xf32, #tpu.memory_space<hbm>>) target(%arg9 : memref<128x128xf32, #tpu.memory_space<vmem>>) offsets(%dma_start3A_113 : memref<128xi32, #tpu.memory_space<vmem>>) semaphore(%arg12 : memref<!tpu.dma_semaphore, #tpu.memory_space<semaphore_mem>>)
      }
      %scan3A_63 = arith.constant 20 : i32
      %dma_wait3A = arith.constant 0 : i32
      %dma_wait3A_64 = arith.constant 0 : i32
      %dma_wait3A_65 = tpu.memref_slice %arg6[%dma_wait3A, %dma_wait3A_64] : memref<40x128xi32, #tpu.memory_space<vmem>> -> memref<1x128xi32, #tpu.memory_space<vmem>>
      %dma_wait3A_66 = tpu.memref_squeeze %dma_wait3A_65 : memref<1x128xi32, #tpu.memory_space<vmem>> -> memref<128xi32, #tpu.memory_space<vmem>>
      %dma_wait3A_67 = arith.constant 0 : i32
      %dma_wait3A_68 = arith.constant 0 : i32
      %dma_wait3A_69 = tpu.memref_slice %arg2[%dma_wait3A_67, %dma_wait3A_68] : memref<10000x128xf32, #tpu.memory_space<hbm>> -> memref<10000x128xf32, #tpu.memory_space<hbm>>
      tpu.wait_indirect_dma semaphore(%arg11 : memref<!tpu.dma_semaphore, #tpu.memory_space<semaphore_mem>>) src(%dma_wait3A_69 : memref<10000x128xf32, #tpu.memory_space<hbm>>) dst(%arg8 : memref<128x128xf32, #tpu.memory_space<vmem>>)
      %dma_wait3A_70 = arith.constant 1 : i32
      %dma_wait3A_71 = arith.constant 0 : i32
      %dma_wait3A_72 = tpu.memref_slice %arg6[%dma_wait3A_70, %dma_wait3A_71] : memref<40x128xi32, #tpu.memory_space<vmem>> -> memref<1x128xi32, #tpu.memory_space<vmem>>
      %dma_wait3A_73 = tpu.memref_squeeze %dma_wait3A_72 : memref<1x128xi32, #tpu.memory_space<vmem>> -> memref<128xi32, #tpu.memory_space<vmem>>
      %dma_wait3A_74 = arith.constant 0 : i32
      %dma_wait3A_75 = arith.constant 0 : i32
      %dma_wait3A_76 = tpu.memref_slice %arg2[%dma_wait3A_74, %dma_wait3A_75] : memref<10000x128xf32, #tpu.memory_space<hbm>> -> memref<10000x128xf32, #tpu.memory_space<hbm>>
      tpu.wait_indirect_dma semaphore(%arg12 : memref<!tpu.dma_semaphore, #tpu.memory_space<semaphore_mem>>) src(%dma_wait3A_76 : memref<10000x128xf32, #tpu.memory_space<hbm>>) dst(%arg9 : memref<128x128xf32, #tpu.memory_space<vmem>>)
    }
    %while3A_39 = arith.constant 1 : i32
    scf.for %while3A_41 = %while3A_37 to %while3A_33 step %while3A_39  : i32 {
      %mul3A_42 = arith.constant 40 : i32
      %mul3A_43 = arith.muli %while3A_41, %mul3A_42 : i32
      %add3A_44 = arith.addi %select_n3A_30, %mul3A_43 : i32
      "tpu.region"() ({
        %run_scoped3A = tpu.sem_alloc : memref<!tpu.dma_semaphore, #tpu.memory_space<semaphore_mem>>
        %dma_start3A_77 = arith.constant 0 : i32
        %dma_start3A_78 = tpu.memref_slice %arg3[%add3A_44, %dma_start3A_77] : memref<2560x128xi32, #tpu.memory_space<hbm>> -> memref<40x128xi32, #tpu.memory_space<hbm>>
        %dma_start3A_79 = arith.constant 0 : i32
        %dma_start3A_80 = tpu.memref_slice %arg3[%add3A_44, %dma_start3A_79] : memref<2560x128xi32, #tpu.memory_space<hbm>> -> memref<40x128xi32, #tpu.memory_space<hbm>>
        tpu.enqueue_dma source(%dma_start3A_80 : memref<40x128xi32, #tpu.memory_space<hbm>>) target(%arg6 : memref<40x128xi32, #tpu.memory_space<vmem>>) target_semaphore(%run_scoped3A : memref<!tpu.dma_semaphore, #tpu.memory_space<semaphore_mem>>)
        %dma_wait3A_81 = arith.constant 0 : i32
        %dma_wait3A_82 = tpu.memref_slice %arg3[%add3A_44, %dma_wait3A_81] : memref<2560x128xi32, #tpu.memory_space<hbm>> -> memref<40x128xi32, #tpu.memory_space<hbm>>
        %dma_wait3A_83 = arith.constant 0 : i32
        %dma_wait3A_84 = tpu.memref_slice %arg3[%add3A_44, %dma_wait3A_83] : memref<2560x128xi32, #tpu.memory_space<hbm>> -> memref<40x128xi32, #tpu.memory_space<hbm>>
        tpu.wait_dma2 semaphore(%run_scoped3A : memref<!tpu.dma_semaphore, #tpu.memory_space<semaphore_mem>>) src(%dma_wait3A_84 : memref<40x128xi32, #tpu.memory_space<hbm>>) dst(%arg6 : memref<40x128xi32, #tpu.memory_space<vmem>>)
        tpu.yield
      }) : () -> ()
      "tpu.region"() ({
        %run_scoped3A = tpu.sem_alloc : memref<!tpu.dma_semaphore, #tpu.memory_space<semaphore_mem>>
        %dma_start3A_77 = arith.constant 0 : i32
        %dma_start3A_78 = tpu.memref_slice %arg4[%add3A_44, %dma_start3A_77] : memref<2560x128xi32, #tpu.memory_space<hbm>> -> memref<40x128xi32, #tpu.memory_space<hbm>>
        %dma_start3A_79 = arith.constant 0 : i32
        %dma_start3A_80 = tpu.memref_slice %arg4[%add3A_44, %dma_start3A_79] : memref<2560x128xi32, #tpu.memory_space<hbm>> -> memref<40x128xi32, #tpu.memory_space<hbm>>
        tpu.enqueue_dma source(%dma_start3A_80 : memref<40x128xi32, #tpu.memory_space<hbm>>) target(%arg7 : memref<40x128xi32, #tpu.memory_space<vmem>>) target_semaphore(%run_scoped3A : memref<!tpu.dma_semaphore, #tpu.memory_space<semaphore_mem>>)
        %dma_wait3A_81 = arith.constant 0 : i32
        %dma_wait3A_82 = tpu.memref_slice %arg4[%add3A_44, %dma_wait3A_81] : memref<2560x128xi32, #tpu.memory_space<hbm>> -> memref<40x128xi32, #tpu.memory_space<hbm>>
        %dma_wait3A_83 = arith.constant 0 : i32
        %dma_wait3A_84 = tpu.memref_slice %arg4[%add3A_44, %dma_wait3A_83] : memref<2560x128xi32, #tpu.memory_space<hbm>> -> memref<40x128xi32, #tpu.memory_space<hbm>>
        tpu.wait_dma2 semaphore(%run_scoped3A : memref<!tpu.dma_semaphore, #tpu.memory_space<semaphore_mem>>) src(%dma_wait3A_84 : memref<40x128xi32, #tpu.memory_space<hbm>>) dst(%arg7 : memref<40x128xi32, #tpu.memory_space<vmem>>)
        tpu.yield
      }) : () -> ()
      %dma_start3A = arith.constant 0 : i32
      %dma_start3A_45 = arith.constant 0 : i32
      %dma_start3A_46 = tpu.memref_slice %arg6[%dma_start3A, %dma_start3A_45] : memref<40x128xi32, #tpu.memory_space<vmem>> -> memref<1x128xi32, #tpu.memory_space<vmem>>
      %dma_start3A_47 = tpu.memref_squeeze %dma_start3A_46 : memref<1x128xi32, #tpu.memory_space<vmem>> -> memref<128xi32, #tpu.memory_space<vmem>>
      %dma_start3A_48 = arith.constant 0 : i32
      %dma_start3A_49 = arith.constant 0 : i32
      %dma_start3A_50 = tpu.memref_slice %arg2[%dma_start3A_48, %dma_start3A_49] : memref<10000x128xf32, #tpu.memory_space<hbm>> -> memref<10000x128xf32, #tpu.memory_space<hbm>>
      tpu.enqueue_indirect_dma source(%dma_start3A_50 : memref<10000x128xf32, #tpu.memory_space<hbm>>) target(%arg8 : memref<128x128xf32, #tpu.memory_space<vmem>>) offsets(%dma_start3A_47 : memref<128xi32, #tpu.memory_space<vmem>>) semaphore(%arg11 : memref<!tpu.dma_semaphore, #tpu.memory_space<semaphore_mem>>)
      %dma_start3A_51 = arith.constant 1 : i32
      %dma_start3A_52 = arith.constant 0 : i32
      %dma_start3A_53 = tpu.memref_slice %arg6[%dma_start3A_51, %dma_start3A_52] : memref<40x128xi32, #tpu.memory_space<vmem>> -> memref<1x128xi32, #tpu.memory_space<vmem>>
      %dma_start3A_54 = tpu.memref_squeeze %dma_start3A_53 : memref<1x128xi32, #tpu.memory_space<vmem>> -> memref<128xi32, #tpu.memory_space<vmem>>
      %dma_start3A_55 = arith.constant 0 : i32
      %dma_start3A_56 = arith.constant 0 : i32
      %dma_start3A_57 = tpu.memref_slice %arg2[%dma_start3A_55, %dma_start3A_56] : memref<10000x128xf32, #tpu.memory_space<hbm>> -> memref<10000x128xf32, #tpu.memory_space<hbm>>
      tpu.enqueue_indirect_dma source(%dma_start3A_57 : memref<10000x128xf32, #tpu.memory_space<hbm>>) target(%arg9 : memref<128x128xf32, #tpu.memory_space<vmem>>) offsets(%dma_start3A_54 : memref<128xi32, #tpu.memory_space<vmem>>) semaphore(%arg12 : memref<!tpu.dma_semaphore, #tpu.memory_space<semaphore_mem>>)
      %scan3A_58 = arith.constant 0 : i32
      %scan3A_59 = arith.constant 0 : i32
      %scan3A_60 = arith.constant 20 : i32
      %scan3A_61 = arith.addi %scan3A_59, %scan3A_60 : i32
      %scan3A_62 = arith.constant 1 : i32
      scf.for %scan3A_77 = %scan3A_59 to %scan3A_61 step %scan3A_62  : i32 {
        %mul3A_78 = arith.constant 2 : i32
        %mul3A_79 = arith.muli %scan3A_77, %mul3A_78 : i32
        %add3A_80 = arith.constant 0 : i32
        %add3A_81 = arith.addi %mul3A_79, %add3A_80 : i32
        %dma_wait3A_82 = arith.constant 0 : i32
        %dma_wait3A_83 = tpu.memref_slice %arg6[%add3A_81, %dma_wait3A_82] : memref<40x128xi32, #tpu.memory_space<vmem>> -> memref<1x128xi32, #tpu.memory_space<vmem>>
        %dma_wait3A_84 = tpu.memref_squeeze %dma_wait3A_83 : memref<1x128xi32, #tpu.memory_space<vmem>> -> memref<128xi32, #tpu.memory_space<vmem>>
        %dma_wait3A_85 = arith.constant 0 : i32
        %dma_wait3A_86 = arith.constant 0 : i32
        %dma_wait3A_87 = tpu.memref_slice %arg2[%dma_wait3A_85, %dma_wait3A_86] : memref<10000x128xf32, #tpu.memory_space<hbm>> -> memref<10000x128xf32, #tpu.memory_space<hbm>>
        tpu.wait_indirect_dma semaphore(%arg11 : memref<!tpu.dma_semaphore, #tpu.memory_space<semaphore_mem>>) src(%dma_wait3A_87 : memref<10000x128xf32, #tpu.memory_space<hbm>>) dst(%arg8 : memref<128x128xf32, #tpu.memory_space<vmem>>)
        "tpu.region"() ({
          %run_scoped3A = tpu.sem_alloc : memref<!tpu.dma_semaphore, #tpu.memory_space<semaphore_mem>>
          %dma_start3A_117 = arith.constant 0 : i32
          %dma_start3A_118 = tpu.memref_slice %arg7[%add3A_81, %dma_start3A_117] : memref<40x128xi32, #tpu.memory_space<vmem>> -> memref<1x128xi32, #tpu.memory_space<vmem>>
          %dma_start3A_119 = tpu.memref_squeeze %dma_start3A_118 : memref<1x128xi32, #tpu.memory_space<vmem>> -> memref<128xi32, #tpu.memory_space<vmem>>
          %dma_start3A_120 = arith.constant 0 : i32
          %dma_start3A_121 = arith.constant 0 : i32
          %dma_start3A_122 = tpu.memref_slice %arg10[%dma_start3A_120, %dma_start3A_121] : memref<10112x128xf32, #tpu.memory_space<vmem_shared>> -> memref<10112x128xf32, #tpu.memory_space<vmem_shared>>
          tpu.enqueue_indirect_dma source(%arg8 : memref<128x128xf32, #tpu.memory_space<vmem>>) target(%dma_start3A_122 : memref<10112x128xf32, #tpu.memory_space<vmem_shared>>) offsets(%dma_start3A_119 : memref<128xi32, #tpu.memory_space<vmem>>) semaphore(%run_scoped3A : memref<!tpu.dma_semaphore, #tpu.memory_space<semaphore_mem>>) {add = true}
          %dma_wait3A_123 = arith.constant 0 : i32
          %dma_wait3A_124 = tpu.memref_slice %arg7[%add3A_81, %dma_wait3A_123] : memref<40x128xi32, #tpu.memory_space<vmem>> -> memref<1x128xi32, #tpu.memory_space<vmem>>
          %dma_wait3A_125 = tpu.memref_squeeze %dma_wait3A_124 : memref<1x128xi32, #tpu.memory_space<vmem>> -> memref<128xi32, #tpu.memory_space<vmem>>
          %dma_wait3A_126 = arith.constant 0 : i32
          %dma_wait3A_127 = arith.constant 0 : i32
          %dma_wait3A_128 = tpu.memref_slice %arg10[%dma_wait3A_126, %dma_wait3A_127] : memref<10112x128xf32, #tpu.memory_space<vmem_shared>> -> memref<10112x128xf32, #tpu.memory_space<vmem_shared>>
          tpu.wait_indirect_dma semaphore(%run_scoped3A : memref<!tpu.dma_semaphore, #tpu.memory_space<semaphore_mem>>) src(%arg8 : memref<128x128xf32, #tpu.memory_space<vmem>>) dst(%dma_wait3A_128 : memref<10112x128xf32, #tpu.memory_space<vmem_shared>>)
          tpu.yield
        }) : () -> ()
        %add3A_88 = arith.constant 2 : i32
        %add3A_89 = arith.addi %add3A_81, %add3A_88 : i32
        %rem3A = arith.constant 40 : i32
        %rem3A_90 = arith.remsi %add3A_89, %rem3A : i32
        %dma_start3A_91 = arith.constant 0 : i32
        %dma_start3A_92 = tpu.memref_slice %arg6[%rem3A_90, %dma_start3A_91] : memref<40x128xi32, #tpu.memory_space<vmem>> -> memref<1x128xi32, #tpu.memory_space<vmem>>
        %dma_start3A_93 = tpu.memref_squeeze %dma_start3A_92 : memref<1x128xi32, #tpu.memory_space<vmem>> -> memref<128xi32, #tpu.memory_space<vmem>>
        %dma_start3A_94 = arith.constant 0 : i32
        %dma_start3A_95 = arith.constant 0 : i32
        %dma_start3A_96 = tpu.memref_slice %arg2[%dma_start3A_94, %dma_start3A_95] : memref<10000x128xf32, #tpu.memory_space<hbm>> -> memref<10000x128xf32, #tpu.memory_space<hbm>>
        tpu.enqueue_indirect_dma source(%dma_start3A_96 : memref<10000x128xf32, #tpu.memory_space<hbm>>) target(%arg8 : memref<128x128xf32, #tpu.memory_space<vmem>>) offsets(%dma_start3A_93 : memref<128xi32, #tpu.memory_space<vmem>>) semaphore(%arg11 : memref<!tpu.dma_semaphore, #tpu.memory_space<semaphore_mem>>)
        %mul3A_97 = arith.constant 2 : i32
        %mul3A_98 = arith.muli %scan3A_77, %mul3A_97 : i32
        %add3A_99 = arith.constant 1 : i32
        %add3A_100 = arith.addi %mul3A_98, %add3A_99 : i32
        %dma_wait3A_101 = arith.constant 0 : i32
        %dma_wait3A_102 = tpu.memref_slice %arg6[%add3A_100, %dma_wait3A_101] : memref<40x128xi32, #tpu.memory_space<vmem>> -> memref<1x128xi32, #tpu.memory_space<vmem>>
        %dma_wait3A_103 = tpu.memref_squeeze %dma_wait3A_102 : memref<1x128xi32, #tpu.memory_space<vmem>> -> memref<128xi32, #tpu.memory_space<vmem>>
        %dma_wait3A_104 = arith.constant 0 : i32
        %dma_wait3A_105 = arith.constant 0 : i32
        %dma_wait3A_106 = tpu.memref_slice %arg2[%dma_wait3A_104, %dma_wait3A_105] : memref<10000x128xf32, #tpu.memory_space<hbm>> -> memref<10000x128xf32, #tpu.memory_space<hbm>>
        tpu.wait_indirect_dma semaphore(%arg12 : memref<!tpu.dma_semaphore, #tpu.memory_space<semaphore_mem>>) src(%dma_wait3A_106 : memref<10000x128xf32, #tpu.memory_space<hbm>>) dst(%arg9 : memref<128x128xf32, #tpu.memory_space<vmem>>)
        "tpu.region"() ({
          %run_scoped3A = tpu.sem_alloc : memref<!tpu.dma_semaphore, #tpu.memory_space<semaphore_mem>>
          %dma_start3A_117 = arith.constant 0 : i32
          %dma_start3A_118 = tpu.memref_slice %arg7[%add3A_100, %dma_start3A_117] : memref<40x128xi32, #tpu.memory_space<vmem>> -> memref<1x128xi32, #tpu.memory_space<vmem>>
          %dma_start3A_119 = tpu.memref_squeeze %dma_start3A_118 : memref<1x128xi32, #tpu.memory_space<vmem>> -> memref<128xi32, #tpu.memory_space<vmem>>
          %dma_start3A_120 = arith.constant 0 : i32
          %dma_start3A_121 = arith.constant 0 : i32
          %dma_start3A_122 = tpu.memref_slice %arg10[%dma_start3A_120, %dma_start3A_121] : memref<10112x128xf32, #tpu.memory_space<vmem_shared>> -> memref<10112x128xf32, #tpu.memory_space<vmem_shared>>
          tpu.enqueue_indirect_dma source(%arg9 : memref<128x128xf32, #tpu.memory_space<vmem>>) target(%dma_start3A_122 : memref<10112x128xf32, #tpu.memory_space<vmem_shared>>) offsets(%dma_start3A_119 : memref<128xi32, #tpu.memory_space<vmem>>) semaphore(%run_scoped3A : memref<!tpu.dma_semaphore, #tpu.memory_space<semaphore_mem>>) {add = true}
          %dma_wait3A_123 = arith.constant 0 : i32
          %dma_wait3A_124 = tpu.memref_slice %arg7[%add3A_100, %dma_wait3A_123] : memref<40x128xi32, #tpu.memory_space<vmem>> -> memref<1x128xi32, #tpu.memory_space<vmem>>
          %dma_wait3A_125 = tpu.memref_squeeze %dma_wait3A_124 : memref<1x128xi32, #tpu.memory_space<vmem>> -> memref<128xi32, #tpu.memory_space<vmem>>
          %dma_wait3A_126 = arith.constant 0 : i32
          %dma_wait3A_127 = arith.constant 0 : i32
          %dma_wait3A_128 = tpu.memref_slice %arg10[%dma_wait3A_126, %dma_wait3A_127] : memref<10112x128xf32, #tpu.memory_space<vmem_shared>> -> memref<10112x128xf32, #tpu.memory_space<vmem_shared>>
          tpu.wait_indirect_dma semaphore(%run_scoped3A : memref<!tpu.dma_semaphore, #tpu.memory_space<semaphore_mem>>) src(%arg9 : memref<128x128xf32, #tpu.memory_space<vmem>>) dst(%dma_wait3A_128 : memref<10112x128xf32, #tpu.memory_space<vmem_shared>>)
          tpu.yield
        }) : () -> ()
        %add3A_107 = arith.constant 2 : i32
        %add3A_108 = arith.addi %add3A_100, %add3A_107 : i32
        %rem3A_109 = arith.constant 40 : i32
        %rem3A_110 = arith.remsi %add3A_108, %rem3A_109 : i32
        %dma_start3A_111 = arith.constant 0 : i32
        %dma_start3A_112 = tpu.memref_slice %arg6[%rem3A_110, %dma_start3A_111] : memref<40x128xi32, #tpu.memory_space<vmem>> -> memref<1x128xi32, #tpu.memory_space<vmem>>
        %dma_start3A_113 = tpu.memref_squeeze %dma_start3A_112 : memref<1x128xi32, #tpu.memory_space<vmem>> -> memref<128xi32, #tpu.memory_space<vmem>>
        %dma_start3A_114 = arith.constant 0 : i32
        %dma_start3A_115 = arith.constant 0 : i32
        %dma_start3A_116 = tpu.memref_slice %arg2[%dma_start3A_114, %dma_start3A_115] : memref<10000x128xf32, #tpu.memory_space<hbm>> -> memref<10000x128xf32, #tpu.memory_space<hbm>>
        tpu.enqueue_indirect_dma source(%dma_start3A_116 : memref<10000x128xf32, #tpu.memory_space<hbm>>) target(%arg9 : memref<128x128xf32, #tpu.memory_space<vmem>>) offsets(%dma_start3A_113 : memref<128xi32, #tpu.memory_space<vmem>>) semaphore(%arg12 : memref<!tpu.dma_semaphore, #tpu.memory_space<semaphore_mem>>)
      }
      %scan3A_63 = arith.constant 20 : i32
      %dma_wait3A = arith.constant 0 : i32
      %dma_wait3A_64 = arith.constant 0 : i32
      %dma_wait3A_65 = tpu.memref_slice %arg6[%dma_wait3A, %dma_wait3A_64] : memref<40x128xi32, #tpu.memory_space<vmem>> -> memref<1x128xi32, #tpu.memory_space<vmem>>
      %dma_wait3A_66 = tpu.memref_squeeze %dma_wait3A_65 : memref<1x128xi32, #tpu.memory_space<vmem>> -> memref<128xi32, #tpu.memory_space<vmem>>
      %dma_wait3A_67 = arith.constant 0 : i32
      %dma_wait3A_68 = arith.constant 0 : i32
      %dma_wait3A_69 = tpu.memref_slice %arg2[%dma_wait3A_67, %dma_wait3A_68] : memref<10000x128xf32, #tpu.memory_space<hbm>> -> memref<10000x128xf32, #tpu.memory_space<hbm>>
      tpu.wait_indirect_dma semaphore(%arg11 : memref<!tpu.dma_semaphore, #tpu.memory_space<semaphore_mem>>) src(%dma_wait3A_69 : memref<10000x128xf32, #tpu.memory_space<hbm>>) dst(%arg8 : memref<128x128xf32, #tpu.memory_space<vmem>>)
      %dma_wait3A_70 = arith.constant 1 : i32
      %dma_wait3A_71 = arith.constant 0 : i32
      %dma_wait3A_72 = tpu.memref_slice %arg6[%dma_wait3A_70, %dma_wait3A_71] : memref<40x128xi32, #tpu.memory_space<vmem>> -> memref<1x128xi32, #tpu.memory_space<vmem>>
      %dma_wait3A_73 = tpu.memref_squeeze %dma_wait3A_72 : memref<1x128xi32, #tpu.memory_space<vmem>> -> memref<128xi32, #tpu.memory_space<vmem>>
      %dma_wait3A_74 = arith.constant 0 : i32
      %dma_wait3A_75 = arith.constant 0 : i32
      %dma_wait3A_76 = tpu.memref_slice %arg2[%dma_wait3A_74, %dma_wait3A_75] : memref<10000x128xf32, #tpu.memory_space<hbm>> -> memref<10000x128xf32, #tpu.memory_space<hbm>>
      tpu.wait_indirect_dma semaphore(%arg12 : memref<!tpu.dma_semaphore, #tpu.memory_space<semaphore_mem>>) src(%dma_wait3A_76 : memref<10000x128xf32, #tpu.memory_space<hbm>>) dst(%arg9 : memref<128x128xf32, #tpu.memory_space<vmem>>)
    }
    %barrier3A_40 = arith.constant 0 : index
    tpu.barrier barrier_id(%barrier3A_40)
    "tpu.region"() ({
      %run_scoped3A = tpu.sem_alloc : memref<!tpu.dma_semaphore, #tpu.memory_space<semaphore_mem>>
      %dma_start3A = arith.constant 0 : i32
      %dma_start3A_41 = arith.constant 0 : i32
      %dma_start3A_42 = tpu.memref_slice %arg5[%arg0, %dma_start3A, %dma_start3A_41] : memref<2x10112x128xf32, #tpu.memory_space<hbm>> -> memref<1x10112x128xf32, #tpu.memory_space<hbm>>
      %dma_start3A_43 = tpu.memref_squeeze %dma_start3A_42 : memref<1x10112x128xf32, #tpu.memory_space<hbm>> -> memref<10112x128xf32, #tpu.memory_space<hbm>>
      %dma_start3A_44 = arith.constant 0 : i32
      %dma_start3A_45 = tpu.memref_slice %dma_start3A_43[%mul3A_0, %dma_start3A_44] : memref<10112x128xf32, #tpu.memory_space<hbm>> -> memref<632x128xf32, #tpu.memory_space<hbm>>
      %dma_start3A_46 = arith.constant 0 : i32
      %dma_start3A_47 = tpu.memref_slice %arg10[%mul3A_0, %dma_start3A_46] : memref<10112x128xf32, #tpu.memory_space<vmem_shared>> -> memref<632x128xf32, #tpu.memory_space<vmem_shared>>
      tpu.enqueue_dma source(%dma_start3A_47 : memref<632x128xf32, #tpu.memory_space<vmem_shared>>) target(%dma_start3A_45 : memref<632x128xf32, #tpu.memory_space<hbm>>) target_semaphore(%run_scoped3A : memref<!tpu.dma_semaphore, #tpu.memory_space<semaphore_mem>>)
      %dma_wait3A = arith.constant 0 : i32
      %dma_wait3A_48 = arith.constant 0 : i32
      %dma_wait3A_49 = tpu.memref_slice %arg5[%arg0, %dma_wait3A, %dma_wait3A_48] : memref<2x10112x128xf32, #tpu.memory_space<hbm>> -> memref<1x10112x128xf32, #tpu.memory_space<hbm>>
      %dma_wait3A_50 = tpu.memref_squeeze %dma_wait3A_49 : memref<1x10112x128xf32, #tpu.memory_space<hbm>> -> memref<10112x128xf32, #tpu.memory_space<hbm>>
      %dma_wait3A_51 = arith.constant 0 : i32
      %dma_wait3A_52 = tpu.memref_slice %dma_wait3A_50[%mul3A_0, %dma_wait3A_51] : memref<10112x128xf32, #tpu.memory_space<hbm>> -> memref<632x128xf32, #tpu.memory_space<hbm>>
      %dma_wait3A_53 = arith.constant 0 : i32
      %dma_wait3A_54 = tpu.memref_slice %arg10[%mul3A_0, %dma_wait3A_53] : memref<10112x128xf32, #tpu.memory_space<vmem_shared>> -> memref<632x128xf32, #tpu.memory_space<vmem_shared>>
      tpu.wait_dma2 semaphore(%run_scoped3A : memref<!tpu.dma_semaphore, #tpu.memory_space<semaphore_mem>>) src(%dma_wait3A_54 : memref<632x128xf32, #tpu.memory_space<vmem_shared>>) dst(%dma_wait3A_52 : memref<632x128xf32, #tpu.memory_space<hbm>>)
      tpu.yield
    }) : () -> ()
    return
  }
}

#map = affine_map<(d0, d1) -> (0, 0)>
#map1 = affine_map<(d0, d1) -> (0, 0, 0)>
module attributes {stable_mosaic.version = 14 : i64} {
  func.func @_sc_edge_scatter(%arg0: i32, %arg1: i32, %arg2: memref<10000x128xf32, #tpu.memory_space<hbm>>, %arg3: memref<2560x128xi32, #tpu.memory_space<hbm>>, %arg4: memref<2560x128xi32, #tpu.memory_space<hbm>>, %arg5: memref<2x10112x128xf32, #tpu.memory_space<hbm>>, %arg6: memref<40x128xi32, #tpu.memory_space<vmem>>, %arg7: memref<40x128xi32, #tpu.memory_space<vmem>>, %arg8: memref<128x128xf32, #tpu.memory_space<vmem>>, %arg9: memref<128x128xf32, #tpu.memory_space<vmem>>, %arg10: memref<10112x128xf32, #tpu.memory_space<vmem_shared>>, %arg11: memref<!tpu.dma_semaphore, #tpu.memory_space<semaphore_mem>>, %arg12: memref<!tpu.dma_semaphore, #tpu.memory_space<semaphore_mem>>) attributes {dimension_semantics = [#tpu.dimension_semantics<core_parallel>, #tpu.dimension_semantics<subcore_parallel>], iteration_bounds = array<i64: 2, 16>, scalar_prefetch = 0 : i64, scratch_operands = 7 : i64, tpu.core_type = #tpu.core_type<sc_vector_subcore>, window_params = [{transform_indices = #map}, {transform_indices = #map}, {transform_indices = #map}, {transform_indices = #map1}]} {
    %mul3A = arith.constant 632 : i32
    %mul3A_0 = arith.muli %arg1, %mul3A : i32
    %broadcast_in_dim3A = arith.constant 0.000000e+00 : f32
    %broadcast_in_dim3A_1 = vector.broadcast %broadcast_in_dim3A : f32 to vector<16xf32>
    %scan3A = arith.constant 0 : i32
    %scan3A_2 = arith.constant 0 : i32
    %scan3A_3 = arith.constant 128 : i32
    %scan3A_4 = arith.addi %scan3A_2, %scan3A_3 : i32
    %scan3A_5 = arith.constant 1 : i32
    scf.for %scan3A_41 = %scan3A_2 to %scan3A_4 step %scan3A_5  : i32 {
      %swap3A = arith.index_cast %scan3A_41 : i32 to index
      %swap3A_42 = arith.constant 0 : index
      %swap3A_43 = tpu.vector_load %arg8[%swap3A, %swap3A_42] {strides = array<i32>} : memref<128x128xf32, #tpu.memory_space<vmem>>, vector<1x16xf32>,
      %swap3A_44 = vector.shape_cast %swap3A_43 : vector<1x16xf32> to vector<16xf32>
      %swap3A_45 = vector.shape_cast %broadcast_in_dim3A_1 : vector<16xf32> to vector<1x16xf32>
      tpu.vector_store %arg8[%swap3A, %swap3A_42], %swap3A_45 {strides = array<i32>} : memref<128x128xf32, #tpu.memory_space<vmem>>, vector<1x16xf32>,
      %swap3A_46 = arith.index_cast %scan3A_41 : i32 to index
      %swap3A_47 = arith.constant 16 : index
      %swap3A_48 = tpu.vector_load %arg8[%swap3A_46, %swap3A_47] {strides = array<i32>} : memref<128x128xf32, #tpu.memory_space<vmem>>, vector<1x16xf32>,
      %swap3A_49 = vector.shape_cast %swap3A_48 : vector<1x16xf32> to vector<16xf32>
      %swap3A_50 = vector.shape_cast %broadcast_in_dim3A_1 : vector<16xf32> to vector<1x16xf32>
      tpu.vector_store %arg8[%swap3A_46, %swap3A_47], %swap3A_50 {strides = array<i32>} : memref<128x128xf32, #tpu.memory_space<vmem>>, vector<1x16xf32>,
      %swap3A_51 = arith.index_cast %scan3A_41 : i32 to index
      %swap3A_52 = arith.constant 32 : index
      %swap3A_53 = tpu.vector_load %arg8[%swap3A_51, %swap3A_52] {strides = array<i32>} : memref<128x128xf32, #tpu.memory_space<vmem>>, vector<1x16xf32>,
      %swap3A_54 = vector.shape_cast %swap3A_53 : vector<1x16xf32> to vector<16xf32>
      %swap3A_55 = vector.shape_cast %broadcast_in_dim3A_1 : vector<16xf32> to vector<1x16xf32>
      tpu.vector_store %arg8[%swap3A_51, %swap3A_52], %swap3A_55 {strides = array<i32>} : memref<128x128xf32, #tpu.memory_space<vmem>>, vector<1x16xf32>,
      %swap3A_56 = arith.index_cast %scan3A_41 : i32 to index
      %swap3A_57 = arith.constant 48 : index
      %swap3A_58 = tpu.vector_load %arg8[%swap3A_56, %swap3A_57] {strides = array<i32>} : memref<128x128xf32, #tpu.memory_space<vmem>>, vector<1x16xf32>,
      %swap3A_59 = vector.shape_cast %swap3A_58 : vector<1x16xf32> to vector<16xf32>
      %swap3A_60 = vector.shape_cast %broadcast_in_dim3A_1 : vector<16xf32> to vector<1x16xf32>
      tpu.vector_store %arg8[%swap3A_56, %swap3A_57], %swap3A_60 {strides = array<i32>} : memref<128x128xf32, #tpu.memory_space<vmem>>, vector<1x16xf32>,
      %swap3A_61 = arith.index_cast %scan3A_41 : i32 to index
      %swap3A_62 = arith.constant 64 : index
      %swap3A_63 = tpu.vector_load %arg8[%swap3A_61, %swap3A_62] {strides = array<i32>} : memref<128x128xf32, #tpu.memory_space<vmem>>, vector<1x16xf32>,
      %swap3A_64 = vector.shape_cast %swap3A_63 : vector<1x16xf32> to vector<16xf32>
      %swap3A_65 = vector.shape_cast %broadcast_in_dim3A_1 : vector<16xf32> to vector<1x16xf32>
      tpu.vector_store %arg8[%swap3A_61, %swap3A_62], %swap3A_65 {strides = array<i32>} : memref<128x128xf32, #tpu.memory_space<vmem>>, vector<1x16xf32>,
      %swap3A_66 = arith.index_cast %scan3A_41 : i32 to index
      %swap3A_67 = arith.constant 80 : index
      %swap3A_68 = tpu.vector_load %arg8[%swap3A_66, %swap3A_67] {strides = array<i32>} : memref<128x128xf32, #tpu.memory_space<vmem>>, vector<1x16xf32>,
      %swap3A_69 = vector.shape_cast %swap3A_68 : vector<1x16xf32> to vector<16xf32>
      %swap3A_70 = vector.shape_cast %broadcast_in_dim3A_1 : vector<16xf32> to vector<1x16xf32>
      tpu.vector_store %arg8[%swap3A_66, %swap3A_67], %swap3A_70 {strides = array<i32>} : memref<128x128xf32, #tpu.memory_space<vmem>>, vector<1x16xf32>,
      %swap3A_71 = arith.index_cast %scan3A_41 : i32 to index
      %swap3A_72 = arith.constant 96 : index
      %swap3A_73 = tpu.vector_load %arg8[%swap3A_71, %swap3A_72] {strides = array<i32>} : memref<128x128xf32, #tpu.memory_space<vmem>>, vector<1x16xf32>,
      %swap3A_74 = vector.shape_cast %swap3A_73 : vector<1x16xf32> to vector<16xf32>
      %swap3A_75 = vector.shape_cast %broadcast_in_dim3A_1 : vector<16xf32> to vector<1x16xf32>
      tpu.vector_store %arg8[%swap3A_71, %swap3A_72], %swap3A_75 {strides = array<i32>} : memref<128x128xf32, #tpu.memory_space<vmem>>, vector<1x16xf32>,
      %swap3A_76 = arith.index_cast %scan3A_41 : i32 to index
      %swap3A_77 = arith.constant 112 : index
      %swap3A_78 = tpu.vector_load %arg8[%swap3A_76, %swap3A_77] {strides = array<i32>} : memref<128x128xf32, #tpu.memory_space<vmem>>, vector<1x16xf32>,
      %swap3A_79 = vector.shape_cast %swap3A_78 : vector<1x16xf32> to vector<16xf32>
      %swap3A_80 = vector.shape_cast %broadcast_in_dim3A_1 : vector<16xf32> to vector<1x16xf32>
      tpu.vector_store %arg8[%swap3A_76, %swap3A_77], %swap3A_80 {strides = array<i32>} : memref<128x128xf32, #tpu.memory_space<vmem>>, vector<1x16xf32>,
    }
    %scan3A_6 = arith.constant 128 : i32
    %add3A = arith.constant 0 : i32
    %add3A_7 = arith.addi %mul3A_0, %add3A : i32
    "tpu.region"() ({
      %run_scoped3A = tpu.sem_alloc : memref<!tpu.dma_semaphore, #tpu.memory_space<semaphore_mem>>
      %dma_start3A = arith.constant 0 : i32
      %dma_start3A_41 = tpu.memref_slice %arg10[%add3A_7, %dma_start3A] : memref<10112x128xf32, #tpu.memory_space<vmem_shared>> -> memref<128x128xf32, #tpu.memory_space<vmem_shared>>
      %dma_start3A_42 = arith.constant 0 : i32
      %dma_start3A_43 = tpu.memref_slice %arg10[%add3A_7, %dma_start3A_42] : memref<10112x128xf32, #tpu.memory_space<vmem_shared>> -> memref<128x128xf32, #tpu.memory_space<vmem_shared>>
      tpu.enqueue_dma source(%arg8 : memref<128x128xf32, #tpu.memory_space<vmem>>) target(%dma_start3A_43 : memref<128x128xf32, #tpu.memory_space<vmem_shared>>) target_semaphore(%run_scoped3A : memref<!tpu.dma_semaphore, #tpu.memory_space<semaphore_mem>>)
      %dma_wait3A = arith.constant 0 : i32
      %dma_wait3A_44 = tpu.memref_slice %arg10[%add3A_7, %dma_wait3A] : memref<10112x128xf32, #tpu.memory_space<vmem_shared>> -> memref<128x128xf32, #tpu.memory_space<vmem_shared>>
      %dma_wait3A_45 = arith.constant 0 : i32
      %dma_wait3A_46 = tpu.memref_slice %arg10[%add3A_7, %dma_wait3A_45] : memref<10112x128xf32, #tpu.memory_space<vmem_shared>> -> memref<128x128xf32, #tpu.memory_space<vmem_shared>>
      tpu.wait_dma2 semaphore(%run_scoped3A : memref<!tpu.dma_semaphore, #tpu.memory_space<semaphore_mem>>) src(%arg8 : memref<128x128xf32, #tpu.memory_space<vmem>>) dst(%dma_wait3A_46 : memref<128x128xf32, #tpu.memory_space<vmem_shared>>)
      tpu.yield
    }) : () -> ()
    %add3A_8 = arith.constant 128 : i32
    %add3A_9 = arith.addi %mul3A_0, %add3A_8 : i32
    "tpu.region"() ({
      %run_scoped3A = tpu.sem_alloc : memref<!tpu.dma_semaphore, #tpu.memory_space<semaphore_mem>>
      %dma_start3A = arith.constant 0 : i32
      %dma_start3A_41 = tpu.memref_slice %arg10[%add3A_9, %dma_start3A] : memref<10112x128xf32, #tpu.memory_space<vmem_shared>> -> memref<128x128xf32, #tpu.memory_space<vmem_shared>>
      %dma_start3A_42 = arith.constant 0 : i32
      %dma_start3A_43 = tpu.memref_slice %arg10[%add3A_9, %dma_start3A_42] : memref<10112x128xf32, #tpu.memory_space<vmem_shared>> -> memref<128x128xf32, #tpu.memory_space<vmem_shared>>
      tpu.enqueue_dma source(%arg8 : memref<128x128xf32, #tpu.memory_space<vmem>>) target(%dma_start3A_43 : memref<128x128xf32, #tpu.memory_space<vmem_shared>>) target_semaphore(%run_scoped3A : memref<!tpu.dma_semaphore, #tpu.memory_space<semaphore_mem>>)
      %dma_wait3A = arith.constant 0 : i32
      %dma_wait3A_44 = tpu.memref_slice %arg10[%add3A_9, %dma_wait3A] : memref<10112x128xf32, #tpu.memory_space<vmem_shared>> -> memref<128x128xf32, #tpu.memory_space<vmem_shared>>
      %dma_wait3A_45 = arith.constant 0 : i32
      %dma_wait3A_46 = tpu.memref_slice %arg10[%add3A_9, %dma_wait3A_45] : memref<10112x128xf32, #tpu.memory_space<vmem_shared>> -> memref<128x128xf32, #tpu.memory_space<vmem_shared>>
      tpu.wait_dma2 semaphore(%run_scoped3A : memref<!tpu.dma_semaphore, #tpu.memory_space<semaphore_mem>>) src(%arg8 : memref<128x128xf32, #tpu.memory_space<vmem>>) dst(%dma_wait3A_46 : memref<128x128xf32, #tpu.memory_space<vmem_shared>>)
      tpu.yield
    }) : () -> ()
    %add3A_10 = arith.constant 256 : i32
    %add3A_11 = arith.addi %mul3A_0, %add3A_10 : i32
    "tpu.region"() ({
      %run_scoped3A = tpu.sem_alloc : memref<!tpu.dma_semaphore, #tpu.memory_space<semaphore_mem>>
      %dma_start3A = arith.constant 0 : i32
      %dma_start3A_41 = tpu.memref_slice %arg10[%add3A_11, %dma_start3A] : memref<10112x128xf32, #tpu.memory_space<vmem_shared>> -> memref<128x128xf32, #tpu.memory_space<vmem_shared>>
      %dma_start3A_42 = arith.constant 0 : i32
      %dma_start3A_43 = tpu.memref_slice %arg10[%add3A_11, %dma_start3A_42] : memref<10112x128xf32, #tpu.memory_space<vmem_shared>> -> memref<128x128xf32, #tpu.memory_space<vmem_shared>>
      tpu.enqueue_dma source(%arg8 : memref<128x128xf32, #tpu.memory_space<vmem>>) target(%dma_start3A_43 : memref<128x128xf32, #tpu.memory_space<vmem_shared>>) target_semaphore(%run_scoped3A : memref<!tpu.dma_semaphore, #tpu.memory_space<semaphore_mem>>)
      %dma_wait3A = arith.constant 0 : i32
      %dma_wait3A_44 = tpu.memref_slice %arg10[%add3A_11, %dma_wait3A] : memref<10112x128xf32, #tpu.memory_space<vmem_shared>> -> memref<128x128xf32, #tpu.memory_space<vmem_shared>>
      %dma_wait3A_45 = arith.constant 0 : i32
      %dma_wait3A_46 = tpu.memref_slice %arg10[%add3A_11, %dma_wait3A_45] : memref<10112x128xf32, #tpu.memory_space<vmem_shared>> -> memref<128x128xf32, #tpu.memory_space<vmem_shared>>
      tpu.wait_dma2 semaphore(%run_scoped3A : memref<!tpu.dma_semaphore, #tpu.memory_space<semaphore_mem>>) src(%arg8 : memref<128x128xf32, #tpu.memory_space<vmem>>) dst(%dma_wait3A_46 : memref<128x128xf32, #tpu.memory_space<vmem_shared>>)
      tpu.yield
    }) : () -> ()
    %add3A_12 = arith.constant 384 : i32
    %add3A_13 = arith.addi %mul3A_0, %add3A_12 : i32
    "tpu.region"() ({
      %run_scoped3A = tpu.sem_alloc : memref<!tpu.dma_semaphore, #tpu.memory_space<semaphore_mem>>
      %dma_start3A = arith.constant 0 : i32
      %dma_start3A_41 = tpu.memref_slice %arg10[%add3A_13, %dma_start3A] : memref<10112x128xf32, #tpu.memory_space<vmem_shared>> -> memref<128x128xf32, #tpu.memory_space<vmem_shared>>
      %dma_start3A_42 = arith.constant 0 : i32
      %dma_start3A_43 = tpu.memref_slice %arg10[%add3A_13, %dma_start3A_42] : memref<10112x128xf32, #tpu.memory_space<vmem_shared>> -> memref<128x128xf32, #tpu.memory_space<vmem_shared>>
      tpu.enqueue_dma source(%arg8 : memref<128x128xf32, #tpu.memory_space<vmem>>) target(%dma_start3A_43 : memref<128x128xf32, #tpu.memory_space<vmem_shared>>) target_semaphore(%run_scoped3A : memref<!tpu.dma_semaphore, #tpu.memory_space<semaphore_mem>>)
      %dma_wait3A = arith.constant 0 : i32
      %dma_wait3A_44 = tpu.memref_slice %arg10[%add3A_13, %dma_wait3A] : memref<10112x128xf32, #tpu.memory_space<vmem_shared>> -> memref<128x128xf32, #tpu.memory_space<vmem_shared>>
      %dma_wait3A_45 = arith.constant 0 : i32
      %dma_wait3A_46 = tpu.memref_slice %arg10[%add3A_13, %dma_wait3A_45] : memref<10112x128xf32, #tpu.memory_space<vmem_shared>> -> memref<128x128xf32, #tpu.memory_space<vmem_shared>>
      tpu.wait_dma2 semaphore(%run_scoped3A : memref<!tpu.dma_semaphore, #tpu.memory_space<semaphore_mem>>) src(%arg8 : memref<128x128xf32, #tpu.memory_space<vmem>>) dst(%dma_wait3A_46 : memref<128x128xf32, #tpu.memory_space<vmem_shared>>)
      tpu.yield
    }) : () -> ()
    %add3A_14 = arith.constant 512 : i32
    %add3A_15 = arith.addi %mul3A_0, %add3A_14 : i32
    "tpu.region"() ({
      %run_scoped3A = tpu.sem_alloc : memref<!tpu.dma_semaphore, #tpu.memory_space<semaphore_mem>>
      %dma_start3A = arith.constant 0 : i32
      %dma_start3A_41 = arith.constant 0 : i32
      %dma_start3A_42 = tpu.memref_slice %arg8[%dma_start3A, %dma_start3A_41] : memref<128x128xf32, #tpu.memory_space<vmem>> -> memref<120x128xf32, #tpu.memory_space<vmem>>
      %dma_start3A_43 = arith.constant 0 : i32
      %dma_start3A_44 = tpu.memref_slice %arg10[%add3A_15, %dma_start3A_43] : memref<10112x128xf32, #tpu.memory_space<vmem_shared>> -> memref<120x128xf32, #tpu.memory_space<vmem_shared>>
      %dma_start3A_45 = arith.constant 0 : i32
      %dma_start3A_46 = tpu.memref_slice %arg10[%add3A_15, %dma_start3A_45] : memref<10112x128xf32, #tpu.memory_space<vmem_shared>> -> memref<120x128xf32, #tpu.memory_space<vmem_shared>>
      %dma_start3A_47 = arith.constant 0 : i32
      %dma_start3A_48 = arith.constant 0 : i32
      %dma_start3A_49 = tpu.memref_slice %arg8[%dma_start3A_47, %dma_start3A_48] : memref<128x128xf32, #tpu.memory_space<vmem>> -> memref<120x128xf32, #tpu.memory_space<vmem>>
      tpu.enqueue_dma source(%dma_start3A_49 : memref<120x128xf32, #tpu.memory_space<vmem>>) target(%dma_start3A_46 : memref<120x128xf32, #tpu.memory_space<vmem_shared>>) target_semaphore(%run_scoped3A : memref<!tpu.dma_semaphore, #tpu.memory_space<semaphore_mem>>)
      %dma_wait3A = arith.constant 0 : i32
      %dma_wait3A_50 = arith.constant 0 : i32
      %dma_wait3A_51 = tpu.memref_slice %arg8[%dma_wait3A, %dma_wait3A_50] : memref<128x128xf32, #tpu.memory_space<vmem>> -> memref<120x128xf32, #tpu.memory_space<vmem>>
      %dma_wait3A_52 = arith.constant 0 : i32
      %dma_wait3A_53 = tpu.memref_slice %arg10[%add3A_15, %dma_wait3A_52] : memref<10112x128xf32, #tpu.memory_space<vmem_shared>> -> memref<120x128xf32, #tpu.memory_space<vmem_shared>>
      %dma_wait3A_54 = arith.constant 0 : i32
      %dma_wait3A_55 = tpu.memref_slice %arg10[%add3A_15, %dma_wait3A_54] : memref<10112x128xf32, #tpu.memory_space<vmem_shared>> -> memref<120x128xf32, #tpu.memory_space<vmem_shared>>
      %dma_wait3A_56 = arith.constant 0 : i32
      %dma_wait3A_57 = arith.constant 0 : i32
      %dma_wait3A_58 = tpu.memref_slice %arg8[%dma_wait3A_56, %dma_wait3A_57] : memref<128x128xf32, #tpu.memory_space<vmem>> -> memref<120x128xf32, #tpu.memory_space<vmem>>
      tpu.wait_dma2 semaphore(%run_scoped3A : memref<!tpu.dma_semaphore, #tpu.memory_space<semaphore_mem>>) src(%dma_wait3A_58 : memref<120x128xf32, #tpu.memory_space<vmem>>) dst(%dma_wait3A_55 : memref<120x128xf32, #tpu.memory_space<vmem_shared>>)
      tpu.yield
    }) : () -> ()
    %barrier3A = arith.constant 0 : index
    tpu.barrier barrier_id(%barrier3A)
    %eq3A = arith.constant 0 : i32
    %eq3A_16 = arith.cmpi eq, %arg0, %eq3A : i32
    %jit3A = arith.constant 2 : i32
    %jit3A_17 = arith.constant 2 : i32
    %select_n3A = arith.select %eq3A_16, %jit3A, %jit3A_17 : i32
    %eq3A_18 = arith.constant 0 : i32
    %eq3A_19 = arith.cmpi eq, %arg0, %eq3A_18 : i32
    %mul3A_20 = arith.constant 2 : i32
    %mul3A_21 = arith.muli %arg1, %mul3A_20 : i32
    %mul3A_22 = arith.constant 40 : i32
    %mul3A_23 = arith.muli %mul3A_21, %mul3A_22 : i32
    %mul3A_24 = arith.constant 2 : i32
    %mul3A_25 = arith.muli %arg1, %mul3A_24 : i32
    %mul3A_26 = arith.constant 40 : i32
    %mul3A_27 = arith.muli %mul3A_25, %mul3A_26 : i32
    %add3A_28 = arith.constant 1280 : i32
    %add3A_29 = arith.addi %add3A_28, %mul3A_27 : i32
    %select_n3A_30 = arith.select %eq3A_19, %mul3A_23, %add3A_29 : i32
    %while3A = arith.constant 0 : i32
    %while3A_31 = arith.constant 0 : i32
    %while3A_32 = arith.subi %select_n3A, %while3A_31 : i32
    %while3A_33 = arith.addi %while3A_31, %while3A_32 : i32
    %while3A_34 = arith.constant 1 : i32
    %while3A_35 = arith.divsi %while3A_32, %while3A_34 : i32
    %while3A_36 = arith.muli %while3A_35, %while3A_34 : i32
    %while3A_37 = arith.addi %while3A_31, %while3A_36 : i32
    %while3A_38 = arith.constant 1 : i32
    scf.for %while3A_41 = %while3A_31 to %while3A_37 step %while3A_38  : i32 {
      %mul3A_42 = arith.constant 40 : i32
      %mul3A_43 = arith.muli %while3A_41, %mul3A_42 : i32
      %add3A_44 = arith.addi %select_n3A_30, %mul3A_43 : i32
      "tpu.region"() ({
        %run_scoped3A = tpu.sem_alloc : memref<!tpu.dma_semaphore, #tpu.memory_space<semaphore_mem>>
        %dma_start3A_77 = arith.constant 0 : i32
        %dma_start3A_78 = tpu.memref_slice %arg3[%add3A_44, %dma_start3A_77] : memref<2560x128xi32, #tpu.memory_space<hbm>> -> memref<40x128xi32, #tpu.memory_space<hbm>>
        %dma_start3A_79 = arith.constant 0 : i32
        %dma_start3A_80 = tpu.memref_slice %arg3[%add3A_44, %dma_start3A_79] : memref<2560x128xi32, #tpu.memory_space<hbm>> -> memref<40x128xi32, #tpu.memory_space<hbm>>
        tpu.enqueue_dma source(%dma_start3A_80 : memref<40x128xi32, #tpu.memory_space<hbm>>) target(%arg6 : memref<40x128xi32, #tpu.memory_space<vmem>>) target_semaphore(%run_scoped3A : memref<!tpu.dma_semaphore, #tpu.memory_space<semaphore_mem>>)
        %dma_wait3A_81 = arith.constant 0 : i32
        %dma_wait3A_82 = tpu.memref_slice %arg3[%add3A_44, %dma_wait3A_81] : memref<2560x128xi32, #tpu.memory_space<hbm>> -> memref<40x128xi32, #tpu.memory_space<hbm>>
        %dma_wait3A_83 = arith.constant 0 : i32
        %dma_wait3A_84 = tpu.memref_slice %arg3[%add3A_44, %dma_wait3A_83] : memref<2560x128xi32, #tpu.memory_space<hbm>> -> memref<40x128xi32, #tpu.memory_space<hbm>>
        tpu.wait_dma2 semaphore(%run_scoped3A : memref<!tpu.dma_semaphore, #tpu.memory_space<semaphore_mem>>) src(%dma_wait3A_84 : memref<40x128xi32, #tpu.memory_space<hbm>>) dst(%arg6 : memref<40x128xi32, #tpu.memory_space<vmem>>)
        tpu.yield
      }) : () -> ()
      "tpu.region"() ({
        %run_scoped3A = tpu.sem_alloc : memref<!tpu.dma_semaphore, #tpu.memory_space<semaphore_mem>>
        %dma_start3A_77 = arith.constant 0 : i32
        %dma_start3A_78 = tpu.memref_slice %arg4[%add3A_44, %dma_start3A_77] : memref<2560x128xi32, #tpu.memory_space<hbm>> -> memref<40x128xi32, #tpu.memory_space<hbm>>
        %dma_start3A_79 = arith.constant 0 : i32
        %dma_start3A_80 = tpu.memref_slice %arg4[%add3A_44, %dma_start3A_79] : memref<2560x128xi32, #tpu.memory_space<hbm>> -> memref<40x128xi32, #tpu.memory_space<hbm>>
        tpu.enqueue_dma source(%dma_start3A_80 : memref<40x128xi32, #tpu.memory_space<hbm>>) target(%arg7 : memref<40x128xi32, #tpu.memory_space<vmem>>) target_semaphore(%run_scoped3A : memref<!tpu.dma_semaphore, #tpu.memory_space<semaphore_mem>>)
        %dma_wait3A_81 = arith.constant 0 : i32
        %dma_wait3A_82 = tpu.memref_slice %arg4[%add3A_44, %dma_wait3A_81] : memref<2560x128xi32, #tpu.memory_space<hbm>> -> memref<40x128xi32, #tpu.memory_space<hbm>>
        %dma_wait3A_83 = arith.constant 0 : i32
        %dma_wait3A_84 = tpu.memref_slice %arg4[%add3A_44, %dma_wait3A_83] : memref<2560x128xi32, #tpu.memory_space<hbm>> -> memref<40x128xi32, #tpu.memory_space<hbm>>
        tpu.wait_dma2 semaphore(%run_scoped3A : memref<!tpu.dma_semaphore, #tpu.memory_space<semaphore_mem>>) src(%dma_wait3A_84 : memref<40x128xi32, #tpu.memory_space<hbm>>) dst(%arg7 : memref<40x128xi32, #tpu.memory_space<vmem>>)
        tpu.yield
      }) : () -> ()
      %dma_start3A = arith.constant 0 : i32
      %dma_start3A_45 = arith.constant 0 : i32
      %dma_start3A_46 = tpu.memref_slice %arg6[%dma_start3A, %dma_start3A_45] : memref<40x128xi32, #tpu.memory_space<vmem>> -> memref<1x128xi32, #tpu.memory_space<vmem>>
      %dma_start3A_47 = tpu.memref_squeeze %dma_start3A_46 : memref<1x128xi32, #tpu.memory_space<vmem>> -> memref<128xi32, #tpu.memory_space<vmem>>
      %dma_start3A_48 = arith.constant 0 : i32
      %dma_start3A_49 = arith.constant 0 : i32
      %dma_start3A_50 = tpu.memref_slice %arg2[%dma_start3A_48, %dma_start3A_49] : memref<10000x128xf32, #tpu.memory_space<hbm>> -> memref<10000x128xf32, #tpu.memory_space<hbm>>
      tpu.enqueue_indirect_dma source(%dma_start3A_50 : memref<10000x128xf32, #tpu.memory_space<hbm>>) target(%arg8 : memref<128x128xf32, #tpu.memory_space<vmem>>) offsets(%dma_start3A_47 : memref<128xi32, #tpu.memory_space<vmem>>) semaphore(%arg11 : memref<!tpu.dma_semaphore, #tpu.memory_space<semaphore_mem>>)
      %dma_start3A_51 = arith.constant 1 : i32
      %dma_start3A_52 = arith.constant 0 : i32
      %dma_start3A_53 = tpu.memref_slice %arg6[%dma_start3A_51, %dma_start3A_52] : memref<40x128xi32, #tpu.memory_space<vmem>> -> memref<1x128xi32, #tpu.memory_space<vmem>>
      %dma_start3A_54 = tpu.memref_squeeze %dma_start3A_53 : memref<1x128xi32, #tpu.memory_space<vmem>> -> memref<128xi32, #tpu.memory_space<vmem>>
      %dma_start3A_55 = arith.constant 0 : i32
      %dma_start3A_56 = arith.constant 0 : i32
      %dma_start3A_57 = tpu.memref_slice %arg2[%dma_start3A_55, %dma_start3A_56] : memref<10000x128xf32, #tpu.memory_space<hbm>> -> memref<10000x128xf32, #tpu.memory_space<hbm>>
      tpu.enqueue_indirect_dma source(%dma_start3A_57 : memref<10000x128xf32, #tpu.memory_space<hbm>>) target(%arg9 : memref<128x128xf32, #tpu.memory_space<vmem>>) offsets(%dma_start3A_54 : memref<128xi32, #tpu.memory_space<vmem>>) semaphore(%arg12 : memref<!tpu.dma_semaphore, #tpu.memory_space<semaphore_mem>>)
      %scan3A_58 = arith.constant 0 : i32
      %scan3A_59 = arith.constant 0 : i32
      %scan3A_60 = arith.constant 20 : i32
      %scan3A_61 = arith.addi %scan3A_59, %scan3A_60 : i32
      %scan3A_62 = arith.constant 1 : i32
      scf.for %scan3A_77 = %scan3A_59 to %scan3A_61 step %scan3A_62  : i32 {
        %mul3A_78 = arith.constant 2 : i32
        %mul3A_79 = arith.muli %scan3A_77, %mul3A_78 : i32
        %add3A_80 = arith.constant 0 : i32
        %add3A_81 = arith.addi %mul3A_79, %add3A_80 : i32
        %dma_wait3A_82 = arith.constant 0 : i32
        %dma_wait3A_83 = tpu.memref_slice %arg6[%add3A_81, %dma_wait3A_82] : memref<40x128xi32, #tpu.memory_space<vmem>> -> memref<1x128xi32, #tpu.memory_space<vmem>>
        %dma_wait3A_84 = tpu.memref_squeeze %dma_wait3A_83 : memref<1x128xi32, #tpu.memory_space<vmem>> -> memref<128xi32, #tpu.memory_space<vmem>>
        %dma_wait3A_85 = arith.constant 0 : i32
        %dma_wait3A_86 = arith.constant 0 : i32
        %dma_wait3A_87 = tpu.memref_slice %arg2[%dma_wait3A_85, %dma_wait3A_86] : memref<10000x128xf32, #tpu.memory_space<hbm>> -> memref<10000x128xf32, #tpu.memory_space<hbm>>
        tpu.wait_indirect_dma semaphore(%arg11 : memref<!tpu.dma_semaphore, #tpu.memory_space<semaphore_mem>>) src(%dma_wait3A_87 : memref<10000x128xf32, #tpu.memory_space<hbm>>) dst(%arg8 : memref<128x128xf32, #tpu.memory_space<vmem>>)
        "tpu.region"() ({
          %run_scoped3A = tpu.sem_alloc : memref<!tpu.dma_semaphore, #tpu.memory_space<semaphore_mem>>
          %dma_start3A_117 = arith.constant 0 : i32
          %dma_start3A_118 = tpu.memref_slice %arg7[%add3A_81, %dma_start3A_117] : memref<40x128xi32, #tpu.memory_space<vmem>> -> memref<1x128xi32, #tpu.memory_space<vmem>>
          %dma_start3A_119 = tpu.memref_squeeze %dma_start3A_118 : memref<1x128xi32, #tpu.memory_space<vmem>> -> memref<128xi32, #tpu.memory_space<vmem>>
          %dma_start3A_120 = arith.constant 0 : i32
          %dma_start3A_121 = arith.constant 0 : i32
          %dma_start3A_122 = tpu.memref_slice %arg10[%dma_start3A_120, %dma_start3A_121] : memref<10112x128xf32, #tpu.memory_space<vmem_shared>> -> memref<10112x128xf32, #tpu.memory_space<vmem_shared>>
          tpu.enqueue_indirect_dma source(%arg8 : memref<128x128xf32, #tpu.memory_space<vmem>>) target(%dma_start3A_122 : memref<10112x128xf32, #tpu.memory_space<vmem_shared>>) offsets(%dma_start3A_119 : memref<128xi32, #tpu.memory_space<vmem>>) semaphore(%run_scoped3A : memref<!tpu.dma_semaphore, #tpu.memory_space<semaphore_mem>>) {add = true}
          %dma_wait3A_123 = arith.constant 0 : i32
          %dma_wait3A_124 = tpu.memref_slice %arg7[%add3A_81, %dma_wait3A_123] : memref<40x128xi32, #tpu.memory_space<vmem>> -> memref<1x128xi32, #tpu.memory_space<vmem>>
          %dma_wait3A_125 = tpu.memref_squeeze %dma_wait3A_124 : memref<1x128xi32, #tpu.memory_space<vmem>> -> memref<128xi32, #tpu.memory_space<vmem>>
          %dma_wait3A_126 = arith.constant 0 : i32
          %dma_wait3A_127 = arith.constant 0 : i32
          %dma_wait3A_128 = tpu.memref_slice %arg10[%dma_wait3A_126, %dma_wait3A_127] : memref<10112x128xf32, #tpu.memory_space<vmem_shared>> -> memref<10112x128xf32, #tpu.memory_space<vmem_shared>>
          tpu.wait_indirect_dma semaphore(%run_scoped3A : memref<!tpu.dma_semaphore, #tpu.memory_space<semaphore_mem>>) src(%arg8 : memref<128x128xf32, #tpu.memory_space<vmem>>) dst(%dma_wait3A_128 : memref<10112x128xf32, #tpu.memory_space<vmem_shared>>)
          tpu.yield
        }) : () -> ()
        %add3A_88 = arith.constant 2 : i32
        %add3A_89 = arith.addi %add3A_81, %add3A_88 : i32
        %rem3A = arith.constant 40 : i32
        %rem3A_90 = arith.remsi %add3A_89, %rem3A : i32
        %dma_start3A_91 = arith.constant 0 : i32
        %dma_start3A_92 = tpu.memref_slice %arg6[%rem3A_90, %dma_start3A_91] : memref<40x128xi32, #tpu.memory_space<vmem>> -> memref<1x128xi32, #tpu.memory_space<vmem>>
        %dma_start3A_93 = tpu.memref_squeeze %dma_start3A_92 : memref<1x128xi32, #tpu.memory_space<vmem>> -> memref<128xi32, #tpu.memory_space<vmem>>
        %dma_start3A_94 = arith.constant 0 : i32
        %dma_start3A_95 = arith.constant 0 : i32
        %dma_start3A_96 = tpu.memref_slice %arg2[%dma_start3A_94, %dma_start3A_95] : memref<10000x128xf32, #tpu.memory_space<hbm>> -> memref<10000x128xf32, #tpu.memory_space<hbm>>
        tpu.enqueue_indirect_dma source(%dma_start3A_96 : memref<10000x128xf32, #tpu.memory_space<hbm>>) target(%arg8 : memref<128x128xf32, #tpu.memory_space<vmem>>) offsets(%dma_start3A_93 : memref<128xi32, #tpu.memory_space<vmem>>) semaphore(%arg11 : memref<!tpu.dma_semaphore, #tpu.memory_space<semaphore_mem>>)
        %mul3A_97 = arith.constant 2 : i32
        %mul3A_98 = arith.muli %scan3A_77, %mul3A_97 : i32
        %add3A_99 = arith.constant 1 : i32
        %add3A_100 = arith.addi %mul3A_98, %add3A_99 : i32
        %dma_wait3A_101 = arith.constant 0 : i32
        %dma_wait3A_102 = tpu.memref_slice %arg6[%add3A_100, %dma_wait3A_101] : memref<40x128xi32, #tpu.memory_space<vmem>> -> memref<1x128xi32, #tpu.memory_space<vmem>>
        %dma_wait3A_103 = tpu.memref_squeeze %dma_wait3A_102 : memref<1x128xi32, #tpu.memory_space<vmem>> -> memref<128xi32, #tpu.memory_space<vmem>>
        %dma_wait3A_104 = arith.constant 0 : i32
        %dma_wait3A_105 = arith.constant 0 : i32
        %dma_wait3A_106 = tpu.memref_slice %arg2[%dma_wait3A_104, %dma_wait3A_105] : memref<10000x128xf32, #tpu.memory_space<hbm>> -> memref<10000x128xf32, #tpu.memory_space<hbm>>
        tpu.wait_indirect_dma semaphore(%arg12 : memref<!tpu.dma_semaphore, #tpu.memory_space<semaphore_mem>>) src(%dma_wait3A_106 : memref<10000x128xf32, #tpu.memory_space<hbm>>) dst(%arg9 : memref<128x128xf32, #tpu.memory_space<vmem>>)
        "tpu.region"() ({
          %run_scoped3A = tpu.sem_alloc : memref<!tpu.dma_semaphore, #tpu.memory_space<semaphore_mem>>
          %dma_start3A_117 = arith.constant 0 : i32
          %dma_start3A_118 = tpu.memref_slice %arg7[%add3A_100, %dma_start3A_117] : memref<40x128xi32, #tpu.memory_space<vmem>> -> memref<1x128xi32, #tpu.memory_space<vmem>>
          %dma_start3A_119 = tpu.memref_squeeze %dma_start3A_118 : memref<1x128xi32, #tpu.memory_space<vmem>> -> memref<128xi32, #tpu.memory_space<vmem>>
          %dma_start3A_120 = arith.constant 0 : i32
          %dma_start3A_121 = arith.constant 0 : i32
          %dma_start3A_122 = tpu.memref_slice %arg10[%dma_start3A_120, %dma_start3A_121] : memref<10112x128xf32, #tpu.memory_space<vmem_shared>> -> memref<10112x128xf32, #tpu.memory_space<vmem_shared>>
          tpu.enqueue_indirect_dma source(%arg9 : memref<128x128xf32, #tpu.memory_space<vmem>>) target(%dma_start3A_122 : memref<10112x128xf32, #tpu.memory_space<vmem_shared>>) offsets(%dma_start3A_119 : memref<128xi32, #tpu.memory_space<vmem>>) semaphore(%run_scoped3A : memref<!tpu.dma_semaphore, #tpu.memory_space<semaphore_mem>>) {add = true}
          %dma_wait3A_123 = arith.constant 0 : i32
          %dma_wait3A_124 = tpu.memref_slice %arg7[%add3A_100, %dma_wait3A_123] : memref<40x128xi32, #tpu.memory_space<vmem>> -> memref<1x128xi32, #tpu.memory_space<vmem>>
          %dma_wait3A_125 = tpu.memref_squeeze %dma_wait3A_124 : memref<1x128xi32, #tpu.memory_space<vmem>> -> memref<128xi32, #tpu.memory_space<vmem>>
          %dma_wait3A_126 = arith.constant 0 : i32
          %dma_wait3A_127 = arith.constant 0 : i32
          %dma_wait3A_128 = tpu.memref_slice %arg10[%dma_wait3A_126, %dma_wait3A_127] : memref<10112x128xf32, #tpu.memory_space<vmem_shared>> -> memref<10112x128xf32, #tpu.memory_space<vmem_shared>>
          tpu.wait_indirect_dma semaphore(%run_scoped3A : memref<!tpu.dma_semaphore, #tpu.memory_space<semaphore_mem>>) src(%arg9 : memref<128x128xf32, #tpu.memory_space<vmem>>) dst(%dma_wait3A_128 : memref<10112x128xf32, #tpu.memory_space<vmem_shared>>)
          tpu.yield
        }) : () -> ()
        %add3A_107 = arith.constant 2 : i32
        %add3A_108 = arith.addi %add3A_100, %add3A_107 : i32
        %rem3A_109 = arith.constant 40 : i32
        %rem3A_110 = arith.remsi %add3A_108, %rem3A_109 : i32
        %dma_start3A_111 = arith.constant 0 : i32
        %dma_start3A_112 = tpu.memref_slice %arg6[%rem3A_110, %dma_start3A_111] : memref<40x128xi32, #tpu.memory_space<vmem>> -> memref<1x128xi32, #tpu.memory_space<vmem>>
        %dma_start3A_113 = tpu.memref_squeeze %dma_start3A_112 : memref<1x128xi32, #tpu.memory_space<vmem>> -> memref<128xi32, #tpu.memory_space<vmem>>
        %dma_start3A_114 = arith.constant 0 : i32
        %dma_start3A_115 = arith.constant 0 : i32
        %dma_start3A_116 = tpu.memref_slice %arg2[%dma_start3A_114, %dma_start3A_115] : memref<10000x128xf32, #tpu.memory_space<hbm>> -> memref<10000x128xf32, #tpu.memory_space<hbm>>
        tpu.enqueue_indirect_dma source(%dma_start3A_116 : memref<10000x128xf32, #tpu.memory_space<hbm>>) target(%arg9 : memref<128x128xf32, #tpu.memory_space<vmem>>) offsets(%dma_start3A_113 : memref<128xi32, #tpu.memory_space<vmem>>) semaphore(%arg12 : memref<!tpu.dma_semaphore, #tpu.memory_space<semaphore_mem>>)
      }
      %scan3A_63 = arith.constant 20 : i32
      %dma_wait3A = arith.constant 0 : i32
      %dma_wait3A_64 = arith.constant 0 : i32
      %dma_wait3A_65 = tpu.memref_slice %arg6[%dma_wait3A, %dma_wait3A_64] : memref<40x128xi32, #tpu.memory_space<vmem>> -> memref<1x128xi32, #tpu.memory_space<vmem>>
      %dma_wait3A_66 = tpu.memref_squeeze %dma_wait3A_65 : memref<1x128xi32, #tpu.memory_space<vmem>> -> memref<128xi32, #tpu.memory_space<vmem>>
      %dma_wait3A_67 = arith.constant 0 : i32
      %dma_wait3A_68 = arith.constant 0 : i32
      %dma_wait3A_69 = tpu.memref_slice %arg2[%dma_wait3A_67, %dma_wait3A_68] : memref<10000x128xf32, #tpu.memory_space<hbm>> -> memref<10000x128xf32, #tpu.memory_space<hbm>>
      tpu.wait_indirect_dma semaphore(%arg11 : memref<!tpu.dma_semaphore, #tpu.memory_space<semaphore_mem>>) src(%dma_wait3A_69 : memref<10000x128xf32, #tpu.memory_space<hbm>>) dst(%arg8 : memref<128x128xf32, #tpu.memory_space<vmem>>)
      %dma_wait3A_70 = arith.constant 1 : i32
      %dma_wait3A_71 = arith.constant 0 : i32
      %dma_wait3A_72 = tpu.memref_slice %arg6[%dma_wait3A_70, %dma_wait3A_71] : memref<40x128xi32, #tpu.memory_space<vmem>> -> memref<1x128xi32, #tpu.memory_space<vmem>>
      %dma_wait3A_73 = tpu.memref_squeeze %dma_wait3A_72 : memref<1x128xi32, #tpu.memory_space<vmem>> -> memref<128xi32, #tpu.memory_space<vmem>>
      %dma_wait3A_74 = arith.constant 0 : i32
      %dma_wait3A_75 = arith.constant 0 : i32
      %dma_wait3A_76 = tpu.memref_slice %arg2[%dma_wait3A_74, %dma_wait3A_75] : memref<10000x128xf32, #tpu.memory_space<hbm>> -> memref<10000x128xf32, #tpu.memory_space<hbm>>
      tpu.wait_indirect_dma semaphore(%arg12 : memref<!tpu.dma_semaphore, #tpu.memory_space<semaphore_mem>>) src(%dma_wait3A_76 : memref<10000x128xf32, #tpu.memory_space<hbm>>) dst(%arg9 : memref<128x128xf32, #tpu.memory_space<vmem>>)
    }
    %while3A_39 = arith.constant 1 : i32
    scf.for %while3A_41 = %while3A_37 to %while3A_33 step %while3A_39  : i32 {
      %mul3A_42 = arith.constant 40 : i32
      %mul3A_43 = arith.muli %while3A_41, %mul3A_42 : i32
      %add3A_44 = arith.addi %select_n3A_30, %mul3A_43 : i32
      "tpu.region"() ({
        %run_scoped3A = tpu.sem_alloc : memref<!tpu.dma_semaphore, #tpu.memory_space<semaphore_mem>>
        %dma_start3A_77 = arith.constant 0 : i32
        %dma_start3A_78 = tpu.memref_slice %arg3[%add3A_44, %dma_start3A_77] : memref<2560x128xi32, #tpu.memory_space<hbm>> -> memref<40x128xi32, #tpu.memory_space<hbm>>
        %dma_start3A_79 = arith.constant 0 : i32
        %dma_start3A_80 = tpu.memref_slice %arg3[%add3A_44, %dma_start3A_79] : memref<2560x128xi32, #tpu.memory_space<hbm>> -> memref<40x128xi32, #tpu.memory_space<hbm>>
        tpu.enqueue_dma source(%dma_start3A_80 : memref<40x128xi32, #tpu.memory_space<hbm>>) target(%arg6 : memref<40x128xi32, #tpu.memory_space<vmem>>) target_semaphore(%run_scoped3A : memref<!tpu.dma_semaphore, #tpu.memory_space<semaphore_mem>>)
        %dma_wait3A_81 = arith.constant 0 : i32
        %dma_wait3A_82 = tpu.memref_slice %arg3[%add3A_44, %dma_wait3A_81] : memref<2560x128xi32, #tpu.memory_space<hbm>> -> memref<40x128xi32, #tpu.memory_space<hbm>>
        %dma_wait3A_83 = arith.constant 0 : i32
        %dma_wait3A_84 = tpu.memref_slice %arg3[%add3A_44, %dma_wait3A_83] : memref<2560x128xi32, #tpu.memory_space<hbm>> -> memref<40x128xi32, #tpu.memory_space<hbm>>
        tpu.wait_dma2 semaphore(%run_scoped3A : memref<!tpu.dma_semaphore, #tpu.memory_space<semaphore_mem>>) src(%dma_wait3A_84 : memref<40x128xi32, #tpu.memory_space<hbm>>) dst(%arg6 : memref<40x128xi32, #tpu.memory_space<vmem>>)
        tpu.yield
      }) : () -> ()
      "tpu.region"() ({
        %run_scoped3A = tpu.sem_alloc : memref<!tpu.dma_semaphore, #tpu.memory_space<semaphore_mem>>
        %dma_start3A_77 = arith.constant 0 : i32
        %dma_start3A_78 = tpu.memref_slice %arg4[%add3A_44, %dma_start3A_77] : memref<2560x128xi32, #tpu.memory_space<hbm>> -> memref<40x128xi32, #tpu.memory_space<hbm>>
        %dma_start3A_79 = arith.constant 0 : i32
        %dma_start3A_80 = tpu.memref_slice %arg4[%add3A_44, %dma_start3A_79] : memref<2560x128xi32, #tpu.memory_space<hbm>> -> memref<40x128xi32, #tpu.memory_space<hbm>>
        tpu.enqueue_dma source(%dma_start3A_80 : memref<40x128xi32, #tpu.memory_space<hbm>>) target(%arg7 : memref<40x128xi32, #tpu.memory_space<vmem>>) target_semaphore(%run_scoped3A : memref<!tpu.dma_semaphore, #tpu.memory_space<semaphore_mem>>)
        %dma_wait3A_81 = arith.constant 0 : i32
        %dma_wait3A_82 = tpu.memref_slice %arg4[%add3A_44, %dma_wait3A_81] : memref<2560x128xi32, #tpu.memory_space<hbm>> -> memref<40x128xi32, #tpu.memory_space<hbm>>
        %dma_wait3A_83 = arith.constant 0 : i32
        %dma_wait3A_84 = tpu.memref_slice %arg4[%add3A_44, %dma_wait3A_83] : memref<2560x128xi32, #tpu.memory_space<hbm>> -> memref<40x128xi32, #tpu.memory_space<hbm>>
        tpu.wait_dma2 semaphore(%run_scoped3A : memref<!tpu.dma_semaphore, #tpu.memory_space<semaphore_mem>>) src(%dma_wait3A_84 : memref<40x128xi32, #tpu.memory_space<hbm>>) dst(%arg7 : memref<40x128xi32, #tpu.memory_space<vmem>>)
        tpu.yield
      }) : () -> ()
      %dma_start3A = arith.constant 0 : i32
      %dma_start3A_45 = arith.constant 0 : i32
      %dma_start3A_46 = tpu.memref_slice %arg6[%dma_start3A, %dma_start3A_45] : memref<40x128xi32, #tpu.memory_space<vmem>> -> memref<1x128xi32, #tpu.memory_space<vmem>>
      %dma_start3A_47 = tpu.memref_squeeze %dma_start3A_46 : memref<1x128xi32, #tpu.memory_space<vmem>> -> memref<128xi32, #tpu.memory_space<vmem>>
      %dma_start3A_48 = arith.constant 0 : i32
      %dma_start3A_49 = arith.constant 0 : i32
      %dma_start3A_50 = tpu.memref_slice %arg2[%dma_start3A_48, %dma_start3A_49] : memref<10000x128xf32, #tpu.memory_space<hbm>> -> memref<10000x128xf32, #tpu.memory_space<hbm>>
      tpu.enqueue_indirect_dma source(%dma_start3A_50 : memref<10000x128xf32, #tpu.memory_space<hbm>>) target(%arg8 : memref<128x128xf32, #tpu.memory_space<vmem>>) offsets(%dma_start3A_47 : memref<128xi32, #tpu.memory_space<vmem>>) semaphore(%arg11 : memref<!tpu.dma_semaphore, #tpu.memory_space<semaphore_mem>>)
      %dma_start3A_51 = arith.constant 1 : i32
      %dma_start3A_52 = arith.constant 0 : i32
      %dma_start3A_53 = tpu.memref_slice %arg6[%dma_start3A_51, %dma_start3A_52] : memref<40x128xi32, #tpu.memory_space<vmem>> -> memref<1x128xi32, #tpu.memory_space<vmem>>
      %dma_start3A_54 = tpu.memref_squeeze %dma_start3A_53 : memref<1x128xi32, #tpu.memory_space<vmem>> -> memref<128xi32, #tpu.memory_space<vmem>>
      %dma_start3A_55 = arith.constant 0 : i32
      %dma_start3A_56 = arith.constant 0 : i32
      %dma_start3A_57 = tpu.memref_slice %arg2[%dma_start3A_55, %dma_start3A_56] : memref<10000x128xf32, #tpu.memory_space<hbm>> -> memref<10000x128xf32, #tpu.memory_space<hbm>>
      tpu.enqueue_indirect_dma source(%dma_start3A_57 : memref<10000x128xf32, #tpu.memory_space<hbm>>) target(%arg9 : memref<128x128xf32, #tpu.memory_space<vmem>>) offsets(%dma_start3A_54 : memref<128xi32, #tpu.memory_space<vmem>>) semaphore(%arg12 : memref<!tpu.dma_semaphore, #tpu.memory_space<semaphore_mem>>)
      %scan3A_58 = arith.constant 0 : i32
      %scan3A_59 = arith.constant 0 : i32
      %scan3A_60 = arith.constant 20 : i32
      %scan3A_61 = arith.addi %scan3A_59, %scan3A_60 : i32
      %scan3A_62 = arith.constant 1 : i32
      scf.for %scan3A_77 = %scan3A_59 to %scan3A_61 step %scan3A_62  : i32 {
        %mul3A_78 = arith.constant 2 : i32
        %mul3A_79 = arith.muli %scan3A_77, %mul3A_78 : i32
        %add3A_80 = arith.constant 0 : i32
        %add3A_81 = arith.addi %mul3A_79, %add3A_80 : i32
        %dma_wait3A_82 = arith.constant 0 : i32
        %dma_wait3A_83 = tpu.memref_slice %arg6[%add3A_81, %dma_wait3A_82] : memref<40x128xi32, #tpu.memory_space<vmem>> -> memref<1x128xi32, #tpu.memory_space<vmem>>
        %dma_wait3A_84 = tpu.memref_squeeze %dma_wait3A_83 : memref<1x128xi32, #tpu.memory_space<vmem>> -> memref<128xi32, #tpu.memory_space<vmem>>
        %dma_wait3A_85 = arith.constant 0 : i32
        %dma_wait3A_86 = arith.constant 0 : i32
        %dma_wait3A_87 = tpu.memref_slice %arg2[%dma_wait3A_85, %dma_wait3A_86] : memref<10000x128xf32, #tpu.memory_space<hbm>> -> memref<10000x128xf32, #tpu.memory_space<hbm>>
        tpu.wait_indirect_dma semaphore(%arg11 : memref<!tpu.dma_semaphore, #tpu.memory_space<semaphore_mem>>) src(%dma_wait3A_87 : memref<10000x128xf32, #tpu.memory_space<hbm>>) dst(%arg8 : memref<128x128xf32, #tpu.memory_space<vmem>>)
        "tpu.region"() ({
          %run_scoped3A = tpu.sem_alloc : memref<!tpu.dma_semaphore, #tpu.memory_space<semaphore_mem>>
          %dma_start3A_117 = arith.constant 0 : i32
          %dma_start3A_118 = tpu.memref_slice %arg7[%add3A_81, %dma_start3A_117] : memref<40x128xi32, #tpu.memory_space<vmem>> -> memref<1x128xi32, #tpu.memory_space<vmem>>
          %dma_start3A_119 = tpu.memref_squeeze %dma_start3A_118 : memref<1x128xi32, #tpu.memory_space<vmem>> -> memref<128xi32, #tpu.memory_space<vmem>>
          %dma_start3A_120 = arith.constant 0 : i32
          %dma_start3A_121 = arith.constant 0 : i32
          %dma_start3A_122 = tpu.memref_slice %arg10[%dma_start3A_120, %dma_start3A_121] : memref<10112x128xf32, #tpu.memory_space<vmem_shared>> -> memref<10112x128xf32, #tpu.memory_space<vmem_shared>>
          tpu.enqueue_indirect_dma source(%arg8 : memref<128x128xf32, #tpu.memory_space<vmem>>) target(%dma_start3A_122 : memref<10112x128xf32, #tpu.memory_space<vmem_shared>>) offsets(%dma_start3A_119 : memref<128xi32, #tpu.memory_space<vmem>>) semaphore(%run_scoped3A : memref<!tpu.dma_semaphore, #tpu.memory_space<semaphore_mem>>) {add = true}
          %dma_wait3A_123 = arith.constant 0 : i32
          %dma_wait3A_124 = tpu.memref_slice %arg7[%add3A_81, %dma_wait3A_123] : memref<40x128xi32, #tpu.memory_space<vmem>> -> memref<1x128xi32, #tpu.memory_space<vmem>>
          %dma_wait3A_125 = tpu.memref_squeeze %dma_wait3A_124 : memref<1x128xi32, #tpu.memory_space<vmem>> -> memref<128xi32, #tpu.memory_space<vmem>>
          %dma_wait3A_126 = arith.constant 0 : i32
          %dma_wait3A_127 = arith.constant 0 : i32
          %dma_wait3A_128 = tpu.memref_slice %arg10[%dma_wait3A_126, %dma_wait3A_127] : memref<10112x128xf32, #tpu.memory_space<vmem_shared>> -> memref<10112x128xf32, #tpu.memory_space<vmem_shared>>
          tpu.wait_indirect_dma semaphore(%run_scoped3A : memref<!tpu.dma_semaphore, #tpu.memory_space<semaphore_mem>>) src(%arg8 : memref<128x128xf32, #tpu.memory_space<vmem>>) dst(%dma_wait3A_128 : memref<10112x128xf32, #tpu.memory_space<vmem_shared>>)
          tpu.yield
        }) : () -> ()
        %add3A_88 = arith.constant 2 : i32
        %add3A_89 = arith.addi %add3A_81, %add3A_88 : i32
        %rem3A = arith.constant 40 : i32
        %rem3A_90 = arith.remsi %add3A_89, %rem3A : i32
        %dma_start3A_91 = arith.constant 0 : i32
        %dma_start3A_92 = tpu.memref_slice %arg6[%rem3A_90, %dma_start3A_91] : memref<40x128xi32, #tpu.memory_space<vmem>> -> memref<1x128xi32, #tpu.memory_space<vmem>>
        %dma_start3A_93 = tpu.memref_squeeze %dma_start3A_92 : memref<1x128xi32, #tpu.memory_space<vmem>> -> memref<128xi32, #tpu.memory_space<vmem>>
        %dma_start3A_94 = arith.constant 0 : i32
        %dma_start3A_95 = arith.constant 0 : i32
        %dma_start3A_96 = tpu.memref_slice %arg2[%dma_start3A_94, %dma_start3A_95] : memref<10000x128xf32, #tpu.memory_space<hbm>> -> memref<10000x128xf32, #tpu.memory_space<hbm>>
        tpu.enqueue_indirect_dma source(%dma_start3A_96 : memref<10000x128xf32, #tpu.memory_space<hbm>>) target(%arg8 : memref<128x128xf32, #tpu.memory_space<vmem>>) offsets(%dma_start3A_93 : memref<128xi32, #tpu.memory_space<vmem>>) semaphore(%arg11 : memref<!tpu.dma_semaphore, #tpu.memory_space<semaphore_mem>>)
        %mul3A_97 = arith.constant 2 : i32
        %mul3A_98 = arith.muli %scan3A_77, %mul3A_97 : i32
        %add3A_99 = arith.constant 1 : i32
        %add3A_100 = arith.addi %mul3A_98, %add3A_99 : i32
        %dma_wait3A_101 = arith.constant 0 : i32
        %dma_wait3A_102 = tpu.memref_slice %arg6[%add3A_100, %dma_wait3A_101] : memref<40x128xi32, #tpu.memory_space<vmem>> -> memref<1x128xi32, #tpu.memory_space<vmem>>
        %dma_wait3A_103 = tpu.memref_squeeze %dma_wait3A_102 : memref<1x128xi32, #tpu.memory_space<vmem>> -> memref<128xi32, #tpu.memory_space<vmem>>
        %dma_wait3A_104 = arith.constant 0 : i32
        %dma_wait3A_105 = arith.constant 0 : i32
        %dma_wait3A_106 = tpu.memref_slice %arg2[%dma_wait3A_104, %dma_wait3A_105] : memref<10000x128xf32, #tpu.memory_space<hbm>> -> memref<10000x128xf32, #tpu.memory_space<hbm>>
        tpu.wait_indirect_dma semaphore(%arg12 : memref<!tpu.dma_semaphore, #tpu.memory_space<semaphore_mem>>) src(%dma_wait3A_106 : memref<10000x128xf32, #tpu.memory_space<hbm>>) dst(%arg9 : memref<128x128xf32, #tpu.memory_space<vmem>>)
        "tpu.region"() ({
          %run_scoped3A = tpu.sem_alloc : memref<!tpu.dma_semaphore, #tpu.memory_space<semaphore_mem>>
          %dma_start3A_117 = arith.constant 0 : i32
          %dma_start3A_118 = tpu.memref_slice %arg7[%add3A_100, %dma_start3A_117] : memref<40x128xi32, #tpu.memory_space<vmem>> -> memref<1x128xi32, #tpu.memory_space<vmem>>
          %dma_start3A_119 = tpu.memref_squeeze %dma_start3A_118 : memref<1x128xi32, #tpu.memory_space<vmem>> -> memref<128xi32, #tpu.memory_space<vmem>>
          %dma_start3A_120 = arith.constant 0 : i32
          %dma_start3A_121 = arith.constant 0 : i32
          %dma_start3A_122 = tpu.memref_slice %arg10[%dma_start3A_120, %dma_start3A_121] : memref<10112x128xf32, #tpu.memory_space<vmem_shared>> -> memref<10112x128xf32, #tpu.memory_space<vmem_shared>>
          tpu.enqueue_indirect_dma source(%arg9 : memref<128x128xf32, #tpu.memory_space<vmem>>) target(%dma_start3A_122 : memref<10112x128xf32, #tpu.memory_space<vmem_shared>>) offsets(%dma_start3A_119 : memref<128xi32, #tpu.memory_space<vmem>>) semaphore(%run_scoped3A : memref<!tpu.dma_semaphore, #tpu.memory_space<semaphore_mem>>) {add = true}
          %dma_wait3A_123 = arith.constant 0 : i32
          %dma_wait3A_124 = tpu.memref_slice %arg7[%add3A_100, %dma_wait3A_123] : memref<40x128xi32, #tpu.memory_space<vmem>> -> memref<1x128xi32, #tpu.memory_space<vmem>>
          %dma_wait3A_125 = tpu.memref_squeeze %dma_wait3A_124 : memref<1x128xi32, #tpu.memory_space<vmem>> -> memref<128xi32, #tpu.memory_space<vmem>>
          %dma_wait3A_126 = arith.constant 0 : i32
          %dma_wait3A_127 = arith.constant 0 : i32
          %dma_wait3A_128 = tpu.memref_slice %arg10[%dma_wait3A_126, %dma_wait3A_127] : memref<10112x128xf32, #tpu.memory_space<vmem_shared>> -> memref<10112x128xf32, #tpu.memory_space<vmem_shared>>
          tpu.wait_indirect_dma semaphore(%run_scoped3A : memref<!tpu.dma_semaphore, #tpu.memory_space<semaphore_mem>>) src(%arg9 : memref<128x128xf32, #tpu.memory_space<vmem>>) dst(%dma_wait3A_128 : memref<10112x128xf32, #tpu.memory_space<vmem_shared>>)
          tpu.yield
        }) : () -> ()
        %add3A_107 = arith.constant 2 : i32
        %add3A_108 = arith.addi %add3A_100, %add3A_107 : i32
        %rem3A_109 = arith.constant 40 : i32
        %rem3A_110 = arith.remsi %add3A_108, %rem3A_109 : i32
        %dma_start3A_111 = arith.constant 0 : i32
        %dma_start3A_112 = tpu.memref_slice %arg6[%rem3A_110, %dma_start3A_111] : memref<40x128xi32, #tpu.memory_space<vmem>> -> memref<1x128xi32, #tpu.memory_space<vmem>>
        %dma_start3A_113 = tpu.memref_squeeze %dma_start3A_112 : memref<1x128xi32, #tpu.memory_space<vmem>> -> memref<128xi32, #tpu.memory_space<vmem>>
        %dma_start3A_114 = arith.constant 0 : i32
        %dma_start3A_115 = arith.constant 0 : i32
        %dma_start3A_116 = tpu.memref_slice %arg2[%dma_start3A_114, %dma_start3A_115] : memref<10000x128xf32, #tpu.memory_space<hbm>> -> memref<10000x128xf32, #tpu.memory_space<hbm>>
        tpu.enqueue_indirect_dma source(%dma_start3A_116 : memref<10000x128xf32, #tpu.memory_space<hbm>>) target(%arg9 : memref<128x128xf32, #tpu.memory_space<vmem>>) offsets(%dma_start3A_113 : memref<128xi32, #tpu.memory_space<vmem>>) semaphore(%arg12 : memref<!tpu.dma_semaphore, #tpu.memory_space<semaphore_mem>>)
      }
      %scan3A_63 = arith.constant 20 : i32
      %dma_wait3A = arith.constant 0 : i32
      %dma_wait3A_64 = arith.constant 0 : i32
      %dma_wait3A_65 = tpu.memref_slice %arg6[%dma_wait3A, %dma_wait3A_64] : memref<40x128xi32, #tpu.memory_space<vmem>> -> memref<1x128xi32, #tpu.memory_space<vmem>>
      %dma_wait3A_66 = tpu.memref_squeeze %dma_wait3A_65 : memref<1x128xi32, #tpu.memory_space<vmem>> -> memref<128xi32, #tpu.memory_space<vmem>>
      %dma_wait3A_67 = arith.constant 0 : i32
      %dma_wait3A_68 = arith.constant 0 : i32
      %dma_wait3A_69 = tpu.memref_slice %arg2[%dma_wait3A_67, %dma_wait3A_68] : memref<10000x128xf32, #tpu.memory_space<hbm>> -> memref<10000x128xf32, #tpu.memory_space<hbm>>
      tpu.wait_indirect_dma semaphore(%arg11 : memref<!tpu.dma_semaphore, #tpu.memory_space<semaphore_mem>>) src(%dma_wait3A_69 : memref<10000x128xf32, #tpu.memory_space<hbm>>) dst(%arg8 : memref<128x128xf32, #tpu.memory_space<vmem>>)
      %dma_wait3A_70 = arith.constant 1 : i32
      %dma_wait3A_71 = arith.constant 0 : i32
      %dma_wait3A_72 = tpu.memref_slice %arg6[%dma_wait3A_70, %dma_wait3A_71] : memref<40x128xi32, #tpu.memory_space<vmem>> -> memref<1x128xi32, #tpu.memory_space<vmem>>
      %dma_wait3A_73 = tpu.memref_squeeze %dma_wait3A_72 : memref<1x128xi32, #tpu.memory_space<vmem>> -> memref<128xi32, #tpu.memory_space<vmem>>
      %dma_wait3A_74 = arith.constant 0 : i32
      %dma_wait3A_75 = arith.constant 0 : i32
      %dma_wait3A_76 = tpu.memref_slice %arg2[%dma_wait3A_74, %dma_wait3A_75] : memref<10000x128xf32, #tpu.memory_space<hbm>> -> memref<10000x128xf32, #tpu.memory_space<hbm>>
      tpu.wait_indirect_dma semaphore(%arg12 : memref<!tpu.dma_semaphore, #tpu.memory_space<semaphore_mem>>) src(%dma_wait3A_76 : memref<10000x128xf32, #tpu.memory_space<hbm>>) dst(%arg9 : memref<128x128xf32, #tpu.memory_space<vmem>>)
    }
    %barrier3A_40 = arith.constant 0 : index
    tpu.barrier barrier_id(%barrier3A_40)
    "tpu.region"() ({
      %run_scoped3A = tpu.sem_alloc : memref<!tpu.dma_semaphore, #tpu.memory_space<semaphore_mem>>
      %dma_start3A = arith.constant 0 : i32
      %dma_start3A_41 = arith.constant 0 : i32
      %dma_start3A_42 = tpu.memref_slice %arg5[%arg0, %dma_start3A, %dma_start3A_41] : memref<2x10112x128xf32, #tpu.memory_space<hbm>> -> memref<1x10112x128xf32, #tpu.memory_space<hbm>>
      %dma_start3A_43 = tpu.memref_squeeze %dma_start3A_42 : memref<1x10112x128xf32, #tpu.memory_space<hbm>> -> memref<10112x128xf32, #tpu.memory_space<hbm>>
      %dma_start3A_44 = arith.constant 0 : i32
      %dma_start3A_45 = tpu.memref_slice %dma_start3A_43[%mul3A_0, %dma_start3A_44] : memref<10112x128xf32, #tpu.memory_space<hbm>> -> memref<632x128xf32, #tpu.memory_space<hbm>>
      %dma_start3A_46 = arith.constant 0 : i32
      %dma_start3A_47 = tpu.memref_slice %arg10[%mul3A_0, %dma_start3A_46] : memref<10112x128xf32, #tpu.memory_space<vmem_shared>> -> memref<632x128xf32, #tpu.memory_space<vmem_shared>>
      tpu.enqueue_dma source(%dma_start3A_47 : memref<632x128xf32, #tpu.memory_space<vmem_shared>>) target(%dma_start3A_45 : memref<632x128xf32, #tpu.memory_space<hbm>>) target_semaphore(%run_scoped3A : memref<!tpu.dma_semaphore, #tpu.memory_space<semaphore_mem>>)
      %dma_wait3A = arith.constant 0 : i32
      %dma_wait3A_48 = arith.constant 0 : i32
      %dma_wait3A_49 = tpu.memref_slice %arg5[%arg0, %dma_wait3A, %dma_wait3A_48] : memref<2x10112x128xf32, #tpu.memory_space<hbm>> -> memref<1x10112x128xf32, #tpu.memory_space<hbm>>
      %dma_wait3A_50 = tpu.memref_squeeze %dma_wait3A_49 : memref<1x10112x128xf32, #tpu.memory_space<hbm>> -> memref<10112x128xf32, #tpu.memory_space<hbm>>
      %dma_wait3A_51 = arith.constant 0 : i32
      %dma_wait3A_52 = tpu.memref_slice %dma_wait3A_50[%mul3A_0, %dma_wait3A_51] : memref<10112x128xf32, #tpu.memory_space<hbm>> -> memref<632x128xf32, #tpu.memory_space<hbm>>
      %dma_wait3A_53 = arith.constant 0 : i32
      %dma_wait3A_54 = tpu.memref_slice %arg10[%mul3A_0, %dma_wait3A_53] : memref<10112x128xf32, #tpu.memory_space<vmem_shared>> -> memref<632x128xf32, #tpu.memory_space<vmem_shared>>
      tpu.wait_dma2 semaphore(%run_scoped3A : memref<!tpu.dma_semaphore, #tpu.memory_space<semaphore_mem>>) src(%dma_wait3A_54 : memref<632x128xf32, #tpu.memory_space<vmem_shared>>) dst(%dma_wait3A_52 : memref<632x128xf32, #tpu.memory_space<hbm>>)
      tpu.yield
    }) : () -> ()
    return
  }
}

module attributes {stable_mosaic.version = 14 : i64} {
  func.func @_tc_mlp_pre_body(%arg0: i32, %arg1: memref<1000x256xf32, #tpu.memory_space<vmem>>, %arg2: memref<256x256xf32, #tpu.memory_space<vmem>>, %arg3: memref<1x256xf32, #tpu.memory_space<vmem>>, %arg4: memref<256x256xf32, #tpu.memory_space<vmem>>, %arg5: memref<1x256xf32, #tpu.memory_space<vmem>>, %arg6: memref<1000x256xf32, #tpu.memory_space<vmem>>) attributes {dimension_semantics = [#tpu.dimension_semantics<arbitrary>], iteration_bounds = array<i64: 10>, scalar_prefetch = 0 : i64, scratch_operands = 0 : i64, tpu.core_type = #tpu.core_type<tc>, window_params = [{transform_indices = @transform_0, window_bounds = array<i64: 1000, 256>}, {pipeline_mode = #tpu.pipeline_mode<synchronous>, transform_indices = @transform_1, window_bounds = array<i64: 256, 256>}, {pipeline_mode = #tpu.pipeline_mode<synchronous>, transform_indices = @transform_2, window_bounds = array<i64: 1, 256>}, {pipeline_mode = #tpu.pipeline_mode<synchronous>, transform_indices = @transform_3, window_bounds = array<i64: 256, 256>}, {pipeline_mode = #tpu.pipeline_mode<synchronous>, transform_indices = @transform_4, window_bounds = array<i64: 1, 256>}, {transform_indices = @transform_5, window_bounds = array<i64: 1000, 256>}]} {
    %get3A = arith.constant 0 : index
    %get3A_0 = arith.constant 0 : index
    %get3A_1 = vector.load %arg1[%get3A, %get3A_0] : memref<1000x256xf32, #tpu.memory_space<vmem>>, vector<1000x256xf32>
    %get3A_2 = arith.constant 0 : index
    %get3A_3 = arith.constant 0 : index
    %get3A_4 = vector.load %arg2[%get3A_2, %get3A_3] : memref<256x256xf32, #tpu.memory_space<vmem>>, vector<256x256xf32>
    %dot_general3A = arith.constant dense<0.000000e+00> : vector<1000x256xf32>
    %dot_general3A_5 = tpu.matmul %get3A_1, %get3A_4, %dot_general3A {dimension_numbers = #tpu.dot_dimension_numbers<[1], [0], [0], [1], [0, 0, 1, 1], [], []>, transpose_lhs_hint = false} : vector<1000x256xf32>, vector<256x256xf32>, vector<1000x256xf32> -> vector<1000x256xf32>
    %get3A_6 = arith.constant 0 : index
    %get3A_7 = arith.constant 0 : index
    %get3A_8 = vector.load %arg3[%get3A_6, %get3A_7] : memref<1x256xf32, #tpu.memory_space<vmem>>, vector<1x256xf32>
    %add3A = vector.broadcast %get3A_8 : vector<1x256xf32> to vector<1000x256xf32>
    %add3A_9 = arith.addf %dot_general3A_5, %add3A : vector<1000x256xf32>
    %gt3A = arith.constant 0.000000e+00 : f32
    %gt3A_10 = vector.broadcast %gt3A : f32 to vector<1000x256xf32>
    %gt3A_11 = arith.cmpf ogt, %add3A_9, %gt3A_10 : vector<1000x256xf32>
    %mul3A = arith.constant 0.00999999977 : f32
    %mul3A_12 = vector.broadcast %mul3A : f32 to vector<1000x256xf32>
    %mul3A_13 = arith.mulf %mul3A_12, %add3A_9 : vector<1000x256xf32>
    %select_n3A = arith.select %gt3A_11, %add3A_9, %mul3A_13 : vector<1000x256xi1>, vector<1000x256xf32>
    %get3A_14 = arith.constant 0 : index
    %get3A_15 = arith.constant 0 : index
    %get3A_16 = vector.load %arg4[%get3A_14, %get3A_15] : memref<256x256xf32, #tpu.memory_space<vmem>>, vector<256x256xf32>
    %dot_general3A_17 = arith.constant dense<0.000000e+00> : vector<1000x256xf32>
    %dot_general3A_18 = tpu.matmul %select_n3A, %get3A_16, %dot_general3A_17 {dimension_numbers = #tpu.dot_dimension_numbers<[1], [0], [0], [1], [0, 0, 1, 1], [], []>, transpose_lhs_hint = false} : vector<1000x256xf32>, vector<256x256xf32>, vector<1000x256xf32> -> vector<1000x256xf32>
    %get3A_19 = arith.constant 0 : index
    %get3A_20 = arith.constant 0 : index
    %get3A_21 = vector.load %arg5[%get3A_19, %get3A_20] : memref<1x256xf32, #tpu.memory_space<vmem>>, vector<1x256xf32>
    %add3A_22 = vector.broadcast %get3A_21 : vector<1x256xf32> to vector<1000x256xf32>
    %add3A_23 = arith.addf %dot_general3A_18, %add3A_22 : vector<1000x256xf32>
    %gt3A_24 = arith.constant 0.000000e+00 : f32
    %gt3A_25 = vector.broadcast %gt3A_24 : f32 to vector<1000x256xf32>
    %gt3A_26 = arith.cmpf ogt, %add3A_23, %gt3A_25 : vector<1000x256xf32>
    %mul3A_27 = arith.constant 0.00999999977 : f32
    %mul3A_28 = vector.broadcast %mul3A_27 : f32 to vector<1000x256xf32>
    %mul3A_29 = arith.mulf %mul3A_28, %add3A_23 : vector<1000x256xf32>
    %select_n3A_30 = arith.select %gt3A_26, %add3A_23, %mul3A_29 : vector<1000x256xi1>, vector<1000x256xf32>
    %swap3A = arith.constant 0 : index
    %swap3A_31 = arith.constant 0 : index
    %swap3A_32 = vector.load %arg6[%swap3A, %swap3A_31] : memref<1000x256xf32, #tpu.memory_space<vmem>>, vector<1000x256xf32>
    tpu.vector_store %arg6[%swap3A, %swap3A_31], %select_n3A_30 {strides = array<i32>} : memref<1000x256xf32, #tpu.memory_space<vmem>>, vector<1000x256xf32>,
    return
  }
  func.func @transform_0(%arg0: i32) -> (i32, i32) {
    %c0_i32 = arith.constant 0 : i32
    %c0_i32_0 = arith.constant 0 : i32
    return %arg0, %c0_i32 : i32, i32
  }
  func.func @transform_1(%arg0: i32) -> (i32, i32) {
    %c0_i32 = arith.constant 0 : i32
    %c0_i32_0 = arith.constant 0 : i32
    %c0_i32_1 = arith.constant 0 : i32
    return %c0_i32, %c0_i32_0 : i32, i32
  }
  func.func @transform_2(%arg0: i32) -> (i32, i32) {
    %c0_i32 = arith.constant 0 : i32
    %c0_i32_0 = arith.constant 0 : i32
    %c0_i32_1 = arith.constant 0 : i32
    return %c0_i32, %c0_i32_0 : i32, i32
  }
  func.func @transform_3(%arg0: i32) -> (i32, i32) {
    %c0_i32 = arith.constant 0 : i32
    %c0_i32_0 = arith.constant 0 : i32
    %c0_i32_1 = arith.constant 0 : i32
    return %c0_i32, %c0_i32_0 : i32, i32
  }
  func.func @transform_4(%arg0: i32) -> (i32, i32) {
    %c0_i32 = arith.constant 0 : i32
    %c0_i32_0 = arith.constant 0 : i32
    %c0_i32_1 = arith.constant 0 : i32
    return %c0_i32, %c0_i32_0 : i32, i32
  }
  func.func @transform_5(%arg0: i32) -> (i32, i32) {
    %c0_i32 = arith.constant 0 : i32
    %c0_i32_0 = arith.constant 0 : i32
    return %arg0, %c0_i32 : i32, i32
  }
}

module attributes {stable_mosaic.version = 14 : i64} {
  func.func @_tc_mlp_post_body(%arg0: i32, %arg1: memref<1000x256xf32, #tpu.memory_space<vmem>>, %arg2: memref<256x128xf32, #tpu.memory_space<vmem>>, %arg3: memref<1x128xf32, #tpu.memory_space<vmem>>, %arg4: memref<2x1000x128xf32, #tpu.memory_space<vmem>>, %arg5: memref<1000x128xf32, #tpu.memory_space<vmem>>) attributes {dimension_semantics = [#tpu.dimension_semantics<arbitrary>], iteration_bounds = array<i64: 10>, scalar_prefetch = 0 : i64, scratch_operands = 0 : i64, tpu.core_type = #tpu.core_type<tc>, window_params = [{transform_indices = @transform_0, window_bounds = array<i64: 1000, 256>}, {pipeline_mode = #tpu.pipeline_mode<synchronous>, transform_indices = @transform_1, window_bounds = array<i64: 256, 128>}, {pipeline_mode = #tpu.pipeline_mode<synchronous>, transform_indices = @transform_2, window_bounds = array<i64: 1, 128>}, {transform_indices = @transform_3, window_bounds = array<i64: 2, 1000, 128>}, {transform_indices = @transform_4, window_bounds = array<i64: 1000, 128>}]} {
    %get3A = arith.constant 0 : index
    %get3A_0 = arith.constant 0 : index
    %get3A_1 = vector.load %arg1[%get3A, %get3A_0] : memref<1000x256xf32, #tpu.memory_space<vmem>>, vector<1000x256xf32>
    %get3A_2 = arith.constant 0 : index
    %get3A_3 = arith.constant 0 : index
    %get3A_4 = vector.load %arg2[%get3A_2, %get3A_3] : memref<256x128xf32, #tpu.memory_space<vmem>>, vector<256x128xf32>
    %dot_general3A = arith.constant dense<0.000000e+00> : vector<1000x128xf32>
    %dot_general3A_5 = tpu.matmul %get3A_1, %get3A_4, %dot_general3A {dimension_numbers = #tpu.dot_dimension_numbers<[1], [0], [0], [1], [0, 0, 1, 1], [], []>, transpose_lhs_hint = false} : vector<1000x256xf32>, vector<256x128xf32>, vector<1000x128xf32> -> vector<1000x128xf32>
    %get3A_6 = arith.constant 0 : index
    %get3A_7 = arith.constant 0 : index
    %get3A_8 = vector.load %arg3[%get3A_6, %get3A_7] : memref<1x128xf32, #tpu.memory_space<vmem>>, vector<1x128xf32>
    %add3A = vector.broadcast %get3A_8 : vector<1x128xf32> to vector<1000x128xf32>
    %add3A_9 = arith.addf %dot_general3A_5, %add3A : vector<1000x128xf32>
    %get3A_10 = arith.constant 0 : index
    %get3A_11 = arith.constant 0 : index
    %get3A_12 = arith.constant 0 : index
    %get3A_13 = vector.load %arg4[%get3A_10, %get3A_11, %get3A_12] : memref<2x1000x128xf32, #tpu.memory_space<vmem>>, vector<1x1000x1xf32>
    %get3A_14 = vector.shape_cast %get3A_13 : vector<1x1000x1xf32> to vector<1000x1xf32>
    %get3A_15 = arith.constant 1 : index
    %get3A_16 = arith.constant 0 : index
    %get3A_17 = arith.constant 0 : index
    %get3A_18 = vector.load %arg4[%get3A_15, %get3A_16, %get3A_17] : memref<2x1000x128xf32, #tpu.memory_space<vmem>>, vector<1x1000x1xf32>
    %get3A_19 = vector.shape_cast %get3A_18 : vector<1x1000x1xf32> to vector<1000x1xf32>
    %add3A_20 = arith.addf %get3A_14, %get3A_19 : vector<1000x1xf32>
    %add3A_21 = arith.constant 1.000000e+00 : f32
    %add3A_22 = vector.broadcast %add3A_21 : f32 to vector<1000x1xf32>
    %add3A_23 = arith.addf %add3A_20, %add3A_22 : vector<1000x1xf32>
    %rsqrt3A = math.rsqrt %add3A_23 : vector<1000x1xf32>
    %mul3A = vector.broadcast %rsqrt3A : vector<1000x1xf32> to vector<1000x128xf32>
    %mul3A_24 = arith.mulf %add3A_9, %mul3A : vector<1000x128xf32>
    %swap3A = arith.constant 0 : index
    %swap3A_25 = arith.constant 0 : index
    %swap3A_26 = vector.load %arg5[%swap3A, %swap3A_25] : memref<1000x128xf32, #tpu.memory_space<vmem>>, vector<1000x128xf32>
    tpu.vector_store %arg5[%swap3A, %swap3A_25], %mul3A_24 {strides = array<i32>} : memref<1000x128xf32, #tpu.memory_space<vmem>>, vector<1000x128xf32>,
    return
  }
  func.func @transform_0(%arg0: i32) -> (i32, i32) {
    %c0_i32 = arith.constant 0 : i32
    %c0_i32_0 = arith.constant 0 : i32
    return %arg0, %c0_i32 : i32, i32
  }
  func.func @transform_1(%arg0: i32) -> (i32, i32) {
    %c0_i32 = arith.constant 0 : i32
    %c0_i32_0 = arith.constant 0 : i32
    %c0_i32_1 = arith.constant 0 : i32
    return %c0_i32, %c0_i32_0 : i32, i32
  }
  func.func @transform_2(%arg0: i32) -> (i32, i32) {
    %c0_i32 = arith.constant 0 : i32
    %c0_i32_0 = arith.constant 0 : i32
    %c0_i32_1 = arith.constant 0 : i32
    return %c0_i32, %c0_i32_0 : i32, i32
  }
  func.func @transform_3(%arg0: i32) -> (i32, i32, i32) {
    %c0_i32 = arith.constant 0 : i32
    %c0_i32_0 = arith.constant 0 : i32
    %c0_i32_1 = arith.constant 0 : i32
    return %c0_i32, %arg0, %c0_i32_0 : i32, i32, i32
  }
  func.func @transform_4(%arg0: i32) -> (i32, i32) {
    %c0_i32 = arith.constant 0 : i32
    %c0_i32_0 = arith.constant 0 : i32
    return %arg0, %c0_i32 : i32, i32
  }
}

module attributes {stable_mosaic.version = 14 : i64} {
  func.func @_tc_mid_body(%arg0: i32, %arg1: memref<2x1000x128xf32, #tpu.memory_space<vmem>>, %arg2: memref<1000x128xf32, #tpu.memory_space<vmem>>, %arg3: memref<2x1000x128xf32, #tpu.memory_space<vmem>>, %arg4: memref<128x128xf32, #tpu.memory_space<vmem>>, %arg5: memref<1x128xf32, #tpu.memory_space<vmem>>, %arg6: memref<1000x128xf32, #tpu.memory_space<vmem>>) attributes {dimension_semantics = [#tpu.dimension_semantics<arbitrary>], iteration_bounds = array<i64: 10>, scalar_prefetch = 0 : i64, scratch_operands = 0 : i64, tpu.core_type = #tpu.core_type<tc>, window_params = [{transform_indices = @transform_0, window_bounds = array<i64: 2, 1000, 128>}, {transform_indices = @transform_1, window_bounds = array<i64: 1000, 128>}, {transform_indices = @transform_2, window_bounds = array<i64: 2, 1000, 128>}, {pipeline_mode = #tpu.pipeline_mode<synchronous>, transform_indices = @transform_3, window_bounds = array<i64: 128, 128>}, {pipeline_mode = #tpu.pipeline_mode<synchronous>, transform_indices = @transform_4, window_bounds = array<i64: 1, 128>}, {transform_indices = @transform_5, window_bounds = array<i64: 1000, 128>}]} {
    %get3A = arith.constant 0 : index
    %get3A_0 = arith.constant 0 : index
    %get3A_1 = arith.constant 0 : index
    %get3A_2 = vector.load %arg3[%get3A, %get3A_0, %get3A_1] : memref<2x1000x128xf32, #tpu.memory_space<vmem>>, vector<1x1000x1xf32>
    %get3A_3 = vector.shape_cast %get3A_2 : vector<1x1000x1xf32> to vector<1000x1xf32>
    %get3A_4 = arith.constant 1 : index
    %get3A_5 = arith.constant 0 : index
    %get3A_6 = arith.constant 0 : index
    %get3A_7 = vector.load %arg3[%get3A_4, %get3A_5, %get3A_6] : memref<2x1000x128xf32, #tpu.memory_space<vmem>>, vector<1x1000x1xf32>
    %get3A_8 = vector.shape_cast %get3A_7 : vector<1x1000x1xf32> to vector<1000x1xf32>
    %add3A = arith.addf %get3A_3, %get3A_8 : vector<1000x1xf32>
    %add3A_9 = arith.constant 1.000000e+00 : f32
    %add3A_10 = vector.broadcast %add3A_9 : f32 to vector<1000x1xf32>
    %add3A_11 = arith.addf %add3A, %add3A_10 : vector<1000x1xf32>
    %rsqrt3A = math.rsqrt %add3A_11 : vector<1000x1xf32>
    %get3A_12 = arith.constant 0 : index
    %get3A_13 = arith.constant 0 : index
    %get3A_14 = arith.constant 0 : index
    %get3A_15 = vector.load %arg1[%get3A_12, %get3A_13, %get3A_14] : memref<2x1000x128xf32, #tpu.memory_space<vmem>>, vector<1x1000x128xf32>
    %get3A_16 = vector.shape_cast %get3A_15 : vector<1x1000x128xf32> to vector<1000x128xf32>
    %get3A_17 = arith.constant 1 : index
    %get3A_18 = arith.constant 0 : index
    %get3A_19 = arith.constant 0 : index
    %get3A_20 = vector.load %arg1[%get3A_17, %get3A_18, %get3A_19] : memref<2x1000x128xf32, #tpu.memory_space<vmem>>, vector<1x1000x128xf32>
    %get3A_21 = vector.shape_cast %get3A_20 : vector<1x1000x128xf32> to vector<1000x128xf32>
    %add3A_22 = arith.addf %get3A_16, %get3A_21 : vector<1000x128xf32>
    %get3A_23 = arith.constant 0 : index
    %get3A_24 = arith.constant 0 : index
    %get3A_25 = vector.load %arg2[%get3A_23, %get3A_24] : memref<1000x128xf32, #tpu.memory_space<vmem>>, vector<1000x128xf32>
    %add3A_26 = arith.addf %add3A_22, %get3A_25 : vector<1000x128xf32>
    %mul3A = vector.broadcast %rsqrt3A : vector<1000x1xf32> to vector<1000x128xf32>
    %mul3A_27 = arith.mulf %mul3A, %add3A_26 : vector<1000x128xf32>
    %gt3A = arith.constant 0.000000e+00 : f32
    %gt3A_28 = vector.broadcast %gt3A : f32 to vector<1000x128xf32>
    %gt3A_29 = arith.cmpf ogt, %mul3A_27, %gt3A_28 : vector<1000x128xf32>
    %mul3A_30 = arith.constant 0.00999999977 : f32
    %mul3A_31 = vector.broadcast %mul3A_30 : f32 to vector<1000x128xf32>
    %mul3A_32 = arith.mulf %mul3A_31, %mul3A_27 : vector<1000x128xf32>
    %select_n3A = arith.select %gt3A_29, %mul3A_27, %mul3A_32 : vector<1000x128xi1>, vector<1000x128xf32>
    %mul3A_33 = arith.mulf %select_n3A, %select_n3A : vector<1000x128xf32>
    %reduce_sum3A = arith.constant dense<0.000000e+00> : vector<1000xf32>
    %reduce_sum3A_34 = vector.multi_reduction <add>, %mul3A_33, %reduce_sum3A [1] : vector<1000x128xf32> to vector<1000xf32>
    %broadcast_in_dim3A = vector.shape_cast %reduce_sum3A_34 : vector<1000xf32> to vector<1000x1xf32>
    %sqrt3A = math.sqrt %broadcast_in_dim3A : vector<1000x1xf32>
    %div3A = vector.broadcast %sqrt3A : vector<1000x1xf32> to vector<1000x128xf32>
    %div3A_35 = arith.divf %select_n3A, %div3A : vector<1000x128xf32>
    %get3A_36 = arith.constant 0 : index
    %get3A_37 = arith.constant 0 : index
    %get3A_38 = vector.load %arg4[%get3A_36, %get3A_37] : memref<128x128xf32, #tpu.memory_space<vmem>>, vector<128x128xf32>
    %dot_general3A = arith.constant dense<0.000000e+00> : vector<1000x128xf32>
    %dot_general3A_39 = tpu.matmul %div3A_35, %get3A_38, %dot_general3A {dimension_numbers = #tpu.dot_dimension_numbers<[1], [0], [0], [1], [0, 0, 1, 1], [], []>, transpose_lhs_hint = false} : vector<1000x128xf32>, vector<128x128xf32>, vector<1000x128xf32> -> vector<1000x128xf32>
    %get3A_40 = arith.constant 0 : index
    %get3A_41 = arith.constant 0 : index
    %get3A_42 = vector.load %arg5[%get3A_40, %get3A_41] : memref<1x128xf32, #tpu.memory_space<vmem>>, vector<1x128xf32>
    %add3A_43 = vector.broadcast %get3A_42 : vector<1x128xf32> to vector<1000x128xf32>
    %add3A_44 = arith.addf %dot_general3A_39, %add3A_43 : vector<1000x128xf32>
    %mul3A_45 = vector.broadcast %rsqrt3A : vector<1000x1xf32> to vector<1000x128xf32>
    %mul3A_46 = arith.mulf %add3A_44, %mul3A_45 : vector<1000x128xf32>
    %swap3A = arith.constant 0 : index
    %swap3A_47 = arith.constant 0 : index
    %swap3A_48 = vector.load %arg6[%swap3A, %swap3A_47] : memref<1000x128xf32, #tpu.memory_space<vmem>>, vector<1000x128xf32>
    tpu.vector_store %arg6[%swap3A, %swap3A_47], %mul3A_46 {strides = array<i32>} : memref<1000x128xf32, #tpu.memory_space<vmem>>, vector<1000x128xf32>,
    return
  }
  func.func @transform_0(%arg0: i32) -> (i32, i32, i32) {
    %c0_i32 = arith.constant 0 : i32
    %c0_i32_0 = arith.constant 0 : i32
    %c0_i32_1 = arith.constant 0 : i32
    return %c0_i32, %arg0, %c0_i32_0 : i32, i32, i32
  }
  func.func @transform_1(%arg0: i32) -> (i32, i32) {
    %c0_i32 = arith.constant 0 : i32
    %c0_i32_0 = arith.constant 0 : i32
    return %arg0, %c0_i32 : i32, i32
  }
  func.func @transform_2(%arg0: i32) -> (i32, i32, i32) {
    %c0_i32 = arith.constant 0 : i32
    %c0_i32_0 = arith.constant 0 : i32
    %c0_i32_1 = arith.constant 0 : i32
    return %c0_i32, %arg0, %c0_i32_0 : i32, i32, i32
  }
  func.func @transform_3(%arg0: i32) -> (i32, i32) {
    %c0_i32 = arith.constant 0 : i32
    %c0_i32_0 = arith.constant 0 : i32
    %c0_i32_1 = arith.constant 0 : i32
    return %c0_i32, %c0_i32_0 : i32, i32
  }
  func.func @transform_4(%arg0: i32) -> (i32, i32) {
    %c0_i32 = arith.constant 0 : i32
    %c0_i32_0 = arith.constant 0 : i32
    %c0_i32_1 = arith.constant 0 : i32
    return %c0_i32, %c0_i32_0 : i32, i32
  }
  func.func @transform_5(%arg0: i32) -> (i32, i32) {
    %c0_i32 = arith.constant 0 : i32
    %c0_i32_0 = arith.constant 0 : i32
    return %arg0, %c0_i32 : i32, i32
  }
}

module attributes {stable_mosaic.version = 14 : i64} {
  func.func @_tc_final_body(%arg0: i32, %arg1: memref<2x1000x128xf32, #tpu.memory_space<vmem>>, %arg2: memref<1000x128xf32, #tpu.memory_space<vmem>>, %arg3: memref<2x1000x128xf32, #tpu.memory_space<vmem>>, %arg4: memref<1000x128xf32, #tpu.memory_space<vmem>>) attributes {dimension_semantics = [#tpu.dimension_semantics<arbitrary>], iteration_bounds = array<i64: 10>, scalar_prefetch = 0 : i64, scratch_operands = 0 : i64, tpu.core_type = #tpu.core_type<tc>, window_params = [{transform_indices = @transform_0, window_bounds = array<i64: 2, 1000, 128>}, {transform_indices = @transform_1, window_bounds = array<i64: 1000, 128>}, {transform_indices = @transform_2, window_bounds = array<i64: 2, 1000, 128>}, {transform_indices = @transform_3, window_bounds = array<i64: 1000, 128>}]} {
    %get3A = arith.constant 0 : index
    %get3A_0 = arith.constant 0 : index
    %get3A_1 = arith.constant 0 : index
    %get3A_2 = vector.load %arg3[%get3A, %get3A_0, %get3A_1] : memref<2x1000x128xf32, #tpu.memory_space<vmem>>, vector<1x1000x1xf32>
    %get3A_3 = vector.shape_cast %get3A_2 : vector<1x1000x1xf32> to vector<1000x1xf32>
    %get3A_4 = arith.constant 1 : index
    %get3A_5 = arith.constant 0 : index
    %get3A_6 = arith.constant 0 : index
    %get3A_7 = vector.load %arg3[%get3A_4, %get3A_5, %get3A_6] : memref<2x1000x128xf32, #tpu.memory_space<vmem>>, vector<1x1000x1xf32>
    %get3A_8 = vector.shape_cast %get3A_7 : vector<1x1000x1xf32> to vector<1000x1xf32>
    %add3A = arith.addf %get3A_3, %get3A_8 : vector<1000x1xf32>
    %add3A_9 = arith.constant 1.000000e+00 : f32
    %add3A_10 = vector.broadcast %add3A_9 : f32 to vector<1000x1xf32>
    %add3A_11 = arith.addf %add3A, %add3A_10 : vector<1000x1xf32>
    %rsqrt3A = math.rsqrt %add3A_11 : vector<1000x1xf32>
    %get3A_12 = arith.constant 0 : index
    %get3A_13 = arith.constant 0 : index
    %get3A_14 = arith.constant 0 : index
    %get3A_15 = vector.load %arg1[%get3A_12, %get3A_13, %get3A_14] : memref<2x1000x128xf32, #tpu.memory_space<vmem>>, vector<1x1000x128xf32>
    %get3A_16 = vector.shape_cast %get3A_15 : vector<1x1000x128xf32> to vector<1000x128xf32>
    %get3A_17 = arith.constant 1 : index
    %get3A_18 = arith.constant 0 : index
    %get3A_19 = arith.constant 0 : index
    %get3A_20 = vector.load %arg1[%get3A_17, %get3A_18, %get3A_19] : memref<2x1000x128xf32, #tpu.memory_space<vmem>>, vector<1x1000x128xf32>
    %get3A_21 = vector.shape_cast %get3A_20 : vector<1x1000x128xf32> to vector<1000x128xf32>
    %add3A_22 = arith.addf %get3A_16, %get3A_21 : vector<1000x128xf32>
    %get3A_23 = arith.constant 0 : index
    %get3A_24 = arith.constant 0 : index
    %get3A_25 = vector.load %arg2[%get3A_23, %get3A_24] : memref<1000x128xf32, #tpu.memory_space<vmem>>, vector<1000x128xf32>
    %add3A_26 = arith.addf %add3A_22, %get3A_25 : vector<1000x128xf32>
    %mul3A = vector.broadcast %rsqrt3A : vector<1000x1xf32> to vector<1000x128xf32>
    %mul3A_27 = arith.mulf %mul3A, %add3A_26 : vector<1000x128xf32>
    %gt3A = arith.constant 0.000000e+00 : f32
    %gt3A_28 = vector.broadcast %gt3A : f32 to vector<1000x128xf32>
    %gt3A_29 = arith.cmpf ogt, %mul3A_27, %gt3A_28 : vector<1000x128xf32>
    %mul3A_30 = arith.constant 0.00999999977 : f32
    %mul3A_31 = vector.broadcast %mul3A_30 : f32 to vector<1000x128xf32>
    %mul3A_32 = arith.mulf %mul3A_31, %mul3A_27 : vector<1000x128xf32>
    %select_n3A = arith.select %gt3A_29, %mul3A_27, %mul3A_32 : vector<1000x128xi1>, vector<1000x128xf32>
    %swap3A = arith.constant 0 : index
    %swap3A_33 = arith.constant 0 : index
    %swap3A_34 = vector.load %arg4[%swap3A, %swap3A_33] : memref<1000x128xf32, #tpu.memory_space<vmem>>, vector<1000x128xf32>
    tpu.vector_store %arg4[%swap3A, %swap3A_33], %select_n3A {strides = array<i32>} : memref<1000x128xf32, #tpu.memory_space<vmem>>, vector<1000x128xf32>,
    return
  }
  func.func @transform_0(%arg0: i32) -> (i32, i32, i32) {
    %c0_i32 = arith.constant 0 : i32
    %c0_i32_0 = arith.constant 0 : i32
    %c0_i32_1 = arith.constant 0 : i32
    return %c0_i32, %arg0, %c0_i32_0 : i32, i32, i32
  }
  func.func @transform_1(%arg0: i32) -> (i32, i32) {
    %c0_i32 = arith.constant 0 : i32
    %c0_i32_0 = arith.constant 0 : i32
    return %arg0, %c0_i32 : i32, i32
  }
  func.func @transform_2(%arg0: i32) -> (i32, i32, i32) {
    %c0_i32 = arith.constant 0 : i32
    %c0_i32_0 = arith.constant 0 : i32
    %c0_i32_1 = arith.constant 0 : i32
    return %c0_i32, %arg0, %c0_i32_0 : i32, i32, i32
  }
  func.func @transform_3(%arg0: i32) -> (i32, i32) {
    %c0_i32 = arith.constant 0 : i32
    %c0_i32_0 = arith.constant 0 : i32
    return %arg0, %c0_i32 : i32, i32
  }
}

</mosaic_0001>

<sc_bundles>
// kernel: kernel.12.cloned.1.call-start
scs
__scs_entry_jumppad:
0x0: {  	(pc) =	sbr.rel $0x88, $3  }
0x1: {  	(tag) =	ssettag $0x0;
	lr =	simm.s32 $0x1  }
0x2: {  	[smem:$0x3F97] =	sst lr;
	_ =	strace $0xD0000000  }
0x3: {  	_ = 	snop  }
0x4: {  	_ = 	snop  }
0x5: {  	_ = 	snop  }
0x6: {  	_ = 	snop  }
0x7: {  	_ = 	snop  }
__scs_overlays_trampoline_lowered:
0x8: {  	[smem:$0x3FA6] =	sst s0  }
0x9: {  	[smem:$0x3FA7] =	sst s1  }
0xa: {  	[smem:$0x3FA8] =	sst s2  }
0xb: {  	[smem:$0x3FA9] =	sst s3  }
0xc: {  	[smem:$0x3FAA] =	sst s4  }
0xd: {  	[smem:$0x3FAB] =	sst s5  }
0xe: {  	[smem:$0x3FAC] =	sst s6  }
0xf: {  	[smem:$0x3FAD] =	sst s7  }
0x10: {  	[smem:$0x3FAE] =	sst s8  }
0x11: {  	[smem:$0x3FAF] =	sst s9;
	s0 =	simm.s32 @!p0 $0x0  }
0x12: {  	s1 =	sld [smem:$0x3F95];
	s0 =	simm.s32 @p0 $0x1  }
0x13: {  	[smem:$0x3FB0] =	sst s0;
	s0 =	simm.s32 @!p1 $0x0  }
0x14: {  	s2 =	sld [smem:$0x3F94];
	s0 =	simm.s32 @p1 $0x1  }
0x15: {  	[smem:$0x3FB1] =	sst s0;
	s0 =	simm.s32 @!p2 $0x0  }
0x16: {  	s3 =	sld [smem:$0x3FDB];
	s0 =	simm.s32 @p2 $0x1  }
0x17: {  	s4 =	simm.s32 $0x1BF5;
	[smem:$0x3FB3] =	sst s0  }
0x18: {  	s0 =	sld [smem:$0x3F96];
	_ =	swait.ge [sflag:s4], $0x0  }
0x19: {  	s7 =	sld [smem:$0x3F97]  }
0x1a: {  	s8 =	sadd.s32 $0xFFFFE003, lr  }
0x1b: {  	s9 =	sadd.s32 $0xFFFFFEF7, lr;
	s5 =	simm.s32 $0xFFFFFFFF;
	p2 =	slt.u32 s8, $0xFFFFF086  }
0x1c: {  	p1 =	slt.u32 s9, $0xF7A;
	s5 =	simm.s32 @!p2 $0x0  }
0x1d: {  	s5 =	simm.s32 @p1 $0x1;
	p0 =	seq.s32 s7, s2  }
0x1e: {  	s7 =	smul.u32 @!p0 $0xF7A, s2;
	p2 =	seq.s32 @!p0 s5, $0x0  }
0x1f: {  	s9 =	smul.u32 $0xF7A, s1;
	s8 =	simm.s32 @!p0 $0x1BF5;
	p2 =	por !p2, p0  }
0x20: {  	[sflag:s8] =	ssyncset.s32 @!p0 $0xFFFFF086;
	s6 =	sadd.s32 @!p0 s3, s7;
	s7 =	simm.s32 @!p0 $0x108  }
0x21: {  	s3 =	sadd.s32 s3, s9;
	s6 =	sadd.s32 @!p0 $0x88, s6;
	s7 =	simm.s32 @p2 $0x1082  }
0x22: {  	[simem:s7], [sflag:s8] =	dma.local @!p0 [hbm:s6], $0xF7A  }
0x23: {  	s9 =	sor.u32 $0xD0000000, s2;
	s6 =	simm.s32 $0x108;
	_ =	swait.ge @!p0 [sflag:s8], $0x0  }
0x24: {  	s3 =	sadd.s32 $0x88, s3;
	s6 =	simm.s32 @!p1 $0x1082;
	[sflag:s4] =	ssyncset.s32 $0xFFFFF086  }
0x25: {  	[simem:s6], [sflag:s4] =	dma.local [hbm:s3], $0xF7A  }
0x26: {  	[smem:$0x3F97] =	sst s1;
	(tag) =	ssettag s2;
	_ =	strace s9  }
0x27: {  	s1 =	sld [smem:$0x3FA7]  }
0x28: {  	s2 =	sld [smem:$0x3FA8]  }
0x29: {  	s4 =	sld [smem:$0x3FAA]  }
0x2a: {  	p0 =	seq.s32 s5, $0x0;
	s5 =	sld [smem:$0x3FAB]  }
0x2b: {  	s6 =	sld [smem:$0x3FAC]  }
0x2c: {  	s7 =	sld [smem:$0x3FAD]  }
0x2d: {  	s3 =	simm.s32 $0x108;
	s8 =	sld [smem:$0x3FAE]  }
0x2e: {  	s3 =	simm.s32 @!p0 $0x1082;
	s9 =	sld [smem:$0x3FAF]  }
0x2f: {  	lr =	sadd.s32 s0, s3;
	s0 =	sld [smem:$0x3FA6]  }
0x30: {  	s3 =	sld [smem:$0x3FA9]  }
0x31: {  	[smem:$0x3FB2] =	sst s10  }
0x32: {  	s10 =	sld [smem:$0x3FB0];
	_ =	sdelay $0x3  }
0x33: {  	p0 =	seq.s32 s10, $0x1;
	s10 =	sld [smem:$0x3FB2];
	_ =	sdelay $0x3  }
0x34: {  	[smem:$0x3FB2] =	sst s10  }
0x35: {  	s10 =	sld [smem:$0x3FB1];
	_ =	sdelay $0x3  }
0x36: {  	p1 =	seq.s32 s10, $0x1;
	s10 =	sld [smem:$0x3FB2];
	_ =	sdelay $0x3  }
0x37: {  	[smem:$0x3FB2] =	sst s10  }
0x38: {  	s10 =	sld [smem:$0x3FB3]  }
0x39: {  	_ = 	snop;
	(pc) =	sbr.ind lr, $3  }
0x3a: {  	_ = 	snop  }
0x3b: {  	_ = 	snop  }
0x3c: {  	p2 =	seq.s32 s10, $0x1;
	s10 =	sld [smem:$0x3FB2]  }
0x3d: {  	_ =	shalt  }
0x3e: {  	_ =	shalt  }
0x3f: {  	_ =	shalt  }
0x40: {  	_ =	shalt  }
0x41: {  	_ =	shalt  }
0x42: {  	_ =	shalt  }
0x43: {  	_ =	shalt  }
0x44: {  	_ =	shalt  }
0x45: {  	_ =	shalt  }
0x46: {  	_ =	shalt  }
0x47: {  	_ =	shalt  }
0x48: {  	_ =	shalt  }
0x49: {  	_ =	shalt  }
0x4a: {  	_ =	shalt  }
0x4b: {  	_ =	shalt  }
0x4c: {  	_ =	shalt  }
0x4d: {  	_ =	shalt  }
0x4e: {  	_ =	shalt  }
0x4f: {  	_ =	shalt  }
0x50: {  	_ =	shalt  }
0x51: {  	_ =	shalt  }
0x52: {  	_ =	shalt  }
0x53: {  	_ =	shalt  }
0x54: {  	_ =	shalt  }
0x55: {  	_ =	shalt  }
0x56: {  	_ =	shalt  }
0x57: {  	_ =	shalt  }
0x58: {  	_ =	shalt  }
0x59: {  	_ =	shalt  }
0x5a: {  	_ =	shalt  }
0x5b: {  	_ =	shalt  }
0x5c: {  	_ =	shalt  }
0x5d: {  	_ =	shalt  }
0x5e: {  	_ =	shalt  }
0x5f: {  	_ =	shalt  }
0x60: {  	_ =	shalt  }
0x61: {  	_ =	shalt  }
0x62: {  	_ =	shalt  }
0x63: {  	_ =	shalt  }
0x64: {  	_ =	shalt  }
0x65: {  	_ =	shalt  }
0x66: {  	_ =	shalt  }
0x67: {  	_ =	shalt  }
0x68: {  	_ =	shalt  }
0x69: {  	_ =	shalt  }
0x6a: {  	_ =	shalt  }
0x6b: {  	_ =	shalt  }
0x6c: {  	_ =	shalt  }
0x6d: {  	_ =	shalt  }
0x6e: {  	_ =	shalt  }
0x6f: {  	_ =	shalt  }
0x70: {  	_ =	shalt  }
0x71: {  	_ =	shalt  }
0x72: {  	_ =	shalt  }
0x73: {  	_ =	shalt  }
0x74: {  	_ =	shalt  }
0x75: {  	_ =	shalt  }
0x76: {  	_ =	shalt  }
0x77: {  	_ =	shalt  }
0x78: {  	_ =	shalt  }
0x79: {  	_ =	shalt  }
0x7a: {  	_ =	shalt  }
0x7b: {  	_ =	shalt  }
0x7c: {  	_ =	shalt  }
0x7d: {  	_ =	shalt  }
0x7e: {  	_ =	shalt  }
0x7f: {  	_ =	shalt  }
0x80: {  	_ =	shalt  }
0x81: {  	_ =	shalt  }
0x82: {  	_ =	shalt  }
0x83: {  	_ =	shalt  }
0x84: {  	_ =	shalt  }
0x85: {  	_ =	shalt  }
0x86: {  	_ =	shalt  }
0x87: {  	_ =	shalt  }
.Lfunc_end0:
.L_simem_size_0:
called_computation.1_lowered:
.L_overlay_start_0:
0x88: {  	s2 =	sld [smem:$0x3FD9]  }
0x89: {  	s3 =	sld [smem:$0x3FFE];
	_ =	sdelay $0x1  }
0x8a: {  	s1 =	srdreg.scid  }
0x8b: {  	s0 =	sand.u32 $0x1, s1  }
0x8c: {  	s17 =	sshll.u32 s0, $0xA;
	s2 =	sadd.s32 s3, s2  }
0x8d: {  	s2 =	sadd.s32 s2, s17  }
0x8e: {  	[smem:$0x3FBE] =	sst s2  }
0x8f: {  	_ = 	snop  }
0x90: {  	s2 =	sld [smem:$0x3FD0];
	(tm) =	ssettm $0x1  }
0x91: {  	s18 =	sld [smem:$0x3FFB];
	_ =	sdelay $0x3  }
0x92: {  	_ =	strace s18  }
0x93: {  	s3 =	sld [smem:$0x3FFC];
	_ =	sdelay $0x3  }
0x94: {  	_ =	strace s3  }
0x95: {  	s3 =	sld [smem:$0x3FFD];
	_ =	sdelay $0x3  }
0x96: {  	_ =	strace s3  }
0x97: {  	_ =	strace $0x8FFFFFFF  }
0x98: {  	s19 =	sld [smem:$0x3FDB];
	_ =	sdelay $0x1  }
0x99: {  	s4 =	simm.s32 $_scs_section_size  }
0x9a: {  	s5 =	simm.s32 $_size__tile_overlayer_lowered;
	s6 =	simm.s32 $_tile_overlayer_lowered  }
0x9b: {  	s22 =	simm.s32 $0x1BFF;
	s21 =	sshll.u32 s6, $0x1;
	s3 =	sadd.s32 s4, s19  }
0x9c: {  	s7 =	simm.s32 $0x0;
	s20 =	sshll.u32 s5, $0x1;
	s5 =	sadd.s32 s21, s3  }
0x9d: {  	[timem:s7], [sflag:s22] =	dma.local [hbm:s5], s20  }
0x9e: {  	_ =	swait.ge [sflag:s22], s20  }
0x9f: {  	s4 =	ssub.s32 $0x0, s20;
	[sflag:s22] =	ssyncset.done $0x0  }
0xa0: {  	[sflag:s22] =	ssyncadd.s32 s4;
	_ =	sdelay $0x1  }
0xa1: {  	s23 =	simm.s32 $0x1B8B  }
0xa2: {  	_ =	swait.ge [sflag:s23], $0x1  }
0xa3: {  	[sflag:s23] =	ssyncset.done $0x0  }
0xa4: {  	s25 =	simm.s32 $0x1B8E;
	s24 =	sld [smem:$0x3FFE];
	[sflag:s23] =	ssyncadd.s32 $0xFFFFFFFF  }
0xa5: {  	s26 =	simm.s32 $execute0_lowered;
	[smem:$0x3FD2] =	sst s25  }
0xa6: {  	s5 =	sshll.u32 s26, $0x1;
	_ =	strace $0x80000049;
	[dreg:$0x1] =	wrdreg $0xFFFFFFFF  }
0xa7: {  	s28 =	simm.s32 $_size_execute0_lowered;
	s3 =	sadd.s32 s3, s5;
	[dreg:$0x0] =	wrdreg $0x0  }
0xa8: {  	s5 =	sshll.u32 s28, $0x1;
	[dreg:$0x2] =	wrdreg s3  }
0xa9: {  	[dreg:$0x3] =	wrdreg s5  }
0xaa: {  	[dreg:$0x4] =	wrdreg $0xC0  }
0xab: {  	_ =	task [dreg:s7], $0x5FFFF  }
0xac: {  	[dreg:$0x1] =	wrdreg $0xFFFFFFFF  }
0xad: {  	[dreg:$0x0] =	wrdreg $0x60  }
0xae: {  	[dreg:$0x2] =	wrdreg s2  }
0xaf: {  	[dreg:$0x3] =	wrdreg s24  }
0xb0: {  	[dreg:$0x4] =	wrdreg $0xA8000  }
0xb1: {  	[dreg:$0x5] =	wrdreg $0x9  }
0xb2: {  	_ =	task.clear_ibuf [dreg:s7], $0x6FFFF;
	_ =	strace $0x90000049  }
0xb3: {  	s29 =	simm.s32 $0x9;
	_ =	strace $0x8000004B  }
0xb4: {  	_ =	swait.ge [sflag:s29], $0x1  }
0xb5: {  	[sflag:s29] =	ssyncadd.s32 $0xFFFFFFFF  }
0xb6: {  	_ =	strace $0x9000004B  }
0xb7: {  	_ =	sfence  }
0xb8: {  	s30 =	sld [smem:$0x0];
	_ =	sdelay $0x2  }
0xb9: {  	s31 =	sshll.u32 s1, $0xD;
	s1 =	sshrl.u32 s1, $0x2  }
0xba: {  	s3 =	sand.u32 $0x4000, s31;
	s1 =	sadd.s32 s1, s30  }
0xbb: {  	s0 =	sor.u32 s3, s0;
	s1 =	sshll.u32 s1, $0x11  }
0xbc: {  	s0 =	sor.u32 s1, s0  }
0xbd: {  	s0 =	sadd.s32 $0x8F2B, s0  }
0xbe: {  	[sflag:s0] =	ssyncadd.remote.s32 $0x1  }
0xbf: {  	_ =	sfence.sel $0xFFFF  }
0xc0: {  	[dreg:$0x0] =	wrdreg $0xFFFFFFFF;
	(pc) =	sbr.abs _section_cstart, $3  }
0xc1: {  	[dreg:$0x1] =	wrdreg $0xFFFFFFFF  }
0xc2: {  	_ =	task.clear_ibuf [dreg:s7], $0x2FFFF;
	_ =	strace $0x9FFFFFFF  }
0xc3: {  	(tm) =	ssettm $0x7FFFFFFF  }
tec
execute0_lowered:
.L_overlay_start_1:
0x0: {  	(tag) =	ssettag $0x1  }
0x1: {  	s1 =	rddreg [dreg:$0x0]  }
0x2: {  	s5 =	rddreg [dreg:$0x1]  }
0x3: {  	s2 =	rddreg [dreg:$0x2]  }
0x4: {  	s3 =	srdreg.scid;
	s0 =	rddreg [dreg:$0x3]  }
0x5: {  	s4 =	simm.s32 $0x0;
	s17 =	simm.s32 $0x1400;
	s18 =	simm.s32 $0x80  }
0x6: {  	s19 =	simm.s32 $0x6800;
	s20 =	simm.s32 $0x1;
	s21 =	simm.s32 $0x2  }
0x7: {  	s22 =	simm.s32 $0x2700;
	s9 =	sand.u32 $0x1, s3;
	s3 =	stileid.u32  }
0x8: {  	s23 =	simm.s32 $0x2780;
	[smem:$0x7FF] =	sst s4;
	s6 =	smul.u32 $0x27800, s9  }
0x9: {  	s13 =	sadd.s32 $0x3400, s5;
	s14 =	sadd.s32 $0xD400, s5;
	s7 =	smul.u32 $0x4F000, s3  }
0xa: {  	_ =	strace $0x8000004A;
	s29 =	ssub.s32 $0x2, s9;
	s11 =	smul.u32 $0x500, s3  }
0xb: {  	p0 =	seq.s32 s9, $0x0;
	s25 =	smul.u32 $0x2780, s3;
	s31 =	sshrl.u32 s29, $0x1  }
0xc: {  	s10 =	sadd.s32 s6, s5;
	s30 =	sshrl.u32 s7, $0x2;
	s12 =	ssub.s32 s29, s31  }
0xd: {  	s15 =	sadd.s32 $0x5000, s11;
	s5 =	sadd.s32 s30, s2;
	s24 =	sadd.s32 $0x66400, s10  }
0xe: {  	s15 =	smov.u32 @p0 s11;
	s10 =	smax.u32 s12, $0x1;
	s6 =	sadd.s32 $0x4000, s5  }
0xf: {  	s7 =	sadd.s32 $0x8000, s5;
	s8 =	sadd.s32 $0xC000, s5;
	s9 =	sadd.s32 $0x10000, s5  }
0x10: {  	s16 =	sadd.s32 $0x280, s15;
	s11 =	sadd.s32 s13, s15;
	s12 =	sadd.s32 s14, s15  }
0x11: {  	s15 =	simm.s32 $0x2800;
	s24 =	sadd.s32 s25, s24;
	s25 =	simm.s32 $0x0  }
0x12: {  	v0 =	vimm.f32 $0.0e+00;
	s13 =	sadd.s32 s13, s16;
	s14 =	sadd.s32 s14, s16;
	s16 =	simm.s32 $0x3  }
.LBB2_1:
0x13: {  	s26 =	simm.s32 $0x0;
	s28 =	simm.s32 $0x200  }
.LBB2_2:
0x14: {  	p0 =	sne.s32 s28, $0xFE00;
	[tilespmem:s26+$0x2870] =	vst v0  }
0x15: {  	[tilespmem:s26+$0x2800] =	vst v0  }
0x16: {  	[tilespmem:s26+$0x2810] =	vst v0  }
.Ltmp0:
0x17: {  	[tilespmem:s26+$0x2820] =	vst v0;
	(pc) =	sbr.rel @p0 .LBB2_2-.Ltmp0, $4  }
0x18: {  	[tilespmem:s26+$0x2830] =	vst v0  }
0x19: {  	[tilespmem:s26+$0x2840] =	vst v0  }
0x1a: {  	[tilespmem:s26+$0x2850] =	vst v0  }
0x1b: {  	[tilespmem:s26+$0x2860] =	vst v0;
	s26 =	sshra.s32 s28, $0x2;
	s28 =	sadd.s32 $0x200, s28  }
0x1c: {  	[tilespmem:s26+$0x2870] =	vst v0  }
0x1d: {  	[tilespmem:s26+$0x2800] =	vst v0  }
0x1e: {  	[tilespmem:s26+$0x2810] =	vst v0  }
0x1f: {  	[tilespmem:s26+$0x2820] =	vst v0  }
0x20: {  	[tilespmem:s26+$0x2830] =	vst v0  }
0x21: {  	[tilespmem:s26+$0x2840] =	vst v0  }
0x22: {  	[tilespmem:s26+$0x2850] =	vst v0  }
0x23: {  	[tilespmem:s26+$0x2860] =	vst v0  }
0x24: {  	[spmem:s5] =	stream.linear.scatter [tilespmem:s15], [sflag:$0x3], $0x4000, $0x38;
	[tilespmem:$0x1E400] =	vst v63  }
0x25: {  	_ =	swait.ge [sflag:s16], $0x4000  }
0x26: {  	[sflag:s16] =	ssyncset.done $0x0  }
0x27: {  	[sflag:s16] =	ssyncadd.s32 $0xFFFFC000  }
0x28: {  	[spmem:s6] =	stream.linear.scatter [tilespmem:s15], [sflag:$0x3], $0x4000, $0x38;
	[tilespmem:$0x1E400] =	vst v63  }
0x29: {  	_ =	swait.ge [sflag:s16], $0x4000  }
0x2a: {  	[sflag:s16] =	ssyncset.done $0x0  }
0x2b: {  	[sflag:s16] =	ssyncadd.s32 $0xFFFFC000  }
0x2c: {  	[spmem:s7] =	stream.linear.scatter [tilespmem:s15], [sflag:$0x3], $0x4000, $0x38;
	[tilespmem:$0x1E400] =	vst v63  }
0x2d: {  	_ =	swait.ge [sflag:s16], $0x4000  }
0x2e: {  	[sflag:s16] =	ssyncset.done $0x0  }
0x2f: {  	[sflag:s16] =	ssyncadd.s32 $0xFFFFC000  }
0x30: {  	[spmem:s8] =	stream.linear.scatter [tilespmem:s15], [sflag:$0x3], $0x4000, $0x38;
	[tilespmem:$0x1E400] =	vst v63  }
0x31: {  	_ =	swait.ge [sflag:s16], $0x4000  }
0x32: {  	[sflag:s16] =	ssyncset.done $0x0  }
0x33: {  	[sflag:s16] =	ssyncadd.s32 $0xFFFFC000  }
0x34: {  	[spmem:s9] =	stream.linear.scatter [tilespmem:s15], [sflag:$0x3], $0x3C00, $0x38;
	[tilespmem:$0x1E400] =	vst v63  }
0x35: {  	_ =	swait.ge [sflag:s16], $0x3C00  }
0x36: {  	[sflag:s16] =	ssyncset.done $0x0  }
0x37: {  	[sflag:s16] =	ssyncadd.s32 $0xFFFFC400  }
0x38: {  	s31 =	simm.s32 $0x0;
	[bflag:$0x0] =	sbarrier.arrive $0xFFFF  }
0x39: {  	[tilespmem:s31], [sflag:$0x3] =	stream.linear.gather [hbm4b:s11+s31], $0x1400, $0x38;
	[tilespmem:$0x1E400] =	vst v63  }
0x3a: {  	_ =	swait.ge [sflag:s16], $0x1400  }
0x3b: {  	[sflag:s16] =	ssyncset.done $0x0  }
0x3c: {  	[sflag:s16] =	ssyncadd.s32 $0xFFFFEC00  }
0x3d: {  	[tilespmem:s17], [sflag:$0x3] =	stream.linear.gather [hbm4b:s12+s31], $0x1400, $0x38;
	[tilespmem:$0x1E400] =	vst v63  }
0x3e: {  	_ =	swait.ge [sflag:s16], $0x1400  }
0x3f: {  	[sflag:s16] =	ssyncset.done $0x0  }
0x40: {  	[sflag:s16] =	ssyncadd.s32 $0xFFFFEC00  }
0x41: {  	[tilespmem:s15], [sflag:$0x1] =	stream.indirect.gather [hbm4b:s1+s18], $0x80, s31, s18, $0xb8;
	[tilespmem:$0x1E400] =	vst v63  }
0x42: {  	_ = 	snop  }
0x43: {  	[tilespmem:s19], [sflag:$0x2] =	stream.indirect.gather [hbm4b:s1+s18], $0x80, s18, s18, $0xb8;
	[tilespmem:$0x1E400] =	vst v63  }
0x44: {  	_ =	swait.ge [sflag:s20], $0x4000  }
0x45: {  	[sflag:s20] =	ssyncset.done $0x0  }
0x46: {  	s29 =	simm.s32 $0x1400;
	[sflag:s20] =	ssyncadd.s32 $0xFFFFC000  }
0x47: {  	[spmem:s2] =	stream.indirect.scatter.add.f32 [tilespmem:s15], [sflag:$0x3], $0x80, s29, s18, $0xb8;
	[tilespmem:$0x1E400] =	vst v63  }
0x48: {  	_ =	swait.ge [sflag:s16], $0x4000  }
0x49: {  	[sflag:s16] =	ssyncset.done $0x0  }
0x4a: {  	s30 =	simm.s32 $0x100;
	[sflag:s16] =	ssyncadd.s32 $0xFFFFC000  }
0x4b: {  	[tilespmem:s15], [sflag:$0x1] =	stream.indirect.gather [hbm4b:s1+s18], $0x80, s30, s18, $0xb8;
	[tilespmem:$0x1E400] =	vst v63  }
0x4c: {  	_ =	swait.ge [sflag:s21], $0x4000  }
0x4d: {  	[sflag:s21] =	ssyncset.done $0x0  }
0x4e: {  	s31 =	simm.s32 $0x1480;
	[sflag:s21] =	ssyncadd.s32 $0xFFFFC000  }
0x4f: {  	[spmem:s2] =	stream.indirect.scatter.add.f32 [tilespmem:s19], [sflag:$0x3], $0x80, s31, s18, $0xb8;
	[tilespmem:$0x1E400] =	vst v63  }
0x50: {  	_ =	swait.ge [sflag:s16], $0x4000  }
0x51: {  	[sflag:s16] =	ssyncset.done $0x0  }
0x52: {  	s26 =	simm.s32 $0x400;
	s28 =	simm.s32 $0x180;
	[sflag:s16] =	ssyncadd.s32 $0xFFFFC000  }
.LBB2_4:
0x53: {  	[tilespmem:s19], [sflag:$0x2] =	stream.indirect.gather [hbm4b:s1+s18], $0x80, s28, s18, $0xb8;
	[tilespmem:$0x1E400] =	vst v63  }
0x54: {  	s28 =	smov.u32 s26  }
0x55: {  	p0 =	sne.s32 s26, $0x4800;
	s26 =	sadd.s32 $0x400, s26;
	_ =	swait.ge [sflag:s20], $0x4000  }
0x56: {  	s28 =	sshra.s32 s28, $0x2;
	[sflag:s20] =	ssyncset.done $0x0  }
0x57: {  	s29 =	sadd.s32 $0x1400, s28;
	[sflag:s20] =	ssyncadd.s32 $0xFFFFC000  }
0x58: {  	[spmem:s2] =	stream.indirect.scatter.add.f32 [tilespmem:s15], [sflag:$0x3], $0x80, s29, s18, $0xb8;
	[tilespmem:$0x1E400] =	vst v63  }
0x59: {  	_ =	swait.ge [sflag:s16], $0x4000  }
0x5a: {  	[sflag:s16] =	ssyncset.done $0x0  }
0x5b: {  	s29 =	sadd.s32 $0x100, s28;
	[sflag:s16] =	ssyncadd.s32 $0xFFFFC000  }
0x5c: {  	[tilespmem:s15], [sflag:$0x1] =	stream.indirect.gather [hbm4b:s1+s18], $0x80, s29, s18, $0xb8;
	[tilespmem:$0x1E400] =	vst v63  }
0x5d: {  	_ =	swait.ge [sflag:s21], $0x4000  }
0x5e: {  	[sflag:s21] =	ssyncset.done $0x0  }
.Ltmp1:
0x5f: {  	s29 =	sadd.s32 $0x1480, s28;
	[sflag:s21] =	ssyncadd.s32 $0xFFFFC000;
	(pc) =	sbr.rel @p0 .LBB2_4-.Ltmp1, $4  }
0x60: {  	[spmem:s2] =	stream.indirect.scatter.add.f32 [tilespmem:s19], [sflag:$0x3], $0x80, s29, s18, $0xb8;
	[tilespmem:$0x1E400] =	vst v63  }
0x61: {  	_ =	swait.ge [sflag:s16], $0x4000  }
0x62: {  	[sflag:s16] =	ssyncset.done $0x0  }
0x63: {  	s28 =	sadd.s32 $0x180, s28;
	[sflag:s16] =	ssyncadd.s32 $0xFFFFC000  }
0x64: {  	[tilespmem:s19], [sflag:$0x2] =	stream.indirect.gather [hbm4b:s1+s18], $0x80, s28, s18, $0xb8;
	[tilespmem:$0x1E400] =	vst v63  }
0x65: {  	_ =	swait.ge [sflag:s20], $0x4000  }
0x66: {  	[sflag:s20] =	ssyncset.done $0x0  }
0x67: {  	[sflag:s20] =	ssyncadd.s32 $0xFFFFC000  }
0x68: {  	[spmem:s2] =	stream.indirect.scatter.add.f32 [tilespmem:s15], [sflag:$0x3], $0x80, s22, s18, $0xb8;
	[tilespmem:$0x1E400] =	vst v63  }
0x69: {  	_ =	swait.ge [sflag:s16], $0x4000  }
0x6a: {  	[sflag:s16] =	ssyncset.done $0x0  }
0x6b: {  	s26 =	simm.s32 $0x0;
	[sflag:s16] =	ssyncadd.s32 $0xFFFFC000  }
0x6c: {  	[tilespmem:s15], [sflag:$0x1] =	stream.indirect.gather [hbm4b:s1+s18], $0x80, s26, s18, $0xb8;
	[tilespmem:$0x1E400] =	vst v63  }
0x6d: {  	_ =	swait.ge [sflag:s21], $0x4000  }
0x6e: {  	[sflag:s21] =	ssyncset.done $0x0  }
0x6f: {  	[sflag:s21] =	ssyncadd.s32 $0xFFFFC000  }
0x70: {  	[spmem:s2] =	stream.indirect.scatter.add.f32 [tilespmem:s19], [sflag:$0x3], $0x80, s23, s18, $0xb8;
	[tilespmem:$0x1E400] =	vst v63  }
0x71: {  	_ =	swait.ge [sflag:s16], $0x4000  }
0x72: {  	[sflag:s16] =	ssyncset.done $0x0  }
0x73: {  	[sflag:s16] =	ssyncadd.s32 $0xFFFFC000  }
0x74: {  	[tilespmem:s19], [sflag:$0x2] =	stream.indirect.gather [hbm4b:s1+s18], $0x80, s18, s18, $0xb8;
	[tilespmem:$0x1E400] =	vst v63  }
0x75: {  	_ =	swait.ge [sflag:s20], $0x4000  }
0x76: {  	[sflag:s20] =	ssyncset.done $0x0  }
0x77: {  	[sflag:s20] =	ssyncadd.s32 $0xFFFFC000  }
0x78: {  	_ =	swait.ge [sflag:s21], $0x4000  }
0x79: {  	[sflag:s21] =	ssyncset.done $0x0  }
0x7a: {  	[sflag:s21] =	ssyncadd.s32 $0xFFFFC000  }
0x7b: {  	[tilespmem:s26], [sflag:$0x3] =	stream.linear.gather [hbm4b:s13+s26], $0x1400, $0x38;
	[tilespmem:$0x1E400] =	vst v63  }
0x7c: {  	_ =	swait.ge [sflag:s16], $0x1400  }
0x7d: {  	[sflag:s16] =	ssyncset.done $0x0  }
0x7e: {  	[sflag:s16] =	ssyncadd.s32 $0xFFFFEC00  }
0x7f: {  	[tilespmem:s17], [sflag:$0x3] =	stream.linear.gather [hbm4b:s14+s26], $0x1400, $0x38;
	[tilespmem:$0x1E400] =	vst v63  }
0x80: {  	_ =	swait.ge [sflag:s16], $0x1400  }
0x81: {  	[sflag:s16] =	ssyncset.done $0x0  }
0x82: {  	[sflag:s16] =	ssyncadd.s32 $0xFFFFEC00  }
0x83: {  	[tilespmem:s15], [sflag:$0x1] =	stream.indirect.gather [hbm4b:s1+s18], $0x80, s26, s18, $0xb8;
	[tilespmem:$0x1E400] =	vst v63  }
0x84: {  	_ = 	snop  }
0x85: {  	[tilespmem:s19], [sflag:$0x2] =	stream.indirect.gather [hbm4b:s1+s18], $0x80, s18, s18, $0xb8;
	[tilespmem:$0x1E400] =	vst v63  }
0x86: {  	_ =	swait.ge [sflag:s20], $0x4000  }
0x87: {  	[sflag:s20] =	ssyncset.done $0x0  }
0x88: {  	s29 =	simm.s32 $0x1400;
	[sflag:s20] =	ssyncadd.s32 $0xFFFFC000  }
0x89: {  	[spmem:s2] =	stream.indirect.scatter.add.f32 [tilespmem:s15], [sflag:$0x3], $0x80, s29, s18, $0xb8;
	[tilespmem:$0x1E400] =	vst v63  }
0x8a: {  	_ =	swait.ge [sflag:s16], $0x4000  }
0x8b: {  	[sflag:s16] =	ssyncset.done $0x0  }
0x8c: {  	s30 =	simm.s32 $0x100;
	[sflag:s16] =	ssyncadd.s32 $0xFFFFC000  }
0x8d: {  	[tilespmem:s15], [sflag:$0x1] =	stream.indirect.gather [hbm4b:s1+s18], $0x80, s30, s18, $0xb8;
	[tilespmem:$0x1E400] =	vst v63  }
0x8e: {  	_ =	swait.ge [sflag:s21], $0x4000  }
0x8f: {  	[sflag:s21] =	ssyncset.done $0x0  }
0x90: {  	s31 =	simm.s32 $0x1480;
	[sflag:s21] =	ssyncadd.s32 $0xFFFFC000  }
0x91: {  	[spmem:s2] =	stream.indirect.scatter.add.f32 [tilespmem:s19], [sflag:$0x3], $0x80, s31, s18, $0xb8;
	[tilespmem:$0x1E400] =	vst v63  }
0x92: {  	_ =	swait.ge [sflag:s16], $0x4000  }
0x93: {  	[sflag:s16] =	ssyncset.done $0x0  }
0x94: {  	s28 =	simm.s32 $0x180;
	s26 =	simm.s32 $0x400;
	[sflag:s16] =	ssyncadd.s32 $0xFFFFC000  }
.LBB2_6:
0x95: {  	[tilespmem:s19], [sflag:$0x2] =	stream.indirect.gather [hbm4b:s1+s18], $0x80, s28, s18, $0xb8;
	[tilespmem:$0x1E400] =	vst v63  }
0x96: {  	s28 =	smov.u32 s26  }
0x97: {  	p0 =	sne.s32 s26, $0x4800;
	s26 =	sadd.s32 $0x400, s26;
	_ =	swait.ge [sflag:s20], $0x4000  }
0x98: {  	s28 =	sshra.s32 s28, $0x2;
	[sflag:s20] =	ssyncset.done $0x0  }
0x99: {  	s29 =	sadd.s32 $0x1400, s28;
	[sflag:s20] =	ssyncadd.s32 $0xFFFFC000  }
0x9a: {  	[spmem:s2] =	stream.indirect.scatter.add.f32 [tilespmem:s15], [sflag:$0x3], $0x80, s29, s18, $0xb8;
	[tilespmem:$0x1E400] =	vst v63  }
0x9b: {  	_ =	swait.ge [sflag:s16], $0x4000  }
0x9c: {  	[sflag:s16] =	ssyncset.done $0x0  }
0x9d: {  	s29 =	sadd.s32 $0x100, s28;
	[sflag:s16] =	ssyncadd.s32 $0xFFFFC000  }
0x9e: {  	[tilespmem:s15], [sflag:$0x1] =	stream.indirect.gather [hbm4b:s1+s18], $0x80, s29, s18, $0xb8;
	[tilespmem:$0x1E400] =	vst v63  }
0x9f: {  	_ =	swait.ge [sflag:s21], $0x4000  }
0xa0: {  	[sflag:s21] =	ssyncset.done $0x0  }
.Ltmp2:
0xa1: {  	s29 =	sadd.s32 $0x1480, s28;
	[sflag:s21] =	ssyncadd.s32 $0xFFFFC000;
	(pc) =	sbr.rel @p0 .LBB2_6-.Ltmp2, $4  }
0xa2: {  	[spmem:s2] =	stream.indirect.scatter.add.f32 [tilespmem:s19], [sflag:$0x3], $0x80, s29, s18, $0xb8;
	[tilespmem:$0x1E400] =	vst v63  }
0xa3: {  	_ =	swait.ge [sflag:s16], $0x4000  }
0xa4: {  	[sflag:s16] =	ssyncset.done $0x0  }
0xa5: {  	s28 =	sadd.s32 $0x180, s28;
	[sflag:s16] =	ssyncadd.s32 $0xFFFFC000  }
0xa6: {  	[tilespmem:s19], [sflag:$0x2] =	stream.indirect.gather [hbm4b:s1+s18], $0x80, s28, s18, $0xb8;
	[tilespmem:$0x1E400] =	vst v63  }
0xa7: {  	_ =	swait.ge [sflag:s20], $0x4000  }
0xa8: {  	[sflag:s20] =	ssyncset.done $0x0  }
0xa9: {  	[sflag:s20] =	ssyncadd.s32 $0xFFFFC000  }
0xaa: {  	[spmem:s2] =	stream.indirect.scatter.add.f32 [tilespmem:s15], [sflag:$0x3], $0x80, s22, s18, $0xb8;
	[tilespmem:$0x1E400] =	vst v63  }
0xab: {  	_ =	swait.ge [sflag:s16], $0x4000  }
0xac: {  	[sflag:s16] =	ssyncset.done $0x0  }
0xad: {  	[sflag:s16] =	ssyncadd.s32 $0xFFFFC000  }
0xae: {  	[tilespmem:s15], [sflag:$0x1] =	stream.indirect.gather [hbm4b:s1+s18], $0x80, s4, s18, $0xb8;
	[tilespmem:$0x1E400] =	vst v63  }
0xaf: {  	_ =	swait.ge [sflag:s21], $0x4000  }
0xb0: {  	[sflag:s21] =	ssyncset.done $0x0  }
0xb1: {  	[sflag:s21] =	ssyncadd.s32 $0xFFFFC000  }
0xb2: {  	[spmem:s2] =	stream.indirect.scatter.add.f32 [tilespmem:s19], [sflag:$0x3], $0x80, s23, s18, $0xb8;
	[tilespmem:$0x1E400] =	vst v63  }
0xb3: {  	_ =	swait.ge [sflag:s16], $0x4000  }
0xb4: {  	[sflag:s16] =	ssyncset.done $0x0  }
0xb5: {  	[sflag:s16] =	ssyncadd.s32 $0xFFFFC000  }
0xb6: {  	[tilespmem:s19], [sflag:$0x2] =	stream.indirect.gather [hbm4b:s1+s18], $0x80, s18, s18, $0xb8;
	[tilespmem:$0x1E400] =	vst v63  }
0xb7: {  	_ =	swait.ge [sflag:s20], $0x4000  }
0xb8: {  	[sflag:s20] =	ssyncset.done $0x0  }
0xb9: {  	[sflag:s20] =	ssyncadd.s32 $0xFFFFC000  }
0xba: {  	_ =	swait.ge [sflag:s21], $0x4000  }
0xbb: {  	s26 =	sshll.u32 s3, $0x6;
	s25 =	sadd.s32 $0x1, s25;
	[sflag:s21] =	ssyncset.done $0x0  }
0xbc: {  	s31 =	sshrl.u32 s5, $0x3;
	p0 =	sne.s32 s25, s10;
	[sflag:s21] =	ssyncadd.s32 $0xFFFFC000  }
.Ltmp3:
0xbd: {  	s26 =	sor.u32 $0x1C03, s26;
	[bflag:$0x0] =	sbarrier.arrive $0xFFFF;
	(pc) =	sbr.rel @p0 .LBB2_1-.Ltmp3, $4  }
0xbe: {  	[hbm:s24], [sflag:s26] =	dma.local [spmem:s31], $0x2780  }
0xbf: {  	_ =	swait.ge [sflag:s16], $0x2780  }
0xc0: {  	[sflag:s16] =	ssyncset.done $0x0  }
0xc1: {  	[sflag:s16] =	ssyncadd.s32 $0xFFFFD880  }
0xc2: {  	_ =	sfence.sel $0x180000  }
0xc3: {  	[bflag:$0x0] =	sbarrier.arrive $0xFFFF  }
0xc4: {  	p0 =	sne.s32 s3, $0x0;
	_ =	strace $0x9000004A  }
0xc5: {  	s0 =	sadd.s32 @!p0 $0x100000, s0;
	[bflag:$0x2] =	sbarrier.arrive $0xFFFF  }
0xc6: {  	[sflag:s0] =	ssyncadd.tile.s32 @!p0 $0x1;
	_ =	shalt  }
.Lfunc_end2:
_tile_overlayer_lowered:
.L_overlay_start_2:
0xc7: {  	(tag) =	ssettag $0x2  }
0xc8: {  	s0 =	rddreg [dreg:$0x0];
	s2 =	stileid.u32  }
0xc9: {  	s1 =	rddreg [dreg:$0x1];
	p0 =	sne.s32 s2, $0x0  }
0xca: {  	s3 =	rddreg [dreg:$0x2];
	[bflag:$0x3] =	sbarrier.arrive $0xFFFF;
	s2 =	simm.s32 @!p0 $0x1C03  }
0xcb: {  	[timem:s3], [sflag:s2] =	dma.local @!p0 [hbm:s0], s1  }
0xcc: {  	s0 =	simm.s32 @!p0 $0x3  }
0xcd: {  	_ =	swait.ge @!p0 [sflag:s0], s1  }
0xce: {  	s1 =	ssub.s32 @!p0 $0x0, s1;
	[sflag:s0] =	ssyncset.done @!p0 $0x0  }
0xcf: {  	[sflag:s0] =	ssyncadd.s32 @!p0 s1  }
0xd0: {  	[bflag:$0x3] =	sbarrier.arrive $0xFFFF  }
0xd1: {  	_ =	shalt  }

// kernel: kernel.15.cloned.1.call-start
scs
__scs_entry_jumppad:
0x0: {  	(pc) =	sbr.rel $0x88, $3  }
0x1: {  	(tag) =	ssettag $0x0;
	lr =	simm.s32 $0x1  }
0x2: {  	[smem:$0x3F97] =	sst lr;
	_ =	strace $0xD0000000  }
0x3: {  	_ = 	snop  }
0x4: {  	_ = 	snop  }
0x5: {  	_ = 	snop  }
0x6: {  	_ = 	snop  }
0x7: {  	_ = 	snop  }
__scs_overlays_trampoline_lowered:
0x8: {  	[smem:$0x3FA6] =	sst s0  }
0x9: {  	[smem:$0x3FA7] =	sst s1  }
0xa: {  	[smem:$0x3FA8] =	sst s2  }
0xb: {  	[smem:$0x3FA9] =	sst s3  }
0xc: {  	[smem:$0x3FAA] =	sst s4  }
0xd: {  	[smem:$0x3FAB] =	sst s5  }
0xe: {  	[smem:$0x3FAC] =	sst s6  }
0xf: {  	[smem:$0x3FAD] =	sst s7  }
0x10: {  	[smem:$0x3FAE] =	sst s8  }
0x11: {  	[smem:$0x3FAF] =	sst s9;
	s0 =	simm.s32 @!p0 $0x0  }
0x12: {  	s1 =	sld [smem:$0x3F95];
	s0 =	simm.s32 @p0 $0x1  }
0x13: {  	[smem:$0x3FB0] =	sst s0;
	s0 =	simm.s32 @!p1 $0x0  }
0x14: {  	s2 =	sld [smem:$0x3F94];
	s0 =	simm.s32 @p1 $0x1  }
0x15: {  	[smem:$0x3FB1] =	sst s0;
	s0 =	simm.s32 @!p2 $0x0  }
0x16: {  	s3 =	sld [smem:$0x3FDB];
	s0 =	simm.s32 @p2 $0x1  }
0x17: {  	s4 =	simm.s32 $0x1BF5;
	[smem:$0x3FB3] =	sst s0  }
0x18: {  	s0 =	sld [smem:$0x3F96];
	_ =	swait.ge [sflag:s4], $0x0  }
0x19: {  	s7 =	sld [smem:$0x3F97]  }
0x1a: {  	s8 =	sadd.s32 $0xFFFFE003, lr  }
0x1b: {  	s9 =	sadd.s32 $0xFFFFFEF7, lr;
	s5 =	simm.s32 $0xFFFFFFFF;
	p2 =	slt.u32 s8, $0xFFFFF086  }
0x1c: {  	p1 =	slt.u32 s9, $0xF7A;
	s5 =	simm.s32 @!p2 $0x0  }
0x1d: {  	s5 =	simm.s32 @p1 $0x1;
	p0 =	seq.s32 s7, s2  }
0x1e: {  	s7 =	smul.u32 @!p0 $0xF7A, s2;
	p2 =	seq.s32 @!p0 s5, $0x0  }
0x1f: {  	s9 =	smul.u32 $0xF7A, s1;
	s8 =	simm.s32 @!p0 $0x1BF5;
	p2 =	por !p2, p0  }
0x20: {  	[sflag:s8] =	ssyncset.s32 @!p0 $0xFFFFF086;
	s6 =	sadd.s32 @!p0 s3, s7;
	s7 =	simm.s32 @!p0 $0x108  }
0x21: {  	s3 =	sadd.s32 s3, s9;
	s6 =	sadd.s32 @!p0 $0x88, s6;
	s7 =	simm.s32 @p2 $0x1082  }
0x22: {  	[simem:s7], [sflag:s8] =	dma.local @!p0 [hbm:s6], $0xF7A  }
0x23: {  	s9 =	sor.u32 $0xD0000000, s2;
	s6 =	simm.s32 $0x108;
	_ =	swait.ge @!p0 [sflag:s8], $0x0  }
0x24: {  	s3 =	sadd.s32 $0x88, s3;
	s6 =	simm.s32 @!p1 $0x1082;
	[sflag:s4] =	ssyncset.s32 $0xFFFFF086  }
0x25: {  	[simem:s6], [sflag:s4] =	dma.local [hbm:s3], $0xF7A  }
0x26: {  	[smem:$0x3F97] =	sst s1;
	(tag) =	ssettag s2;
	_ =	strace s9  }
0x27: {  	s1 =	sld [smem:$0x3FA7]  }
0x28: {  	s2 =	sld [smem:$0x3FA8]  }
0x29: {  	s4 =	sld [smem:$0x3FAA]  }
0x2a: {  	p0 =	seq.s32 s5, $0x0;
	s5 =	sld [smem:$0x3FAB]  }
0x2b: {  	s6 =	sld [smem:$0x3FAC]  }
0x2c: {  	s7 =	sld [smem:$0x3FAD]  }
0x2d: {  	s3 =	simm.s32 $0x108;
	s8 =	sld [smem:$0x3FAE]  }
0x2e: {  	s3 =	simm.s32 @!p0 $0x1082;
	s9 =	sld [smem:$0x3FAF]  }
0x2f: {  	lr =	sadd.s32 s0, s3;
	s0 =	sld [smem:$0x3FA6]  }
0x30: {  	s3 =	sld [smem:$0x3FA9]  }
0x31: {  	[smem:$0x3FB2] =	sst s10  }
0x32: {  	s10 =	sld [smem:$0x3FB0];
	_ =	sdelay $0x3  }
0x33: {  	p0 =	seq.s32 s10, $0x1;
	s10 =	sld [smem:$0x3FB2];
	_ =	sdelay $0x3  }
0x34: {  	[smem:$0x3FB2] =	sst s10  }
0x35: {  	s10 =	sld [smem:$0x3FB1];
	_ =	sdelay $0x3  }
0x36: {  	p1 =	seq.s32 s10, $0x1;
	s10 =	sld [smem:$0x3FB2];
	_ =	sdelay $0x3  }
0x37: {  	[smem:$0x3FB2] =	sst s10  }
0x38: {  	s10 =	sld [smem:$0x3FB3]  }
0x39: {  	_ = 	snop;
	(pc) =	sbr.ind lr, $3  }
0x3a: {  	_ = 	snop  }
0x3b: {  	_ = 	snop  }
0x3c: {  	p2 =	seq.s32 s10, $0x1;
	s10 =	sld [smem:$0x3FB2]  }
0x3d: {  	_ =	shalt  }
0x3e: {  	_ =	shalt  }
0x3f: {  	_ =	shalt  }
0x40: {  	_ =	shalt  }
0x41: {  	_ =	shalt  }
0x42: {  	_ =	shalt  }
0x43: {  	_ =	shalt  }
0x44: {  	_ =	shalt  }
0x45: {  	_ =	shalt  }
0x46: {  	_ =	shalt  }
0x47: {  	_ =	shalt  }
0x48: {  	_ =	shalt  }
0x49: {  	_ =	shalt  }
0x4a: {  	_ =	shalt  }
0x4b: {  	_ =	shalt  }
0x4c: {  	_ =	shalt  }
0x4d: {  	_ =	shalt  }
0x4e: {  	_ =	shalt  }
0x4f: {  	_ =	shalt  }
0x50: {  	_ =	shalt  }
0x51: {  	_ =	shalt  }
0x52: {  	_ =	shalt  }
0x53: {  	_ =	shalt  }
0x54: {  	_ =	shalt  }
0x55: {  	_ =	shalt  }
0x56: {  	_ =	shalt  }
0x57: {  	_ =	shalt  }
0x58: {  	_ =	shalt  }
0x59: {  	_ =	shalt  }
0x5a: {  	_ =	shalt  }
0x5b: {  	_ =	shalt  }
0x5c: {  	_ =	shalt  }
0x5d: {  	_ =	shalt  }
0x5e: {  	_ =	shalt  }
0x5f: {  	_ =	shalt  }
0x60: {  	_ =	shalt  }
0x61: {  	_ =	shalt  }
0x62: {  	_ =	shalt  }
0x63: {  	_ =	shalt  }
0x64: {  	_ =	shalt  }
0x65: {  	_ =	shalt  }
0x66: {  	_ =	shalt  }
0x67: {  	_ =	shalt  }
0x68: {  	_ =	shalt  }
0x69: {  	_ =	shalt  }
0x6a: {  	_ =	shalt  }
0x6b: {  	_ =	shalt  }
0x6c: {  	_ =	shalt  }
0x6d: {  	_ =	shalt  }
0x6e: {  	_ =	shalt  }
0x6f: {  	_ =	shalt  }
0x70: {  	_ =	shalt  }
0x71: {  	_ =	shalt  }
0x72: {  	_ =	shalt  }
0x73: {  	_ =	shalt  }
0x74: {  	_ =	shalt  }
0x75: {  	_ =	shalt  }
0x76: {  	_ =	shalt  }
0x77: {  	_ =	shalt  }
0x78: {  	_ =	shalt  }
0x79: {  	_ =	shalt  }
0x7a: {  	_ =	shalt  }
0x7b: {  	_ =	shalt  }
0x7c: {  	_ =	shalt  }
0x7d: {  	_ =	shalt  }
0x7e: {  	_ =	shalt  }
0x7f: {  	_ =	shalt  }
0x80: {  	_ =	shalt  }
0x81: {  	_ =	shalt  }
0x82: {  	_ =	shalt  }
0x83: {  	_ =	shalt  }
0x84: {  	_ =	shalt  }
0x85: {  	_ =	shalt  }
0x86: {  	_ =	shalt  }
0x87: {  	_ =	shalt  }
.Lfunc_end0:
.L_simem_size_0:
called_computation.2_lowered:
.L_overlay_start_0:
0x88: {  	s2 =	sld [smem:$0x3FD9]  }
0x89: {  	s3 =	sld [smem:$0x3FFE];
	_ =	sdelay $0x1  }
0x8a: {  	s1 =	srdreg.scid  }
0x8b: {  	s0 =	sand.u32 $0x1, s1  }
0x8c: {  	s17 =	sshll.u32 s0, $0xA;
	s2 =	sadd.s32 s3, s2  }
0x8d: {  	s2 =	sadd.s32 s2, s17  }
0x8e: {  	[smem:$0x3FBE] =	sst s2  }
0x8f: {  	_ = 	snop  }
0x90: {  	s2 =	sld [smem:$0x3FD0];
	(tm) =	ssettm $0x1  }
0x91: {  	s18 =	sld [smem:$0x3FFB];
	_ =	sdelay $0x3  }
0x92: {  	_ =	strace s18  }
0x93: {  	s3 =	sld [smem:$0x3FFC];
	_ =	sdelay $0x3  }
0x94: {  	_ =	strace s3  }
0x95: {  	s3 =	sld [smem:$0x3FFD];
	_ =	sdelay $0x3  }
0x96: {  	_ =	strace s3  }
0x97: {  	_ =	strace $0x8FFFFFFF  }
0x98: {  	s19 =	sld [smem:$0x3FDB];
	_ =	sdelay $0x1  }
0x99: {  	s4 =	simm.s32 $_scs_section_size  }
0x9a: {  	s5 =	simm.s32 $_size__tile_overlayer_lowered;
	s6 =	simm.s32 $_tile_overlayer_lowered  }
0x9b: {  	s22 =	simm.s32 $0x1BFF;
	s21 =	sshll.u32 s6, $0x1;
	s3 =	sadd.s32 s4, s19  }
0x9c: {  	s7 =	simm.s32 $0x0;
	s20 =	sshll.u32 s5, $0x1;
	s5 =	sadd.s32 s21, s3  }
0x9d: {  	[timem:s7], [sflag:s22] =	dma.local [hbm:s5], s20  }
0x9e: {  	_ =	swait.ge [sflag:s22], s20  }
0x9f: {  	s4 =	ssub.s32 $0x0, s20;
	[sflag:s22] =	ssyncset.done $0x0  }
0xa0: {  	[sflag:s22] =	ssyncadd.s32 s4;
	_ =	sdelay $0x1  }
0xa1: {  	s23 =	simm.s32 $0x1B8B  }
0xa2: {  	_ =	swait.ge [sflag:s23], $0x1  }
0xa3: {  	[sflag:s23] =	ssyncset.done $0x0  }
0xa4: {  	s25 =	simm.s32 $0x1B8E;
	s24 =	sld [smem:$0x3FFE];
	[sflag:s23] =	ssyncadd.s32 $0xFFFFFFFF  }
0xa5: {  	s26 =	simm.s32 $execute0_lowered;
	[smem:$0x3FD2] =	sst s25  }
0xa6: {  	s5 =	sshll.u32 s26, $0x1;
	_ =	strace $0x8000004C;
	[dreg:$0x1] =	wrdreg $0xFFFFFFFF  }
0xa7: {  	s28 =	simm.s32 $_size_execute0_lowered;
	s3 =	sadd.s32 s3, s5;
	[dreg:$0x0] =	wrdreg $0x0  }
0xa8: {  	s5 =	sshll.u32 s28, $0x1;
	[dreg:$0x2] =	wrdreg s3  }
0xa9: {  	[dreg:$0x3] =	wrdreg s5  }
0xaa: {  	[dreg:$0x4] =	wrdreg $0xC0  }
0xab: {  	_ =	task [dreg:s7], $0x5FFFF  }
0xac: {  	[dreg:$0x1] =	wrdreg $0xFFFFFFFF  }
0xad: {  	[dreg:$0x0] =	wrdreg $0x60  }
0xae: {  	[dreg:$0x2] =	wrdreg s2  }
0xaf: {  	[dreg:$0x3] =	wrdreg s24  }
0xb0: {  	[dreg:$0x4] =	wrdreg $0xA8000  }
0xb1: {  	[dreg:$0x5] =	wrdreg $0x9  }
0xb2: {  	_ =	task.clear_ibuf [dreg:s7], $0x6FFFF;
	_ =	strace $0x9000004C  }
0xb3: {  	s29 =	simm.s32 $0x9;
	_ =	strace $0x8000004E  }
0xb4: {  	_ =	swait.ge [sflag:s29], $0x1  }
0xb5: {  	[sflag:s29] =	ssyncadd.s32 $0xFFFFFFFF  }
0xb6: {  	_ =	strace $0x9000004E  }
0xb7: {  	_ =	sfence  }
0xb8: {  	s30 =	sld [smem:$0x0];
	_ =	sdelay $0x2  }
0xb9: {  	s31 =	sshll.u32 s1, $0xD;
	s1 =	sshrl.u32 s1, $0x2  }
0xba: {  	s3 =	sand.u32 $0x4000, s31;
	s1 =	sadd.s32 s1, s30  }
0xbb: {  	s0 =	sor.u32 s3, s0;
	s1 =	sshll.u32 s1, $0x11  }
0xbc: {  	s0 =	sor.u32 s1, s0  }
0xbd: {  	s0 =	sadd.s32 $0x8F2B, s0  }
0xbe: {  	[sflag:s0] =	ssyncadd.remote.s32 $0x1  }
0xbf: {  	_ =	sfence.sel $0xFFFF  }
0xc0: {  	[dreg:$0x0] =	wrdreg $0xFFFFFFFF;
	(pc) =	sbr.abs _section_cstart, $3  }
0xc1: {  	[dreg:$0x1] =	wrdreg $0xFFFFFFFF  }
0xc2: {  	_ =	task.clear_ibuf [dreg:s7], $0x2FFFF;
	_ =	strace $0x9FFFFFFF  }
0xc3: {  	(tm) =	ssettm $0x7FFFFFFF  }
tec
execute0_lowered:
.L_overlay_start_1:
0x0: {  	(tag) =	ssettag $0x1  }
0x1: {  	s1 =	rddreg [dreg:$0x0]  }
0x2: {  	s5 =	rddreg [dreg:$0x1]  }
0x3: {  	s2 =	rddreg [dreg:$0x2]  }
0x4: {  	s3 =	srdreg.scid;
	s0 =	rddreg [dreg:$0x3]  }
0x5: {  	s4 =	simm.s32 $0x0;
	s17 =	simm.s32 $0x1400;
	s18 =	simm.s32 $0x80  }
0x6: {  	s19 =	simm.s32 $0x6800;
	s20 =	simm.s32 $0x1;
	s21 =	simm.s32 $0x2  }
0x7: {  	s22 =	simm.s32 $0x2700;
	s9 =	sand.u32 $0x1, s3;
	s3 =	stileid.u32  }
0x8: {  	s23 =	simm.s32 $0x2780;
	[smem:$0x7FF] =	sst s4;
	s6 =	smul.u32 $0x27800, s9  }
0x9: {  	s13 =	sadd.s32 $0x3400, s5;
	s14 =	sadd.s32 $0xD400, s5;
	s7 =	smul.u32 $0x4F000, s3  }
0xa: {  	_ =	strace $0x8000004D;
	s29 =	ssub.s32 $0x2, s9;
	s11 =	smul.u32 $0x500, s3  }
0xb: {  	p0 =	seq.s32 s9, $0x0;
	s25 =	smul.u32 $0x2780, s3;
	s31 =	sshrl.u32 s29, $0x1  }
0xc: {  	s10 =	sadd.s32 s6, s5;
	s30 =	sshrl.u32 s7, $0x2;
	s12 =	ssub.s32 s29, s31  }
0xd: {  	s15 =	sadd.s32 $0x5000, s11;
	s5 =	sadd.s32 s30, s2;
	s24 =	sadd.s32 $0x66400, s10  }
0xe: {  	s15 =	smov.u32 @p0 s11;
	s10 =	smax.u32 s12, $0x1;
	s6 =	sadd.s32 $0x4000, s5  }
0xf: {  	s7 =	sadd.s32 $0x8000, s5;
	s8 =	sadd.s32 $0xC000, s5;
	s9 =	sadd.s32 $0x10000, s5  }
0x10: {  	s16 =	sadd.s32 $0x280, s15;
	s11 =	sadd.s32 s13, s15;
	s12 =	sadd.s32 s14, s15  }
0x11: {  	s15 =	simm.s32 $0x2800;
	s24 =	sadd.s32 s25, s24;
	s25 =	simm.s32 $0x0  }
0x12: {  	v0 =	vimm.f32 $0.0e+00;
	s13 =	sadd.s32 s13, s16;
	s14 =	sadd.s32 s14, s16;
	s16 =	simm.s32 $0x3  }
.LBB2_1:
0x13: {  	s26 =	simm.s32 $0x0;
	s28 =	simm.s32 $0x200  }
.LBB2_2:
0x14: {  	p0 =	sne.s32 s28, $0xFE00;
	[tilespmem:s26+$0x2870] =	vst v0  }
0x15: {  	[tilespmem:s26+$0x2800] =	vst v0  }
0x16: {  	[tilespmem:s26+$0x2810] =	vst v0  }
.Ltmp0:
0x17: {  	[tilespmem:s26+$0x2820] =	vst v0;
	(pc) =	sbr.rel @p0 .LBB2_2-.Ltmp0, $4  }
0x18: {  	[tilespmem:s26+$0x2830] =	vst v0  }
0x19: {  	[tilespmem:s26+$0x2840] =	vst v0  }
0x1a: {  	[tilespmem:s26+$0x2850] =	vst v0  }
0x1b: {  	[tilespmem:s26+$0x2860] =	vst v0;
	s26 =	sshra.s32 s28, $0x2;
	s28 =	sadd.s32 $0x200, s28  }
0x1c: {  	[tilespmem:s26+$0x2870] =	vst v0  }
0x1d: {  	[tilespmem:s26+$0x2800] =	vst v0  }
0x1e: {  	[tilespmem:s26+$0x2810] =	vst v0  }
0x1f: {  	[tilespmem:s26+$0x2820] =	vst v0  }
0x20: {  	[tilespmem:s26+$0x2830] =	vst v0  }
0x21: {  	[tilespmem:s26+$0x2840] =	vst v0  }
0x22: {  	[tilespmem:s26+$0x2850] =	vst v0  }
0x23: {  	[tilespmem:s26+$0x2860] =	vst v0  }
0x24: {  	[spmem:s5] =	stream.linear.scatter [tilespmem:s15], [sflag:$0x3], $0x4000, $0x38;
	[tilespmem:$0x1E400] =	vst v63  }
0x25: {  	_ =	swait.ge [sflag:s16], $0x4000  }
0x26: {  	[sflag:s16] =	ssyncset.done $0x0  }
0x27: {  	[sflag:s16] =	ssyncadd.s32 $0xFFFFC000  }
0x28: {  	[spmem:s6] =	stream.linear.scatter [tilespmem:s15], [sflag:$0x3], $0x4000, $0x38;
	[tilespmem:$0x1E400] =	vst v63  }
0x29: {  	_ =	swait.ge [sflag:s16], $0x4000  }
0x2a: {  	[sflag:s16] =	ssyncset.done $0x0  }
0x2b: {  	[sflag:s16] =	ssyncadd.s32 $0xFFFFC000  }
0x2c: {  	[spmem:s7] =	stream.linear.scatter [tilespmem:s15], [sflag:$0x3], $0x4000, $0x38;
	[tilespmem:$0x1E400] =	vst v63  }
0x2d: {  	_ =	swait.ge [sflag:s16], $0x4000  }
0x2e: {  	[sflag:s16] =	ssyncset.done $0x0  }
0x2f: {  	[sflag:s16] =	ssyncadd.s32 $0xFFFFC000  }
0x30: {  	[spmem:s8] =	stream.linear.scatter [tilespmem:s15], [sflag:$0x3], $0x4000, $0x38;
	[tilespmem:$0x1E400] =	vst v63  }
0x31: {  	_ =	swait.ge [sflag:s16], $0x4000  }
0x32: {  	[sflag:s16] =	ssyncset.done $0x0  }
0x33: {  	[sflag:s16] =	ssyncadd.s32 $0xFFFFC000  }
0x34: {  	[spmem:s9] =	stream.linear.scatter [tilespmem:s15], [sflag:$0x3], $0x3C00, $0x38;
	[tilespmem:$0x1E400] =	vst v63  }
0x35: {  	_ =	swait.ge [sflag:s16], $0x3C00  }
0x36: {  	[sflag:s16] =	ssyncset.done $0x0  }
0x37: {  	[sflag:s16] =	ssyncadd.s32 $0xFFFFC400  }
0x38: {  	s31 =	simm.s32 $0x0;
	[bflag:$0x0] =	sbarrier.arrive $0xFFFF  }
0x39: {  	[tilespmem:s31], [sflag:$0x3] =	stream.linear.gather [hbm4b:s11+s31], $0x1400, $0x38;
	[tilespmem:$0x1E400] =	vst v63  }
0x3a: {  	_ =	swait.ge [sflag:s16], $0x1400  }
0x3b: {  	[sflag:s16] =	ssyncset.done $0x0  }
0x3c: {  	[sflag:s16] =	ssyncadd.s32 $0xFFFFEC00  }
0x3d: {  	[tilespmem:s17], [sflag:$0x3] =	stream.linear.gather [hbm4b:s12+s31], $0x1400, $0x38;
	[tilespmem:$0x1E400] =	vst v63  }
0x3e: {  	_ =	swait.ge [sflag:s16], $0x1400  }
0x3f: {  	[sflag:s16] =	ssyncset.done $0x0  }
0x40: {  	[sflag:s16] =	ssyncadd.s32 $0xFFFFEC00  }
0x41: {  	[tilespmem:s15], [sflag:$0x1] =	stream.indirect.gather [hbm4b:s1+s18], $0x80, s31, s18, $0xb8;
	[tilespmem:$0x1E400] =	vst v63  }
0x42: {  	_ = 	snop  }
0x43: {  	[tilespmem:s19], [sflag:$0x2] =	stream.indirect.gather [hbm4b:s1+s18], $0x80, s18, s18, $0xb8;
	[tilespmem:$0x1E400] =	vst v63  }
0x44: {  	_ =	swait.ge [sflag:s20], $0x4000  }
0x45: {  	[sflag:s20] =	ssyncset.done $0x0  }
0x46: {  	s29 =	simm.s32 $0x1400;
	[sflag:s20] =	ssyncadd.s32 $0xFFFFC000  }
0x47: {  	[spmem:s2] =	stream.indirect.scatter.add.f32 [tilespmem:s15], [sflag:$0x3], $0x80, s29, s18, $0xb8;
	[tilespmem:$0x1E400] =	vst v63  }
0x48: {  	_ =	swait.ge [sflag:s16], $0x4000  }
0x49: {  	[sflag:s16] =	ssyncset.done $0x0  }
0x4a: {  	s30 =	simm.s32 $0x100;
	[sflag:s16] =	ssyncadd.s32 $0xFFFFC000  }
0x4b: {  	[tilespmem:s15], [sflag:$0x1] =	stream.indirect.gather [hbm4b:s1+s18], $0x80, s30, s18, $0xb8;
	[tilespmem:$0x1E400] =	vst v63  }
0x4c: {  	_ =	swait.ge [sflag:s21], $0x4000  }
0x4d: {  	[sflag:s21] =	ssyncset.done $0x0  }
0x4e: {  	s31 =	simm.s32 $0x1480;
	[sflag:s21] =	ssyncadd.s32 $0xFFFFC000  }
0x4f: {  	[spmem:s2] =	stream.indirect.scatter.add.f32 [tilespmem:s19], [sflag:$0x3], $0x80, s31, s18, $0xb8;
	[tilespmem:$0x1E400] =	vst v63  }
0x50: {  	_ =	swait.ge [sflag:s16], $0x4000  }
0x51: {  	[sflag:s16] =	ssyncset.done $0x0  }
0x52: {  	s26 =	simm.s32 $0x400;
	s28 =	simm.s32 $0x180;
	[sflag:s16] =	ssyncadd.s32 $0xFFFFC000  }
.LBB2_4:
0x53: {  	[tilespmem:s19], [sflag:$0x2] =	stream.indirect.gather [hbm4b:s1+s18], $0x80, s28, s18, $0xb8;
	[tilespmem:$0x1E400] =	vst v63  }
0x54: {  	s28 =	smov.u32 s26  }
0x55: {  	p0 =	sne.s32 s26, $0x4800;
	s26 =	sadd.s32 $0x400, s26;
	_ =	swait.ge [sflag:s20], $0x4000  }
0x56: {  	s28 =	sshra.s32 s28, $0x2;
	[sflag:s20] =	ssyncset.done $0x0  }
0x57: {  	s29 =	sadd.s32 $0x1400, s28;
	[sflag:s20] =	ssyncadd.s32 $0xFFFFC000  }
0x58: {  	[spmem:s2] =	stream.indirect.scatter.add.f32 [tilespmem:s15], [sflag:$0x3], $0x80, s29, s18, $0xb8;
	[tilespmem:$0x1E400] =	vst v63  }
0x59: {  	_ =	swait.ge [sflag:s16], $0x4000  }
0x5a: {  	[sflag:s16] =	ssyncset.done $0x0  }
0x5b: {  	s29 =	sadd.s32 $0x100, s28;
	[sflag:s16] =	ssyncadd.s32 $0xFFFFC000  }
0x5c: {  	[tilespmem:s15], [sflag:$0x1] =	stream.indirect.gather [hbm4b:s1+s18], $0x80, s29, s18, $0xb8;
	[tilespmem:$0x1E400] =	vst v63  }
0x5d: {  	_ =	swait.ge [sflag:s21], $0x4000  }
0x5e: {  	[sflag:s21] =	ssyncset.done $0x0  }
.Ltmp1:
0x5f: {  	s29 =	sadd.s32 $0x1480, s28;
	[sflag:s21] =	ssyncadd.s32 $0xFFFFC000;
	(pc) =	sbr.rel @p0 .LBB2_4-.Ltmp1, $4  }
0x60: {  	[spmem:s2] =	stream.indirect.scatter.add.f32 [tilespmem:s19], [sflag:$0x3], $0x80, s29, s18, $0xb8;
	[tilespmem:$0x1E400] =	vst v63  }
0x61: {  	_ =	swait.ge [sflag:s16], $0x4000  }
0x62: {  	[sflag:s16] =	ssyncset.done $0x0  }
0x63: {  	s28 =	sadd.s32 $0x180, s28;
	[sflag:s16] =	ssyncadd.s32 $0xFFFFC000  }
0x64: {  	[tilespmem:s19], [sflag:$0x2] =	stream.indirect.gather [hbm4b:s1+s18], $0x80, s28, s18, $0xb8;
	[tilespmem:$0x1E400] =	vst v63  }
0x65: {  	_ =	swait.ge [sflag:s20], $0x4000  }
0x66: {  	[sflag:s20] =	ssyncset.done $0x0  }
0x67: {  	[sflag:s20] =	ssyncadd.s32 $0xFFFFC000  }
0x68: {  	[spmem:s2] =	stream.indirect.scatter.add.f32 [tilespmem:s15], [sflag:$0x3], $0x80, s22, s18, $0xb8;
	[tilespmem:$0x1E400] =	vst v63  }
0x69: {  	_ =	swait.ge [sflag:s16], $0x4000  }
0x6a: {  	[sflag:s16] =	ssyncset.done $0x0  }
0x6b: {  	s26 =	simm.s32 $0x0;
	[sflag:s16] =	ssyncadd.s32 $0xFFFFC000  }
0x6c: {  	[tilespmem:s15], [sflag:$0x1] =	stream.indirect.gather [hbm4b:s1+s18], $0x80, s26, s18, $0xb8;
	[tilespmem:$0x1E400] =	vst v63  }
0x6d: {  	_ =	swait.ge [sflag:s21], $0x4000  }
0x6e: {  	[sflag:s21] =	ssyncset.done $0x0  }
0x6f: {  	[sflag:s21] =	ssyncadd.s32 $0xFFFFC000  }
0x70: {  	[spmem:s2] =	stream.indirect.scatter.add.f32 [tilespmem:s19], [sflag:$0x3], $0x80, s23, s18, $0xb8;
	[tilespmem:$0x1E400] =	vst v63  }
0x71: {  	_ =	swait.ge [sflag:s16], $0x4000  }
0x72: {  	[sflag:s16] =	ssyncset.done $0x0  }
0x73: {  	[sflag:s16] =	ssyncadd.s32 $0xFFFFC000  }
0x74: {  	[tilespmem:s19], [sflag:$0x2] =	stream.indirect.gather [hbm4b:s1+s18], $0x80, s18, s18, $0xb8;
	[tilespmem:$0x1E400] =	vst v63  }
0x75: {  	_ =	swait.ge [sflag:s20], $0x4000  }
0x76: {  	[sflag:s20] =	ssyncset.done $0x0  }
0x77: {  	[sflag:s20] =	ssyncadd.s32 $0xFFFFC000  }
0x78: {  	_ =	swait.ge [sflag:s21], $0x4000  }
0x79: {  	[sflag:s21] =	ssyncset.done $0x0  }
0x7a: {  	[sflag:s21] =	ssyncadd.s32 $0xFFFFC000  }
0x7b: {  	[tilespmem:s26], [sflag:$0x3] =	stream.linear.gather [hbm4b:s13+s26], $0x1400, $0x38;
	[tilespmem:$0x1E400] =	vst v63  }
0x7c: {  	_ =	swait.ge [sflag:s16], $0x1400  }
0x7d: {  	[sflag:s16] =	ssyncset.done $0x0  }
0x7e: {  	[sflag:s16] =	ssyncadd.s32 $0xFFFFEC00  }
0x7f: {  	[tilespmem:s17], [sflag:$0x3] =	stream.linear.gather [hbm4b:s14+s26], $0x1400, $0x38;
	[tilespmem:$0x1E400] =	vst v63  }
0x80: {  	_ =	swait.ge [sflag:s16], $0x1400  }
0x81: {  	[sflag:s16] =	ssyncset.done $0x0  }
0x82: {  	[sflag:s16] =	ssyncadd.s32 $0xFFFFEC00  }
0x83: {  	[tilespmem:s15], [sflag:$0x1] =	stream.indirect.gather [hbm4b:s1+s18], $0x80, s26, s18, $0xb8;
	[tilespmem:$0x1E400] =	vst v63  }
0x84: {  	_ = 	snop  }
0x85: {  	[tilespmem:s19], [sflag:$0x2] =	stream.indirect.gather [hbm4b:s1+s18], $0x80, s18, s18, $0xb8;
	[tilespmem:$0x1E400] =	vst v63  }
0x86: {  	_ =	swait.ge [sflag:s20], $0x4000  }
0x87: {  	[sflag:s20] =	ssyncset.done $0x0  }
0x88: {  	s29 =	simm.s32 $0x1400;
	[sflag:s20] =	ssyncadd.s32 $0xFFFFC000  }
0x89: {  	[spmem:s2] =	stream.indirect.scatter.add.f32 [tilespmem:s15], [sflag:$0x3], $0x80, s29, s18, $0xb8;
	[tilespmem:$0x1E400] =	vst v63  }
0x8a: {  	_ =	swait.ge [sflag:s16], $0x4000  }
0x8b: {  	[sflag:s16] =	ssyncset.done $0x0  }
0x8c: {  	s30 =	simm.s32 $0x100;
	[sflag:s16] =	ssyncadd.s32 $0xFFFFC000  }
0x8d: {  	[tilespmem:s15], [sflag:$0x1] =	stream.indirect.gather [hbm4b:s1+s18], $0x80, s30, s18, $0xb8;
	[tilespmem:$0x1E400] =	vst v63  }
0x8e: {  	_ =	swait.ge [sflag:s21], $0x4000  }
0x8f: {  	[sflag:s21] =	ssyncset.done $0x0  }
0x90: {  	s31 =	simm.s32 $0x1480;
	[sflag:s21] =	ssyncadd.s32 $0xFFFFC000  }
0x91: {  	[spmem:s2] =	stream.indirect.scatter.add.f32 [tilespmem:s19], [sflag:$0x3], $0x80, s31, s18, $0xb8;
	[tilespmem:$0x1E400] =	vst v63  }
0x92: {  	_ =	swait.ge [sflag:s16], $0x4000  }
0x93: {  	[sflag:s16] =	ssyncset.done $0x0  }
0x94: {  	s28 =	simm.s32 $0x180;
	s26 =	simm.s32 $0x400;
	[sflag:s16] =	ssyncadd.s32 $0xFFFFC000  }
.LBB2_6:
0x95: {  	[tilespmem:s19], [sflag:$0x2] =	stream.indirect.gather [hbm4b:s1+s18], $0x80, s28, s18, $0xb8;
	[tilespmem:$0x1E400] =	vst v63  }
0x96: {  	s28 =	smov.u32 s26  }
0x97: {  	p0 =	sne.s32 s26, $0x4800;
	s26 =	sadd.s32 $0x400, s26;
	_ =	swait.ge [sflag:s20], $0x4000  }
0x98: {  	s28 =	sshra.s32 s28, $0x2;
	[sflag:s20] =	ssyncset.done $0x0  }
0x99: {  	s29 =	sadd.s32 $0x1400, s28;
	[sflag:s20] =	ssyncadd.s32 $0xFFFFC000  }
0x9a: {  	[spmem:s2] =	stream.indirect.scatter.add.f32 [tilespmem:s15], [sflag:$0x3], $0x80, s29, s18, $0xb8;
	[tilespmem:$0x1E400] =	vst v63  }
0x9b: {  	_ =	swait.ge [sflag:s16], $0x4000  }
0x9c: {  	[sflag:s16] =	ssyncset.done $0x0  }
0x9d: {  	s29 =	sadd.s32 $0x100, s28;
	[sflag:s16] =	ssyncadd.s32 $0xFFFFC000  }
0x9e: {  	[tilespmem:s15], [sflag:$0x1] =	stream.indirect.gather [hbm4b:s1+s18], $0x80, s29, s18, $0xb8;
	[tilespmem:$0x1E400] =	vst v63  }
0x9f: {  	_ =	swait.ge [sflag:s21], $0x4000  }
0xa0: {  	[sflag:s21] =	ssyncset.done $0x0  }
.Ltmp2:
0xa1: {  	s29 =	sadd.s32 $0x1480, s28;
	[sflag:s21] =	ssyncadd.s32 $0xFFFFC000;
	(pc) =	sbr.rel @p0 .LBB2_6-.Ltmp2, $4  }
0xa2: {  	[spmem:s2] =	stream.indirect.scatter.add.f32 [tilespmem:s19], [sflag:$0x3], $0x80, s29, s18, $0xb8;
	[tilespmem:$0x1E400] =	vst v63  }
0xa3: {  	_ =	swait.ge [sflag:s16], $0x4000  }
0xa4: {  	[sflag:s16] =	ssyncset.done $0x0  }
0xa5: {  	s28 =	sadd.s32 $0x180, s28;
	[sflag:s16] =	ssyncadd.s32 $0xFFFFC000  }
0xa6: {  	[tilespmem:s19], [sflag:$0x2] =	stream.indirect.gather [hbm4b:s1+s18], $0x80, s28, s18, $0xb8;
	[tilespmem:$0x1E400] =	vst v63  }
0xa7: {  	_ =	swait.ge [sflag:s20], $0x4000  }
0xa8: {  	[sflag:s20] =	ssyncset.done $0x0  }
0xa9: {  	[sflag:s20] =	ssyncadd.s32 $0xFFFFC000  }
0xaa: {  	[spmem:s2] =	stream.indirect.scatter.add.f32 [tilespmem:s15], [sflag:$0x3], $0x80, s22, s18, $0xb8;
	[tilespmem:$0x1E400] =	vst v63  }
0xab: {  	_ =	swait.ge [sflag:s16], $0x4000  }
0xac: {  	[sflag:s16] =	ssyncset.done $0x0  }
0xad: {  	[sflag:s16] =	ssyncadd.s32 $0xFFFFC000  }
0xae: {  	[tilespmem:s15], [sflag:$0x1] =	stream.indirect.gather [hbm4b:s1+s18], $0x80, s4, s18, $0xb8;
	[tilespmem:$0x1E400] =	vst v63  }
0xaf: {  	_ =	swait.ge [sflag:s21], $0x4000  }
0xb0: {  	[sflag:s21] =	ssyncset.done $0x0  }
0xb1: {  	[sflag:s21] =	ssyncadd.s32 $0xFFFFC000  }
0xb2: {  	[spmem:s2] =	stream.indirect.scatter.add.f32 [tilespmem:s19], [sflag:$0x3], $0x80, s23, s18, $0xb8;
	[tilespmem:$0x1E400] =	vst v63  }
0xb3: {  	_ =	swait.ge [sflag:s16], $0x4000  }
0xb4: {  	[sflag:s16] =	ssyncset.done $0x0  }
0xb5: {  	[sflag:s16] =	ssyncadd.s32 $0xFFFFC000  }
0xb6: {  	[tilespmem:s19], [sflag:$0x2] =	stream.indirect.gather [hbm4b:s1+s18], $0x80, s18, s18, $0xb8;
	[tilespmem:$0x1E400] =	vst v63  }
0xb7: {  	_ =	swait.ge [sflag:s20], $0x4000  }
0xb8: {  	[sflag:s20] =	ssyncset.done $0x0  }
0xb9: {  	[sflag:s20] =	ssyncadd.s32 $0xFFFFC000  }
0xba: {  	_ =	swait.ge [sflag:s21], $0x4000  }
0xbb: {  	s26 =	sshll.u32 s3, $0x6;
	s25 =	sadd.s32 $0x1, s25;
	[sflag:s21] =	ssyncset.done $0x0  }
0xbc: {  	s31 =	sshrl.u32 s5, $0x3;
	p0 =	sne.s32 s25, s10;
	[sflag:s21] =	ssyncadd.s32 $0xFFFFC000  }
.Ltmp3:
0xbd: {  	s26 =	sor.u32 $0x1C03, s26;
	[bflag:$0x0] =	sbarrier.arrive $0xFFFF;
	(pc) =	sbr.rel @p0 .LBB2_1-.Ltmp3, $4  }
0xbe: {  	[hbm:s24], [sflag:s26] =	dma.local [spmem:s31], $0x2780  }
0xbf: {  	_ =	swait.ge [sflag:s16], $0x2780  }
0xc0: {  	[sflag:s16] =	ssyncset.done $0x0  }
0xc1: {  	[sflag:s16] =	ssyncadd.s32 $0xFFFFD880  }
0xc2: {  	_ =	sfence.sel $0x180000  }
0xc3: {  	[bflag:$0x0] =	sbarrier.arrive $0xFFFF  }
0xc4: {  	p0 =	sne.s32 s3, $0x0;
	_ =	strace $0x9000004D  }
0xc5: {  	s0 =	sadd.s32 @!p0 $0x100000, s0;
	[bflag:$0x2] =	sbarrier.arrive $0xFFFF  }
0xc6: {  	[sflag:s0] =	ssyncadd.tile.s32 @!p0 $0x1;
	_ =	shalt  }
.Lfunc_end2:
_tile_overlayer_lowered:
.L_overlay_start_2:
0xc7: {  	(tag) =	ssettag $0x2  }
0xc8: {  	s0 =	rddreg [dreg:$0x0];
	s2 =	stileid.u32  }
0xc9: {  	s1 =	rddreg [dreg:$0x1];
	p0 =	sne.s32 s2, $0x0  }
0xca: {  	s3 =	rddreg [dreg:$0x2];
	[bflag:$0x3] =	sbarrier.arrive $0xFFFF;
	s2 =	simm.s32 @!p0 $0x1C03  }
0xcb: {  	[timem:s3], [sflag:s2] =	dma.local @!p0 [hbm:s0], s1  }
0xcc: {  	s0 =	simm.s32 @!p0 $0x3  }
0xcd: {  	_ =	swait.ge @!p0 [sflag:s0], s1  }
0xce: {  	s1 =	ssub.s32 @!p0 $0x0, s1;
	[sflag:s0] =	ssyncset.done @!p0 $0x0  }
0xcf: {  	[sflag:s0] =	ssyncadd.s32 @!p0 s1  }
0xd0: {  	[bflag:$0x3] =	sbarrier.arrive $0xFFFF  }
0xd1: {  	_ =	shalt  }

// kernel: kernel.9.cloned.1.call-start
scs
__scs_entry_jumppad:
0x0: {  	(pc) =	sbr.rel $0x88, $3  }
0x1: {  	(tag) =	ssettag $0x0;
	lr =	simm.s32 $0x1  }
0x2: {  	[smem:$0x3F97] =	sst lr;
	_ =	strace $0xD0000000  }
0x3: {  	_ = 	snop  }
0x4: {  	_ = 	snop  }
0x5: {  	_ = 	snop  }
0x6: {  	_ = 	snop  }
0x7: {  	_ = 	snop  }
__scs_overlays_trampoline_lowered:
0x8: {  	[smem:$0x3FA6] =	sst s0  }
0x9: {  	[smem:$0x3FA7] =	sst s1  }
0xa: {  	[smem:$0x3FA8] =	sst s2  }
0xb: {  	[smem:$0x3FA9] =	sst s3  }
0xc: {  	[smem:$0x3FAA] =	sst s4  }
0xd: {  	[smem:$0x3FAB] =	sst s5  }
0xe: {  	[smem:$0x3FAC] =	sst s6  }
0xf: {  	[smem:$0x3FAD] =	sst s7  }
0x10: {  	[smem:$0x3FAE] =	sst s8  }
0x11: {  	[smem:$0x3FAF] =	sst s9;
	s0 =	simm.s32 @!p0 $0x0  }
0x12: {  	s1 =	sld [smem:$0x3F95];
	s0 =	simm.s32 @p0 $0x1  }
0x13: {  	[smem:$0x3FB0] =	sst s0;
	s0 =	simm.s32 @!p1 $0x0  }
0x14: {  	s2 =	sld [smem:$0x3F94];
	s0 =	simm.s32 @p1 $0x1  }
0x15: {  	[smem:$0x3FB1] =	sst s0;
	s0 =	simm.s32 @!p2 $0x0  }
0x16: {  	s3 =	sld [smem:$0x3FDB];
	s0 =	simm.s32 @p2 $0x1  }
0x17: {  	s4 =	simm.s32 $0x1BF5;
	[smem:$0x3FB3] =	sst s0  }
0x18: {  	s0 =	sld [smem:$0x3F96];
	_ =	swait.ge [sflag:s4], $0x0  }
0x19: {  	s7 =	sld [smem:$0x3F97]  }
0x1a: {  	s8 =	sadd.s32 $0xFFFFE003, lr  }
0x1b: {  	s9 =	sadd.s32 $0xFFFFFEF7, lr;
	s5 =	simm.s32 $0xFFFFFFFF;
	p2 =	slt.u32 s8, $0xFFFFF086  }
0x1c: {  	p1 =	slt.u32 s9, $0xF7A;
	s5 =	simm.s32 @!p2 $0x0  }
0x1d: {  	s5 =	simm.s32 @p1 $0x1;
	p0 =	seq.s32 s7, s2  }
0x1e: {  	s7 =	smul.u32 @!p0 $0xF7A, s2;
	p2 =	seq.s32 @!p0 s5, $0x0  }
0x1f: {  	s9 =	smul.u32 $0xF7A, s1;
	s8 =	simm.s32 @!p0 $0x1BF5;
	p2 =	por !p2, p0  }
0x20: {  	[sflag:s8] =	ssyncset.s32 @!p0 $0xFFFFF086;
	s6 =	sadd.s32 @!p0 s3, s7;
	s7 =	simm.s32 @!p0 $0x108  }
0x21: {  	s3 =	sadd.s32 s3, s9;
	s6 =	sadd.s32 @!p0 $0x88, s6;
	s7 =	simm.s32 @p2 $0x1082  }
0x22: {  	[simem:s7], [sflag:s8] =	dma.local @!p0 [hbm:s6], $0xF7A  }
0x23: {  	s9 =	sor.u32 $0xD0000000, s2;
	s6 =	simm.s32 $0x108;
	_ =	swait.ge @!p0 [sflag:s8], $0x0  }
0x24: {  	s3 =	sadd.s32 $0x88, s3;
	s6 =	simm.s32 @!p1 $0x1082;
	[sflag:s4] =	ssyncset.s32 $0xFFFFF086  }
0x25: {  	[simem:s6], [sflag:s4] =	dma.local [hbm:s3], $0xF7A  }
0x26: {  	[smem:$0x3F97] =	sst s1;
	(tag) =	ssettag s2;
	_ =	strace s9  }
0x27: {  	s1 =	sld [smem:$0x3FA7]  }
0x28: {  	s2 =	sld [smem:$0x3FA8]  }
0x29: {  	s4 =	sld [smem:$0x3FAA]  }
0x2a: {  	p0 =	seq.s32 s5, $0x0;
	s5 =	sld [smem:$0x3FAB]  }
0x2b: {  	s6 =	sld [smem:$0x3FAC]  }
0x2c: {  	s7 =	sld [smem:$0x3FAD]  }
0x2d: {  	s3 =	simm.s32 $0x108;
	s8 =	sld [smem:$0x3FAE]  }
0x2e: {  	s3 =	simm.s32 @!p0 $0x1082;
	s9 =	sld [smem:$0x3FAF]  }
0x2f: {  	lr =	sadd.s32 s0, s3;
	s0 =	sld [smem:$0x3FA6]  }
0x30: {  	s3 =	sld [smem:$0x3FA9]  }
0x31: {  	[smem:$0x3FB2] =	sst s10  }
0x32: {  	s10 =	sld [smem:$0x3FB0];
	_ =	sdelay $0x3  }
0x33: {  	p0 =	seq.s32 s10, $0x1;
	s10 =	sld [smem:$0x3FB2];
	_ =	sdelay $0x3  }
0x34: {  	[smem:$0x3FB2] =	sst s10  }
0x35: {  	s10 =	sld [smem:$0x3FB1];
	_ =	sdelay $0x3  }
0x36: {  	p1 =	seq.s32 s10, $0x1;
	s10 =	sld [smem:$0x3FB2];
	_ =	sdelay $0x3  }
0x37: {  	[smem:$0x3FB2] =	sst s10  }
0x38: {  	s10 =	sld [smem:$0x3FB3]  }
0x39: {  	_ = 	snop;
	(pc) =	sbr.ind lr, $3  }
0x3a: {  	_ = 	snop  }
0x3b: {  	_ = 	snop  }
0x3c: {  	p2 =	seq.s32 s10, $0x1;
	s10 =	sld [smem:$0x3FB2]  }
0x3d: {  	_ =	shalt  }
0x3e: {  	_ =	shalt  }
0x3f: {  	_ =	shalt  }
0x40: {  	_ =	shalt  }
0x41: {  	_ =	shalt  }
0x42: {  	_ =	shalt  }
0x43: {  	_ =	shalt  }
0x44: {  	_ =	shalt  }
0x45: {  	_ =	shalt  }
0x46: {  	_ =	shalt  }
0x47: {  	_ =	shalt  }
0x48: {  	_ =	shalt  }
0x49: {  	_ =	shalt  }
0x4a: {  	_ =	shalt  }
0x4b: {  	_ =	shalt  }
0x4c: {  	_ =	shalt  }
0x4d: {  	_ =	shalt  }
0x4e: {  	_ =	shalt  }
0x4f: {  	_ =	shalt  }
0x50: {  	_ =	shalt  }
0x51: {  	_ =	shalt  }
0x52: {  	_ =	shalt  }
0x53: {  	_ =	shalt  }
0x54: {  	_ =	shalt  }
0x55: {  	_ =	shalt  }
0x56: {  	_ =	shalt  }
0x57: {  	_ =	shalt  }
0x58: {  	_ =	shalt  }
0x59: {  	_ =	shalt  }
0x5a: {  	_ =	shalt  }
0x5b: {  	_ =	shalt  }
0x5c: {  	_ =	shalt  }
0x5d: {  	_ =	shalt  }
0x5e: {  	_ =	shalt  }
0x5f: {  	_ =	shalt  }
0x60: {  	_ =	shalt  }
0x61: {  	_ =	shalt  }
0x62: {  	_ =	shalt  }
0x63: {  	_ =	shalt  }
0x64: {  	_ =	shalt  }
0x65: {  	_ =	shalt  }
0x66: {  	_ =	shalt  }
0x67: {  	_ =	shalt  }
0x68: {  	_ =	shalt  }
0x69: {  	_ =	shalt  }
0x6a: {  	_ =	shalt  }
0x6b: {  	_ =	shalt  }
0x6c: {  	_ =	shalt  }
0x6d: {  	_ =	shalt  }
0x6e: {  	_ =	shalt  }
0x6f: {  	_ =	shalt  }
0x70: {  	_ =	shalt  }
0x71: {  	_ =	shalt  }
0x72: {  	_ =	shalt  }
0x73: {  	_ =	shalt  }
0x74: {  	_ =	shalt  }
0x75: {  	_ =	shalt  }
0x76: {  	_ =	shalt  }
0x77: {  	_ =	shalt  }
0x78: {  	_ =	shalt  }
0x79: {  	_ =	shalt  }
0x7a: {  	_ =	shalt  }
0x7b: {  	_ =	shalt  }
0x7c: {  	_ =	shalt  }
0x7d: {  	_ =	shalt  }
0x7e: {  	_ =	shalt  }
0x7f: {  	_ =	shalt  }
0x80: {  	_ =	shalt  }
0x81: {  	_ =	shalt  }
0x82: {  	_ =	shalt  }
0x83: {  	_ =	shalt  }
0x84: {  	_ =	shalt  }
0x85: {  	_ =	shalt  }
0x86: {  	_ =	shalt  }
0x87: {  	_ =	shalt  }
.Lfunc_end0:
.L_simem_size_0:
called_computation_lowered:
.L_overlay_start_0:
0x88: {  	s2 =	sld [smem:$0x3FD9]  }
0x89: {  	s3 =	sld [smem:$0x3FFE];
	_ =	sdelay $0x1  }
0x8a: {  	s1 =	srdreg.scid  }
0x8b: {  	s0 =	sand.u32 $0x1, s1  }
0x8c: {  	s16 =	sshll.u32 s0, $0xA;
	s2 =	sadd.s32 s3, s2  }
0x8d: {  	s2 =	sadd.s32 s2, s16  }
0x8e: {  	[smem:$0x3FBE] =	sst s2  }
0x8f: {  	_ = 	snop  }
0x90: {  	(tm) =	ssettm $0x1  }
0x91: {  	s17 =	sld [smem:$0x3FFB];
	_ =	sdelay $0x3  }
0x92: {  	_ =	strace s17  }
0x93: {  	s2 =	sld [smem:$0x3FFC];
	_ =	sdelay $0x3  }
0x94: {  	_ =	strace s2  }
0x95: {  	s2 =	sld [smem:$0x3FFD];
	_ =	sdelay $0x3  }
0x96: {  	_ =	strace s2  }
0x97: {  	_ =	strace $0x8FFFFFFF  }
0x98: {  	s18 =	sld [smem:$0x3FDB];
	_ =	sdelay $0x1  }
0x99: {  	s19 =	simm.s32 $_scs_section_size  }
0x9a: {  	s4 =	simm.s32 $_size__tile_overlayer_lowered;
	s5 =	simm.s32 $_tile_overlayer_lowered  }
0x9b: {  	s22 =	simm.s32 $0x1BFF;
	s21 =	sshll.u32 s5, $0x1;
	s2 =	sadd.s32 s19, s18  }
0x9c: {  	s6 =	simm.s32 $0x0;
	s20 =	sshll.u32 s4, $0x1;
	s4 =	sadd.s32 s21, s2  }
0x9d: {  	[timem:s6], [sflag:s22] =	dma.local [hbm:s4], s20  }
0x9e: {  	_ =	swait.ge [sflag:s22], s20  }
0x9f: {  	s3 =	ssub.s32 $0x0, s20;
	[sflag:s22] =	ssyncset.done $0x0  }
0xa0: {  	[sflag:s22] =	ssyncadd.s32 s3;
	_ =	sdelay $0x1  }
0xa1: {  	s23 =	simm.s32 $0x1B8B  }
0xa2: {  	_ =	swait.ge [sflag:s23], $0x1  }
0xa3: {  	[sflag:s23] =	ssyncset.done $0x0  }
0xa4: {  	s25 =	simm.s32 $0x1B8E;
	s24 =	sld [smem:$0x3FFE];
	[sflag:s23] =	ssyncadd.s32 $0xFFFFFFFF  }
0xa5: {  	s26 =	simm.s32 $execute0_lowered;
	[smem:$0x3FD2] =	sst s25  }
0xa6: {  	s4 =	sshll.u32 s26, $0x1;
	_ =	strace $0x80000046;
	[dreg:$0x1] =	wrdreg $0xFFFFFFFF  }
0xa7: {  	s28 =	simm.s32 $_size_execute0_lowered;
	s2 =	sadd.s32 s2, s4;
	[dreg:$0x0] =	wrdreg $0x0  }
0xa8: {  	s4 =	sshll.u32 s28, $0x1;
	[dreg:$0x2] =	wrdreg s2  }
0xa9: {  	[dreg:$0x3] =	wrdreg s4  }
0xaa: {  	[dreg:$0x4] =	wrdreg $0xC0  }
0xab: {  	_ =	task [dreg:s6], $0x5FFFF  }
0xac: {  	[dreg:$0x1] =	wrdreg $0xFFFFFFFF  }
0xad: {  	[dreg:$0x0] =	wrdreg $0x60  }
0xae: {  	[dreg:$0x2] =	wrdreg s24  }
0xaf: {  	[dreg:$0x3] =	wrdreg $0xA8000  }
0xb0: {  	[dreg:$0x4] =	wrdreg $0x9  }
0xb1: {  	_ =	task.clear_ibuf [dreg:s6], $0x5FFFF;
	_ =	strace $0x90000046  }
0xb2: {  	s29 =	simm.s32 $0x9;
	_ =	strace $0x80000048  }
0xb3: {  	_ =	swait.ge [sflag:s29], $0x1  }
0xb4: {  	[sflag:s29] =	ssyncadd.s32 $0xFFFFFFFF  }
0xb5: {  	_ =	strace $0x90000048  }
0xb6: {  	_ =	sfence  }
0xb7: {  	s30 =	sld [smem:$0x0];
	_ =	sdelay $0x2  }
0xb8: {  	s31 =	sshll.u32 s1, $0xD;
	s1 =	sshrl.u32 s1, $0x2  }
0xb9: {  	s3 =	sand.u32 $0x4000, s31;
	s1 =	sadd.s32 s1, s30  }
0xba: {  	s0 =	sor.u32 s3, s0;
	s1 =	sshll.u32 s1, $0x11  }
0xbb: {  	s0 =	sor.u32 s1, s0  }
0xbc: {  	s0 =	sadd.s32 $0x8F2B, s0  }
0xbd: {  	[sflag:s0] =	ssyncadd.remote.s32 $0x1  }
0xbe: {  	_ =	sfence.sel $0xFFFF  }
0xbf: {  	[dreg:$0x0] =	wrdreg $0xFFFFFFFF;
	(pc) =	sbr.abs _section_cstart, $3  }
0xc0: {  	[dreg:$0x1] =	wrdreg $0xFFFFFFFF  }
0xc1: {  	_ =	task.clear_ibuf [dreg:s6], $0x2FFFF;
	_ =	strace $0x9FFFFFFF  }
0xc2: {  	(tm) =	ssettm $0x7FFFFFFF  }
0xc3: {  	_ =	shalt  }
tec
execute0_lowered:
.L_overlay_start_1:
0x0: {  	(tag) =	ssettag $0x1  }
0x1: {  	s5 =	rddreg [dreg:$0x0]  }
0x2: {  	s1 =	rddreg [dreg:$0x1]  }
0x3: {  	s2 =	srdreg.scid;
	s0 =	rddreg [dreg:$0x2]  }
0x4: {  	s3 =	simm.s32 $0x0;
	s4 =	sand.u32 $0x1, s2;
	s2 =	stileid.u32  }
0x5: {  	s13 =	simm.s32 $0x80;
	s14 =	simm.s32 $0x2800;
	s7 =	smul.u32 $0x4F000, s2  }
0x6: {  	[smem:$0x7FF] =	sst s3;
	s6 =	sshll.u32 s4, $0x4;
	s8 =	smul.u32 $0x27800, s4  }
0x7: {  	_ =	strace $0x80000047;
	s9 =	ssub.s32 $0x2, s4;
	s16 =	smul.u32 $0x2780, s2  }
0x8: {  	s17 =	sshll.u32 s2, $0x6;
	s6 =	sor.u32 s2, s6;
	s31 =	sshrl.u32 s9, $0x1  }
0x9: {  	s6 =	smul.u32 $0x500, s6;
	s30 =	sshrl.u32 s7, $0x2;
	s11 =	sadd.s32 s8, s5  }
0xa: {  	s12 =	ssub.s32 s9, s31;
	s4 =	sadd.s32 s30, s1;
	s15 =	sadd.s32 $0x17400, s11  }
0xb: {  	s11 =	simm.s32 $0x6800;
	s10 =	sadd.s32 s6, s5;
	s5 =	sadd.s32 $0x4000, s4  }
0xc: {  	s6 =	sadd.s32 $0x8000, s4;
	s7 =	sadd.s32 $0xC000, s4;
	s8 =	sadd.s32 $0x10000, s4  }
0xd: {  	s15 =	sadd.s32 s16, s15;
	s16 =	sor.u32 $0x1C01, s17;
	s17 =	sshrl.u32 s4, $0x3  }
0xe: {  	v0 =	vimm.f32 $0.0e+00;
	v1 =	vimm.f32 $1.000000000e+00;
	s9 =	sadd.s32 $0xD400, s10;
	s10 =	smax.u32 s12, $0x1;
	s12 =	simm.s32 $0x1  }
.LBB2_1:
0xf: {  	s18 =	simm.s32 $0x0;
	s19 =	simm.s32 $0x200  }
.LBB2_2:
0x10: {  	p0 =	sne.s32 s19, $0xFE00;
	[tilespmem:s18+$0x6870] =	vst v0  }
0x11: {  	[tilespmem:s18+$0x6800] =	vst v0  }
0x12: {  	[tilespmem:s18+$0x6810] =	vst v0  }
.Ltmp0:
0x13: {  	[tilespmem:s18+$0x6820] =	vst v0;
	(pc) =	sbr.rel @p0 .LBB2_2-.Ltmp0, $4  }
0x14: {  	[tilespmem:s18+$0x6830] =	vst v0  }
0x15: {  	[tilespmem:s18+$0x6840] =	vst v0  }
0x16: {  	[tilespmem:s18+$0x6850] =	vst v0  }
0x17: {  	[tilespmem:s18+$0x6860] =	vst v0;
	s18 =	sshra.s32 s19, $0x2;
	s19 =	sadd.s32 $0x200, s19  }
0x18: {  	[tilespmem:s18+$0x6870] =	vst v0  }
0x19: {  	[tilespmem:s18+$0x6800] =	vst v0  }
0x1a: {  	[tilespmem:s18+$0x6810] =	vst v0  }
0x1b: {  	[tilespmem:s18+$0x6820] =	vst v0  }
0x1c: {  	[tilespmem:s18+$0x6830] =	vst v0  }
0x1d: {  	[tilespmem:s18+$0x6840] =	vst v0  }
0x1e: {  	[tilespmem:s18+$0x6850] =	vst v0  }
0x1f: {  	[tilespmem:s18+$0x6860] =	vst v0;
	s18 =	simm.s32 $0x0;
	s19 =	simm.s32 $0x200  }
.LBB2_4:
0x20: {  	p0 =	sne.s32 s19, $0xFE00;
	[tilespmem:s18+$0x2870] =	vst v1  }
0x21: {  	[tilespmem:s18+$0x2800] =	vst v1  }
0x22: {  	[tilespmem:s18+$0x2810] =	vst v1  }
.Ltmp1:
0x23: {  	[tilespmem:s18+$0x2820] =	vst v1;
	(pc) =	sbr.rel @p0 .LBB2_4-.Ltmp1, $4  }
0x24: {  	[tilespmem:s18+$0x2830] =	vst v1  }
0x25: {  	[tilespmem:s18+$0x2840] =	vst v1  }
0x26: {  	[tilespmem:s18+$0x2850] =	vst v1  }
0x27: {  	[tilespmem:s18+$0x2860] =	vst v1;
	s18 =	sshra.s32 s19, $0x2;
	s19 =	sadd.s32 $0x200, s19  }
0x28: {  	[tilespmem:s18+$0x2870] =	vst v1  }
0x29: {  	[tilespmem:s18+$0x2800] =	vst v1  }
0x2a: {  	[tilespmem:s18+$0x2810] =	vst v1  }
0x2b: {  	[tilespmem:s18+$0x2820] =	vst v1  }
0x2c: {  	[tilespmem:s18+$0x2830] =	vst v1  }
0x2d: {  	[tilespmem:s18+$0x2840] =	vst v1  }
0x2e: {  	[tilespmem:s18+$0x2850] =	vst v1  }
0x2f: {  	[tilespmem:s18+$0x2860] =	vst v1  }
0x30: {  	[spmem:s4] =	stream.linear.scatter [tilespmem:s11], [sflag:$0x1], $0x4000, $0x38;
	[tilespmem:$0x1E400] =	vst v63  }
0x31: {  	_ =	swait.ge [sflag:s12], $0x4000  }
0x32: {  	[sflag:s12] =	ssyncset.done $0x0  }
0x33: {  	[sflag:s12] =	ssyncadd.s32 $0xFFFFC000  }
0x34: {  	[spmem:s5] =	stream.linear.scatter [tilespmem:s11], [sflag:$0x1], $0x4000, $0x38;
	[tilespmem:$0x1E400] =	vst v63  }
0x35: {  	_ =	swait.ge [sflag:s12], $0x4000  }
0x36: {  	[sflag:s12] =	ssyncset.done $0x0  }
0x37: {  	[sflag:s12] =	ssyncadd.s32 $0xFFFFC000  }
0x38: {  	[spmem:s6] =	stream.linear.scatter [tilespmem:s11], [sflag:$0x1], $0x4000, $0x38;
	[tilespmem:$0x1E400] =	vst v63  }
0x39: {  	_ =	swait.ge [sflag:s12], $0x4000  }
0x3a: {  	[sflag:s12] =	ssyncset.done $0x0  }
0x3b: {  	[sflag:s12] =	ssyncadd.s32 $0xFFFFC000  }
0x3c: {  	[spmem:s7] =	stream.linear.scatter [tilespmem:s11], [sflag:$0x1], $0x4000, $0x38;
	[tilespmem:$0x1E400] =	vst v63  }
0x3d: {  	_ =	swait.ge [sflag:s12], $0x4000  }
0x3e: {  	[sflag:s12] =	ssyncset.done $0x0  }
0x3f: {  	[sflag:s12] =	ssyncadd.s32 $0xFFFFC000  }
0x40: {  	[spmem:s8] =	stream.linear.scatter [tilespmem:s11], [sflag:$0x1], $0x3C00, $0x38;
	[tilespmem:$0x1E400] =	vst v63  }
0x41: {  	_ =	swait.ge [sflag:s12], $0x3C00  }
0x42: {  	[sflag:s12] =	ssyncset.done $0x0  }
0x43: {  	s30 =	simm.s32 $0x0;
	[sflag:s12] =	ssyncadd.s32 $0xFFFFC400  }
0x44: {  	[tilespmem:s30], [sflag:$0x1] =	stream.linear.gather [hbm4b:s9+s30], $0x2800, $0x38;
	[tilespmem:$0x1E400] =	vst v63  }
0x45: {  	_ =	swait.ge [sflag:s12], $0x2800  }
0x46: {  	[sflag:s12] =	ssyncset.done $0x0  }
0x47: {  	[sflag:s12] =	ssyncadd.s32 $0xFFFFD800  }
0x48: {  	s31 =	simm.s32 $0x0;
	[bflag:$0x0] =	sbarrier.arrive $0xFFFF  }
0x49: {  	[spmem:s1] =	stream.indirect.scatter.add.f32 [tilespmem:s14], [sflag:$0x1], $0x80, s31, s13, $0xb8;
	[tilespmem:$0x1E400] =	vst v63  }
0x4a: {  	_ =	swait.ge [sflag:s12], $0x4000  }
0x4b: {  	s18 =	simm.s32 $0x200;
	[sflag:s12] =	ssyncset.done $0x0  }
.LBB2_6:
0x4c: {  	s19 =	sshra.s32 s18, $0x2;
	[sflag:s12] =	ssyncadd.s32 $0xFFFFC000;
	p0 =	sne.s32 s18, $0x9E00  }
0x4d: {  	[spmem:s1] =	stream.indirect.scatter.add.f32 [tilespmem:s14], [sflag:$0x1], $0x80, s19, s13, $0xb8;
	[tilespmem:$0x1E400] =	vst v63  }
.Ltmp2:
0x4e: {  	_ = 	snop;
	(pc) =	sbr.rel @p0 .LBB2_6-.Ltmp2, $4  }
0x4f: {  	_ = 	snop  }
0x50: {  	s18 =	sadd.s32 $0x200, s18  }
0x51: {  	_ =	swait.ge [sflag:s12], $0x4000  }
0x52: {  	[sflag:s12] =	ssyncset.done $0x0  }
0x53: {  	s3 =	sadd.s32 $0x1, s3  }
0x54: {  	[sflag:s12] =	ssyncadd.s32 $0xFFFFC000;
	p0 =	sne.s32 s3, s10  }
.Ltmp3:
0x55: {  	[bflag:$0x0] =	sbarrier.arrive $0xFFFF;
	(pc) =	sbr.rel @p0 .LBB2_1-.Ltmp3, $4  }
0x56: {  	[hbm:s15], [sflag:s16] =	dma.local [spmem:s17], $0x2780  }
0x57: {  	_ =	swait.ge [sflag:s12], $0x2780  }
0x58: {  	[sflag:s12] =	ssyncset.done $0x0  }
0x59: {  	[sflag:s12] =	ssyncadd.s32 $0xFFFFD880  }
0x5a: {  	_ =	sfence.sel $0x180000  }
0x5b: {  	[bflag:$0x0] =	sbarrier.arrive $0xFFFF  }
0x5c: {  	p0 =	sne.s32 s2, $0x0;
	_ =	strace $0x90000047  }
0x5d: {  	s0 =	sadd.s32 @!p0 $0x100000, s0;
	[bflag:$0x2] =	sbarrier.arrive $0xFFFF  }
0x5e: {  	[sflag:s0] =	ssyncadd.tile.s32 @!p0 $0x1;
	_ =	shalt  }
.Lfunc_end2:
_tile_overlayer_lowered:
.L_overlay_start_2:
0x5f: {  	(tag) =	ssettag $0x2  }
0x60: {  	s0 =	rddreg [dreg:$0x0];
	s2 =	stileid.u32  }
0x61: {  	s1 =	rddreg [dreg:$0x1];
	p0 =	sne.s32 s2, $0x0  }
0x62: {  	s3 =	rddreg [dreg:$0x2];
	[bflag:$0x3] =	sbarrier.arrive $0xFFFF;
	s2 =	simm.s32 @!p0 $0x1C01  }
0x63: {  	[timem:s3], [sflag:s2] =	dma.local @!p0 [hbm:s0], s1  }
0x64: {  	s0 =	simm.s32 @!p0 $0x1  }
0x65: {  	_ =	swait.ge @!p0 [sflag:s0], s1  }
0x66: {  	s1 =	ssub.s32 @!p0 $0x0, s1;
	[sflag:s0] =	ssyncset.done @!p0 $0x0  }
0x67: {  	[sflag:s0] =	ssyncadd.s32 @!p0 s1  }
0x68: {  	[bflag:$0x3] =	sbarrier.arrive $0xFFFF  }
0x69: {  	_ =	shalt  }

</sc_bundles>
